<compile_context>
chip_gen: v7x
topology: tpu7x:2x2x1
jax: 0.10.2.dev20260603
libtpu: 0.0.44.dev20260713+nightly
codegen_flags: <defaults>
</compile_context>

<pallas_src>
import jax
import jax.numpy as jnp
from jax import lax
from jax.experimental import pallas as pl
from jax.experimental.pallas import tpu as pltpu
from jax.experimental.pallas import tpu_sc as plsc

OUT_H = 224
OUT_W = 224
N = OUT_H * OUT_W
B = 4
C = 96
H = 384
W = 384
HW = H * W

NW = 32
S_PER_W = (B * N) // NW
CHUNK = 128
NCHUNK = S_PER_W // CHUNK
W_PER_B = N // S_PER_W
LANES = 16
GROUPS = CHUNK // LANES
C4 = 4 * C


BROWS = (B * HW) // NW
BBLK = 128
NBBLK = BROWS // BBLK
PAD = 512
_OFFS = (0, 1, W, W + 1)


def _build_body(tblp, table4, stag, sem):
  wid = lax.axis_index("s") * 2 + lax.axis_index("c")
  base = wid * BROWS

  def fire(bi, s):
    r0 = base + bi * BBLK
    for k, off in enumerate(_OFFS):
      pltpu.async_copy(
          tblp.at[pl.ds(r0 + off, BBLK), :],
          stag.at[s, :, pl.ds(k * C, C)],
          sem,
      )

  fire(0, 0)

  def blk_body(bi, _):
    s = bi & 1
    r0 = base + bi * BBLK
    for k, off in enumerate(_OFFS):
      pltpu.make_async_copy(
          tblp.at[pl.ds(r0 + off, BBLK), :],
          stag.at[s, :, pl.ds(k * C, C)],
          sem,
      ).wait()

    @pl.when(bi + 1 < NBBLK)
    def _():
      fire(bi + 1, 1 - s)

    pltpu.sync_copy(stag.at[s], table4.at[pl.ds(r0, BBLK), :])
    return 0

  lax.fori_loop(0, NBBLK, blk_body, 0)


def _sc_body(table, xs, ys, thetab, out,
             xsv, ysv, thv, idx_v,
             w_a, w_b, w_c, w_d,
             rows, outv, sem, sem_out):
  wid = lax.axis_index("s") * 2 + lax.axis_index("c")
  bb = wid // W_PER_B
  nb = (wid % W_PER_B) * S_PER_W
  base_row = bb * HW
  gb0 = bb * N + nb

  pltpu.sync_copy(thetab.at[bb], thv)
  t0 = thv[0, :]
  t1 = thv[1, :]
  t2 = thv[2, :]
  t3 = thv[3, :]
  t4 = thv[4, :]
  t5 = thv[5, :]

  lane = lax.iota(jnp.int32, LANES)
  zero = jnp.zeros((LANES,), jnp.float32)

  def coords_and_fire(ci, s):
    nbase = nb + ci * CHUNK
    pltpu.sync_copy(xs.at[pl.ds(nbase, CHUNK)], xsv)
    pltpu.sync_copy(ys.at[pl.ds(nbase, CHUNK)], ysv)

    def coord_body(g, _):
      gs = g * LANES
      xg = xsv[pl.ds(gs, LANES)]
      yg = ysv[pl.ds(gs, LANES)]
      px = (t0 * xg + t1 * yg + t2 + 1.0) * (0.5 * W)
      py = (t3 * xg + t4 * yg + t5 + 1.0) * (0.5 * H)
      xt = px.astype(jnp.int32)
      x0 = jnp.where(xt.astype(jnp.float32) > px, xt - 1, xt)
      yt = py.astype(jnp.int32)
      y0 = jnp.where(yt.astype(jnp.float32) > py, yt - 1, yt)
      x0c = jnp.clip(x0, 0, W - 1)
      x1c = jnp.clip(x0 + 1, 0, W - 1)
      y0c = jnp.clip(y0, 0, H - 1)
      y1c = jnp.clip(y0 + 1, 0, H - 1)
      idx_v[pl.ds(gs, LANES)] = y0c * W + x0c + base_row
      x0f = x0c.astype(jnp.float32)
      x1f = x1c.astype(jnp.float32)
      y0f = y0c.astype(jnp.float32)
      y1f = y1c.astype(jnp.float32)
      wa = (x1f - px) * (y1f - py)
      wb = (x1f - px) * (py - y0f)
      wc = (px - x0f) * (y1f - py)
      wd = (px - x0f) * (py - y0f)
      xeq = x1c == x0c
      yeq = y1c == y0c
      wa = wa + jnp.where(xeq, wc, zero)
      wc = jnp.where(xeq, zero, wc)
      wb = wb + jnp.where(xeq, wd, zero)
      wd = jnp.where(xeq, zero, wd)
      wa = wa + jnp.where(yeq, wb, zero)
      wb = jnp.where(yeq, zero, wb)
      wc = wc + jnp.where(yeq, wd, zero)
      wd = jnp.where(yeq, zero, wd)
      w_a[s, pl.ds(gs, LANES)] = wa
      w_b[s, pl.ds(gs, LANES)] = wb
      w_c[s, pl.ds(gs, LANES)] = wc
      w_d[s, pl.ds(gs, LANES)] = wd
      return 0

    lax.fori_loop(0, GROUPS, coord_body, 0)
    pltpu.async_copy(table.at[idx_v], rows.at[s], sem)

  coords_and_fire(0, 0)

  def chunk_body(ci, _):
    s = ci & 1
    sn = 1 - s
    gbase = gb0 + ci * CHUNK

    pltpu.make_async_copy(table.at[idx_v], rows.at[s], sem).wait()

    @pl.when(ci + 1 < NCHUNK)
    def _():
      coords_and_fire(ci + 1, sn)

    @pl.when(ci >= 2)
    def _():
      pltpu.make_async_copy(
          outv.at[s], out.at[bb, :, pl.ds(nb, CHUNK)], sem_out
      ).wait()

    sv = jnp.full((LANES,), s, jnp.int32)
    cols = [cb * LANES + lane for cb in range(C // LANES)]

    @plsc.parallel_loop(0, CHUNK, step=1, unroll=4)
    def sample_body(smp):
      smpv = jnp.full((LANES,), smp, jnp.int32)
      wav = plsc.load_gather(w_a, [sv, smpv])
      wbv = plsc.load_gather(w_b, [sv, smpv])
      wcv = plsc.load_gather(w_c, [sv, smpv])
      wdv = plsc.load_gather(w_d, [sv, smpv])
      for cb in range(C // LANES):
        co = cb * LANES
        va = rows[s, smp, pl.ds(co, LANES)]
        vc = rows[s, smp, pl.ds(co + C, LANES)]
        vb = rows[s, smp, pl.ds(co + 2 * C, LANES)]
        vd = rows[s, smp, pl.ds(co + 3 * C, LANES)]
        acc = ((wav * va + wbv * vb) + wcv * vc) + wdv * vd
        plsc.store_scatter(outv, [sv, cols[cb], smpv], acc)

    nbase = nb + ci * CHUNK
    pltpu.async_copy(outv.at[s], out.at[bb, :, pl.ds(nbase, CHUNK)], sem_out)
    return 0

  lax.fori_loop(0, NCHUNK, chunk_body, 0)

  pltpu.make_async_copy(
      outv.at[0], out.at[bb, :, pl.ds(nb, CHUNK)], sem_out
  ).wait()
  pltpu.make_async_copy(
      outv.at[1], out.at[bb, :, pl.ds(nb, CHUNK)], sem_out
  ).wait()


@jax.jit
def kernel(X, affine_transformation):
  tblp = jnp.pad(
      jnp.transpose(X, (0, 2, 3, 1)).reshape(B * HW, C), ((0, PAD), (0, 0))
  )

  mesh = plsc.VectorSubcoreMesh(core_axis_name="c", subcore_axis_name="s")
  build = pl.kernel(
      _build_body,
      out_type=jax.ShapeDtypeStruct((B * HW, C4), jnp.float32),
      mesh=mesh,
      compiler_params=pltpu.CompilerParams(
          needs_layout_passes=False, use_tc_tiling_on_sc=False
      ),
      scratch_types=[
          pltpu.VMEM((2, BBLK, C4), jnp.float32),
          pltpu.SemaphoreType.DMA,
      ],
  )
  table = build(tblp)
  thetab = jnp.broadcast_to(
      lax.reduce_precision(
          affine_transformation.astype(jnp.float32), 8, 7
      ).reshape(B, 6, 1),
      (B, 6, LANES),
  )

  x_lin = jnp.linspace(-1.0, 1.0, OUT_W, dtype=jnp.float32)
  y_lin = jnp.linspace(-1.0, 1.0, OUT_H, dtype=jnp.float32)
  xc, yc = jnp.meshgrid(x_lin, y_lin, indexing="ij")
  xs = lax.reduce_precision(xc.reshape(-1), 8, 7)
  ys = lax.reduce_precision(yc.reshape(-1), 8, 7)

  mesh = plsc.VectorSubcoreMesh(core_axis_name="c", subcore_axis_name="s")
  grid_sample = pl.kernel(
      _sc_body,
      out_type=jax.ShapeDtypeStruct((B, C, N), jnp.float32),
      mesh=mesh,
      compiler_params=pltpu.CompilerParams(
          needs_layout_passes=False, use_tc_tiling_on_sc=False
      ),
      scratch_types=[
          pltpu.VMEM((CHUNK,), jnp.float32),
          pltpu.VMEM((CHUNK,), jnp.float32),
          pltpu.VMEM((6, LANES), jnp.float32),
          pltpu.VMEM((CHUNK,), jnp.int32),
          pltpu.VMEM((2, CHUNK), jnp.float32),
          pltpu.VMEM((2, CHUNK), jnp.float32),
          pltpu.VMEM((2, CHUNK), jnp.float32),
          pltpu.VMEM((2, CHUNK), jnp.float32),
          pltpu.VMEM((2, CHUNK, C4), jnp.float32),
          pltpu.VMEM((2, C, CHUNK), jnp.float32),
          pltpu.SemaphoreType.DMA,
          pltpu.SemaphoreType.DMA,
      ],
  )
  return grid_sample(table, xs, ys, thetab)

# --- scband reference (transcript-rebuilt; emitter-appended) ---
"""Pipeline reference for scband-bilinear-interpolation-91225105367442 (READ-ONLY COPY).

The authoritative reference and input builder live on the scoring server;
editing this copy changes nothing except your own understanding.
"""

import jax, jax.numpy as jnp
import numpy as np

OUT_H, OUT_W = 224, 224


def _make_regular_grids(batch_size, height, width):
    x_linspace = jnp.linspace(-1.0, 1.0, width, dtype=jnp.float32)
    y_linspace = jnp.linspace(-1.0, 1.0, height, dtype=jnp.float32)
    # torch.meshgrid default is 'ij' indexing
    x_coordinates, y_coordinates = jnp.meshgrid(x_linspace, y_linspace, indexing='ij')
    x_coordinates = x_coordinates.reshape(-1)
    y_coordinates = y_coordinates.reshape(-1)
    ones = jnp.ones_like(x_coordinates)
    grid = jnp.stack([x_coordinates, y_coordinates, ones], axis=0)  # [3, N]
    grid = jnp.broadcast_to(grid[None, :, :], (batch_size, 3, grid.shape[1]))
    return grid


def _interpolate(image, sampled_grids):
    batch_size, num_channels, height, width = image.shape
    x = (sampled_grids[:, 0, :] + 1.0) * width * 0.5
    y = (sampled_grids[:, 1, :] + 1.0) * height * 0.5
    x0 = jnp.floor(x).astype(jnp.int32)
    x1 = x0 + 1
    y0 = jnp.floor(y).astype(jnp.int32)
    y1 = y0 + 1
    max_x = width - 1
    max_y = height - 1
    x0 = jnp.clip(x0, 0, max_x)
    x1 = jnp.clip(x1, 0, max_x)
    y0 = jnp.clip(y0, 0, max_y)
    y1 = jnp.clip(y1, 0, max_y)
    flat_image = jnp.transpose(image, (0, 2, 3, 1)).reshape(batch_size, height * width, num_channels)
    base_y0 = y0 * width
    base_y1 = y1 * width
    indices_a = base_y0 + x0
    indices_b = base_y1 + x0
    indices_c = base_y0 + x1
    indices_d = base_y1 + x1
    pixel_values_a = jnp.take_along_axis(flat_image, indices_a[:, :, None], axis=1)
    pixel_values_b = jnp.take_along_axis(flat_image, indices_b[:, :, None], axis=1)
    pixel_values_c = jnp.take_along_axis(flat_image, indices_c[:, :, None], axis=1)
    pixel_values_d = jnp.take_along_axis(flat_image, indices_d[:, :, None], axis=1)
    x0f = x0.astype(jnp.float32)
    x1f = x1.astype(jnp.float32)
    y0f = y0.astype(jnp.float32)
    y1f = y1.astype(jnp.float32)
    area_a = ((x1f - x) * (y1f - y))[:, :, None]
    area_b = ((x1f - x) * (y - y0f))[:, :, None]
    area_c = ((x - x0f) * (y1f - y))[:, :, None]
    area_d = ((x - x0f) * (y - y0f))[:, :, None]
    interpolated = (area_a * pixel_values_a + area_b * pixel_values_b +
                    area_c * pixel_values_c + area_d * pixel_values_d)  # [B, N, C]
    return jnp.transpose(interpolated, (0, 2, 1))  # [B, C, N]


def setup_inputs(seed: int = 0) -> dict:
    key = jax.random.key(seed)
    k1, k2 = jax.random.split(key)
    X = jax.random.normal(k1, (4, 96, 384, 384), dtype=jnp.float32)
    affine_transformation = jax.random.normal(k2, (4, 6), dtype=jnp.float32)
    return {"X": X, "affine_transformation": affine_transformation}


def reference(X, affine_transformation):
    batch_size = X.shape[0]
    theta = affine_transformation.reshape(batch_size, 2, 3)
    regular_grids = _make_regular_grids(batch_size, OUT_H, OUT_W)
    sampled_grids = jnp.einsum('bij,bjn->bin', theta, regular_grids)  # bmm
    transformed_image = _interpolate(X, sampled_grids)
    return transformed_image

if __name__ == "__main__":
    import jax
    _d = setup_inputs()
    print(jax.jit(kernel)(*tuple(_d.values())))

</pallas_src>

<mosaic_0001>
#map = affine_map<(d0, d1) -> (0, 0)>
module attributes {stable_mosaic.version = 14 : i64} {
  func.func @_build_body(%arg0: i32, %arg1: i32, %arg2: memref<590336x96xf32, #tpu.memory_space<hbm>>, %arg3: memref<589824x384xf32, #tpu.memory_space<hbm>>, %arg4: memref<2x128x384xf32, #tpu.memory_space<vmem>>, %arg5: memref<!tpu.dma_semaphore, #tpu.memory_space<semaphore_mem>>) attributes {dimension_semantics = [#tpu.dimension_semantics<core_parallel>, #tpu.dimension_semantics<subcore_parallel>], iteration_bounds = array<i64: 2, 16>, scalar_prefetch = 0 : i64, scratch_operands = 2 : i64, tpu.core_type = #tpu.core_type<sc_vector_subcore>, window_params = [{transform_indices = #map}, {transform_indices = #map}]} {
    %mul3A = arith.constant 2 : i32
    %mul3A_0 = arith.muli %arg1, %mul3A : i32
    %add3A = arith.addi %mul3A_0, %arg0 : i32
    %mul3A_1 = arith.constant 18432 : i32
    %mul3A_2 = arith.muli %add3A, %mul3A_1 : i32
    %add3A_3 = arith.constant 0 : i32
    %add3A_4 = arith.addi %mul3A_2, %add3A_3 : i32
    %add3A_5 = arith.constant 0 : i32
    %add3A_6 = arith.addi %add3A_4, %add3A_5 : i32
    %dma_start3A = arith.constant 0 : i32
    %dma_start3A_7 = arith.constant 0 : i32
    %dma_start3A_8 = arith.constant 0 : i32
    %dma_start3A_9 = tpu.memref_slice %arg4[%dma_start3A, %dma_start3A_7, %dma_start3A_8] : memref<2x128x384xf32, #tpu.memory_space<vmem>> -> memref<1x128x96xf32, #tpu.memory_space<vmem>>
    %dma_start3A_10 = tpu.memref_squeeze %dma_start3A_9 : memref<1x128x96xf32, #tpu.memory_space<vmem>> -> memref<128x96xf32, #tpu.memory_space<vmem>>
    %dma_start3A_11 = arith.constant 0 : i32
    %dma_start3A_12 = tpu.memref_slice %arg2[%add3A_6, %dma_start3A_11] : memref<590336x96xf32, #tpu.memory_space<hbm>> -> memref<128x96xf32, #tpu.memory_space<hbm>>
    %dma_start3A_13 = arith.constant 0 : i32
    %dma_start3A_14 = arith.constant 0 : i32
    %dma_start3A_15 = tpu.memref_slice %arg4[%dma_start3A, %dma_start3A_13, %dma_start3A_14] : memref<2x128x384xf32, #tpu.memory_space<vmem>> -> memref<1x128x96xf32, #tpu.memory_space<vmem>>
    %dma_start3A_16 = tpu.memref_squeeze %dma_start3A_15 : memref<1x128x96xf32, #tpu.memory_space<vmem>> -> memref<128x96xf32, #tpu.memory_space<vmem>>
    %dma_start3A_17 = arith.constant 0 : i32
    %dma_start3A_18 = tpu.memref_slice %arg2[%add3A_6, %dma_start3A_17] : memref<590336x96xf32, #tpu.memory_space<hbm>> -> memref<128x96xf32, #tpu.memory_space<hbm>>
    tpu.enqueue_dma source(%dma_start3A_18 : memref<128x96xf32, #tpu.memory_space<hbm>>) target(%dma_start3A_16 : memref<128x96xf32, #tpu.memory_space<vmem>>) target_semaphore(%arg5 : memref<!tpu.dma_semaphore, #tpu.memory_space<semaphore_mem>>)
    %add3A_19 = arith.constant 1 : i32
    %add3A_20 = arith.addi %add3A_4, %add3A_19 : i32
    %dma_start3A_21 = arith.constant 0 : i32
    %dma_start3A_22 = arith.constant 0 : i32
    %dma_start3A_23 = arith.constant 96 : i32
    %dma_start3A_24 = tpu.memref_slice %arg4[%dma_start3A_21, %dma_start3A_22, %dma_start3A_23] : memref<2x128x384xf32, #tpu.memory_space<vmem>> -> memref<1x128x96xf32, #tpu.memory_space<vmem>>
    %dma_start3A_25 = tpu.memref_squeeze %dma_start3A_24 : memref<1x128x96xf32, #tpu.memory_space<vmem>> -> memref<128x96xf32, #tpu.memory_space<vmem>>
    %dma_start3A_26 = arith.constant 0 : i32
    %dma_start3A_27 = tpu.memref_slice %arg2[%add3A_20, %dma_start3A_26] : memref<590336x96xf32, #tpu.memory_space<hbm>> -> memref<128x96xf32, #tpu.memory_space<hbm>>
    %dma_start3A_28 = arith.constant 0 : i32
    %dma_start3A_29 = arith.constant 96 : i32
    %dma_start3A_30 = tpu.memref_slice %arg4[%dma_start3A_21, %dma_start3A_28, %dma_start3A_29] : memref<2x128x384xf32, #tpu.memory_space<vmem>> -> memref<1x128x96xf32, #tpu.memory_space<vmem>>
    %dma_start3A_31 = tpu.memref_squeeze %dma_start3A_30 : memref<1x128x96xf32, #tpu.memory_space<vmem>> -> memref<128x96xf32, #tpu.memory_space<vmem>>
    %dma_start3A_32 = arith.constant 0 : i32
    %dma_start3A_33 = tpu.memref_slice %arg2[%add3A_20, %dma_start3A_32] : memref<590336x96xf32, #tpu.memory_space<hbm>> -> memref<128x96xf32, #tpu.memory_space<hbm>>
    tpu.enqueue_dma source(%dma_start3A_33 : memref<128x96xf32, #tpu.memory_space<hbm>>) target(%dma_start3A_31 : memref<128x96xf32, #tpu.memory_space<vmem>>) target_semaphore(%arg5 : memref<!tpu.dma_semaphore, #tpu.memory_space<semaphore_mem>>)
    %add3A_34 = arith.constant 384 : i32
    %add3A_35 = arith.addi %add3A_4, %add3A_34 : i32
    %dma_start3A_36 = arith.constant 0 : i32
    %dma_start3A_37 = arith.constant 0 : i32
    %dma_start3A_38 = arith.constant 192 : i32
    %dma_start3A_39 = tpu.memref_slice %arg4[%dma_start3A_36, %dma_start3A_37, %dma_start3A_38] : memref<2x128x384xf32, #tpu.memory_space<vmem>> -> memref<1x128x96xf32, #tpu.memory_space<vmem>>
    %dma_start3A_40 = tpu.memref_squeeze %dma_start3A_39 : memref<1x128x96xf32, #tpu.memory_space<vmem>> -> memref<128x96xf32, #tpu.memory_space<vmem>>
    %dma_start3A_41 = arith.constant 0 : i32
    %dma_start3A_42 = tpu.memref_slice %arg2[%add3A_35, %dma_start3A_41] : memref<590336x96xf32, #tpu.memory_space<hbm>> -> memref<128x96xf32, #tpu.memory_space<hbm>>
    %dma_start3A_43 = arith.constant 0 : i32
    %dma_start3A_44 = arith.constant 192 : i32
    %dma_start3A_45 = tpu.memref_slice %arg4[%dma_start3A_36, %dma_start3A_43, %dma_start3A_44] : memref<2x128x384xf32, #tpu.memory_space<vmem>> -> memref<1x128x96xf32, #tpu.memory_space<vmem>>
    %dma_start3A_46 = tpu.memref_squeeze %dma_start3A_45 : memref<1x128x96xf32, #tpu.memory_space<vmem>> -> memref<128x96xf32, #tpu.memory_space<vmem>>
    %dma_start3A_47 = arith.constant 0 : i32
    %dma_start3A_48 = tpu.memref_slice %arg2[%add3A_35, %dma_start3A_47] : memref<590336x96xf32, #tpu.memory_space<hbm>> -> memref<128x96xf32, #tpu.memory_space<hbm>>
    tpu.enqueue_dma source(%dma_start3A_48 : memref<128x96xf32, #tpu.memory_space<hbm>>) target(%dma_start3A_46 : memref<128x96xf32, #tpu.memory_space<vmem>>) target_semaphore(%arg5 : memref<!tpu.dma_semaphore, #tpu.memory_space<semaphore_mem>>)
    %add3A_49 = arith.constant 385 : i32
    %add3A_50 = arith.addi %add3A_4, %add3A_49 : i32
    %dma_start3A_51 = arith.constant 0 : i32
    %dma_start3A_52 = arith.constant 0 : i32
    %dma_start3A_53 = arith.constant 288 : i32
    %dma_start3A_54 = tpu.memref_slice %arg4[%dma_start3A_51, %dma_start3A_52, %dma_start3A_53] : memref<2x128x384xf32, #tpu.memory_space<vmem>> -> memref<1x128x96xf32, #tpu.memory_space<vmem>>
    %dma_start3A_55 = tpu.memref_squeeze %dma_start3A_54 : memref<1x128x96xf32, #tpu.memory_space<vmem>> -> memref<128x96xf32, #tpu.memory_space<vmem>>
    %dma_start3A_56 = arith.constant 0 : i32
    %dma_start3A_57 = tpu.memref_slice %arg2[%add3A_50, %dma_start3A_56] : memref<590336x96xf32, #tpu.memory_space<hbm>> -> memref<128x96xf32, #tpu.memory_space<hbm>>
    %dma_start3A_58 = arith.constant 0 : i32
    %dma_start3A_59 = arith.constant 288 : i32
    %dma_start3A_60 = tpu.memref_slice %arg4[%dma_start3A_51, %dma_start3A_58, %dma_start3A_59] : memref<2x128x384xf32, #tpu.memory_space<vmem>> -> memref<1x128x96xf32, #tpu.memory_space<vmem>>
    %dma_start3A_61 = tpu.memref_squeeze %dma_start3A_60 : memref<1x128x96xf32, #tpu.memory_space<vmem>> -> memref<128x96xf32, #tpu.memory_space<vmem>>
    %dma_start3A_62 = arith.constant 0 : i32
    %dma_start3A_63 = tpu.memref_slice %arg2[%add3A_50, %dma_start3A_62] : memref<590336x96xf32, #tpu.memory_space<hbm>> -> memref<128x96xf32, #tpu.memory_space<hbm>>
    tpu.enqueue_dma source(%dma_start3A_63 : memref<128x96xf32, #tpu.memory_space<hbm>>) target(%dma_start3A_61 : memref<128x96xf32, #tpu.memory_space<vmem>>) target_semaphore(%arg5 : memref<!tpu.dma_semaphore, #tpu.memory_space<semaphore_mem>>)
    %scan3A = arith.constant 0 : i32
    %scan3A_64 = arith.constant 0 : i32
    %scan3A_65 = arith.constant 144 : i32
    %scan3A_66 = arith.addi %scan3A_64, %scan3A_65 : i32
    %scan3A_67 = arith.constant 1 : i32
    %scan3A_68 = scf.for %scan3A_70 = %scan3A_64 to %scan3A_66 step %scan3A_67 iter_args(%scan3A_71 = %scan3A) -> (i32)  : i32 {
      %and3A = arith.constant 1 : i32
      %and3A_72 = arith.andi %scan3A_70, %and3A : i32
      %mul3A_73 = arith.constant 128 : i32
      %mul3A_74 = arith.muli %scan3A_70, %mul3A_73 : i32
      %add3A_75 = arith.addi %mul3A_2, %mul3A_74 : i32
      %add3A_76 = arith.constant 0 : i32
      %add3A_77 = arith.addi %add3A_75, %add3A_76 : i32
      %dma_wait3A = arith.constant 0 : i32
      %dma_wait3A_78 = arith.constant 0 : i32
      %dma_wait3A_79 = tpu.memref_slice %arg4[%and3A_72, %dma_wait3A, %dma_wait3A_78] : memref<2x128x384xf32, #tpu.memory_space<vmem>> -> memref<1x128x96xf32, #tpu.memory_space<vmem>>
      %dma_wait3A_80 = tpu.memref_squeeze %dma_wait3A_79 : memref<1x128x96xf32, #tpu.memory_space<vmem>> -> memref<128x96xf32, #tpu.memory_space<vmem>>
      %dma_wait3A_81 = arith.constant 0 : i32
      %dma_wait3A_82 = tpu.memref_slice %arg2[%add3A_77, %dma_wait3A_81] : memref<590336x96xf32, #tpu.memory_space<hbm>> -> memref<128x96xf32, #tpu.memory_space<hbm>>
      %dma_wait3A_83 = arith.constant 0 : i32
      %dma_wait3A_84 = arith.constant 0 : i32
      %dma_wait3A_85 = tpu.memref_slice %arg4[%and3A_72, %dma_wait3A_83, %dma_wait3A_84] : memref<2x128x384xf32, #tpu.memory_space<vmem>> -> memref<1x128x96xf32, #tpu.memory_space<vmem>>
      %dma_wait3A_86 = tpu.memref_squeeze %dma_wait3A_85 : memref<1x128x96xf32, #tpu.memory_space<vmem>> -> memref<128x96xf32, #tpu.memory_space<vmem>>
      %dma_wait3A_87 = arith.constant 0 : i32
      %dma_wait3A_88 = tpu.memref_slice %arg2[%add3A_77, %dma_wait3A_87] : memref<590336x96xf32, #tpu.memory_space<hbm>> -> memref<128x96xf32, #tpu.memory_space<hbm>>
      tpu.wait_dma2 semaphore(%arg5 : memref<!tpu.dma_semaphore, #tpu.memory_space<semaphore_mem>>) src(%dma_wait3A_88 : memref<128x96xf32, #tpu.memory_space<hbm>>) dst(%dma_wait3A_86 : memref<128x96xf32, #tpu.memory_space<vmem>>)
      %add3A_89 = arith.constant 1 : i32
      %add3A_90 = arith.addi %add3A_75, %add3A_89 : i32
      %dma_wait3A_91 = arith.constant 0 : i32
      %dma_wait3A_92 = arith.constant 96 : i32
      %dma_wait3A_93 = tpu.memref_slice %arg4[%and3A_72, %dma_wait3A_91, %dma_wait3A_92] : memref<2x128x384xf32, #tpu.memory_space<vmem>> -> memref<1x128x96xf32, #tpu.memory_space<vmem>>
      %dma_wait3A_94 = tpu.memref_squeeze %dma_wait3A_93 : memref<1x128x96xf32, #tpu.memory_space<vmem>> -> memref<128x96xf32, #tpu.memory_space<vmem>>
      %dma_wait3A_95 = arith.constant 0 : i32
      %dma_wait3A_96 = tpu.memref_slice %arg2[%add3A_90, %dma_wait3A_95] : memref<590336x96xf32, #tpu.memory_space<hbm>> -> memref<128x96xf32, #tpu.memory_space<hbm>>
      %dma_wait3A_97 = arith.constant 0 : i32
      %dma_wait3A_98 = arith.constant 96 : i32
      %dma_wait3A_99 = tpu.memref_slice %arg4[%and3A_72, %dma_wait3A_97, %dma_wait3A_98] : memref<2x128x384xf32, #tpu.memory_space<vmem>> -> memref<1x128x96xf32, #tpu.memory_space<vmem>>
      %dma_wait3A_100 = tpu.memref_squeeze %dma_wait3A_99 : memref<1x128x96xf32, #tpu.memory_space<vmem>> -> memref<128x96xf32, #tpu.memory_space<vmem>>
      %dma_wait3A_101 = arith.constant 0 : i32
      %dma_wait3A_102 = tpu.memref_slice %arg2[%add3A_90, %dma_wait3A_101] : memref<590336x96xf32, #tpu.memory_space<hbm>> -> memref<128x96xf32, #tpu.memory_space<hbm>>
      tpu.wait_dma2 semaphore(%arg5 : memref<!tpu.dma_semaphore, #tpu.memory_space<semaphore_mem>>) src(%dma_wait3A_102 : memref<128x96xf32, #tpu.memory_space<hbm>>) dst(%dma_wait3A_100 : memref<128x96xf32, #tpu.memory_space<vmem>>)
      %add3A_103 = arith.constant 384 : i32
      %add3A_104 = arith.addi %add3A_75, %add3A_103 : i32
      %dma_wait3A_105 = arith.constant 0 : i32
      %dma_wait3A_106 = arith.constant 192 : i32
      %dma_wait3A_107 = tpu.memref_slice %arg4[%and3A_72, %dma_wait3A_105, %dma_wait3A_106] : memref<2x128x384xf32, #tpu.memory_space<vmem>> -> memref<1x128x96xf32, #tpu.memory_space<vmem>>
      %dma_wait3A_108 = tpu.memref_squeeze %dma_wait3A_107 : memref<1x128x96xf32, #tpu.memory_space<vmem>> -> memref<128x96xf32, #tpu.memory_space<vmem>>
      %dma_wait3A_109 = arith.constant 0 : i32
      %dma_wait3A_110 = tpu.memref_slice %arg2[%add3A_104, %dma_wait3A_109] : memref<590336x96xf32, #tpu.memory_space<hbm>> -> memref<128x96xf32, #tpu.memory_space<hbm>>
      %dma_wait3A_111 = arith.constant 0 : i32
      %dma_wait3A_112 = arith.constant 192 : i32
      %dma_wait3A_113 = tpu.memref_slice %arg4[%and3A_72, %dma_wait3A_111, %dma_wait3A_112] : memref<2x128x384xf32, #tpu.memory_space<vmem>> -> memref<1x128x96xf32, #tpu.memory_space<vmem>>
      %dma_wait3A_114 = tpu.memref_squeeze %dma_wait3A_113 : memref<1x128x96xf32, #tpu.memory_space<vmem>> -> memref<128x96xf32, #tpu.memory_space<vmem>>
      %dma_wait3A_115 = arith.constant 0 : i32
      %dma_wait3A_116 = tpu.memref_slice %arg2[%add3A_104, %dma_wait3A_115] : memref<590336x96xf32, #tpu.memory_space<hbm>> -> memref<128x96xf32, #tpu.memory_space<hbm>>
      tpu.wait_dma2 semaphore(%arg5 : memref<!tpu.dma_semaphore, #tpu.memory_space<semaphore_mem>>) src(%dma_wait3A_116 : memref<128x96xf32, #tpu.memory_space<hbm>>) dst(%dma_wait3A_114 : memref<128x96xf32, #tpu.memory_space<vmem>>)
      %add3A_117 = arith.constant 385 : i32
      %add3A_118 = arith.addi %add3A_75, %add3A_117 : i32
      %dma_wait3A_119 = arith.constant 0 : i32
      %dma_wait3A_120 = arith.constant 288 : i32
      %dma_wait3A_121 = tpu.memref_slice %arg4[%and3A_72, %dma_wait3A_119, %dma_wait3A_120] : memref<2x128x384xf32, #tpu.memory_space<vmem>> -> memref<1x128x96xf32, #tpu.memory_space<vmem>>
      %dma_wait3A_122 = tpu.memref_squeeze %dma_wait3A_121 : memref<1x128x96xf32, #tpu.memory_space<vmem>> -> memref<128x96xf32, #tpu.memory_space<vmem>>
      %dma_wait3A_123 = arith.constant 0 : i32
      %dma_wait3A_124 = tpu.memref_slice %arg2[%add3A_118, %dma_wait3A_123] : memref<590336x96xf32, #tpu.memory_space<hbm>> -> memref<128x96xf32, #tpu.memory_space<hbm>>
      %dma_wait3A_125 = arith.constant 0 : i32
      %dma_wait3A_126 = arith.constant 288 : i32
      %dma_wait3A_127 = tpu.memref_slice %arg4[%and3A_72, %dma_wait3A_125, %dma_wait3A_126] : memref<2x128x384xf32, #tpu.memory_space<vmem>> -> memref<1x128x96xf32, #tpu.memory_space<vmem>>
      %dma_wait3A_128 = tpu.memref_squeeze %dma_wait3A_127 : memref<1x128x96xf32, #tpu.memory_space<vmem>> -> memref<128x96xf32, #tpu.memory_space<vmem>>
      %dma_wait3A_129 = arith.constant 0 : i32
      %dma_wait3A_130 = tpu.memref_slice %arg2[%add3A_118, %dma_wait3A_129] : memref<590336x96xf32, #tpu.memory_space<hbm>> -> memref<128x96xf32, #tpu.memory_space<hbm>>
      tpu.wait_dma2 semaphore(%arg5 : memref<!tpu.dma_semaphore, #tpu.memory_space<semaphore_mem>>) src(%dma_wait3A_130 : memref<128x96xf32, #tpu.memory_space<hbm>>) dst(%dma_wait3A_128 : memref<128x96xf32, #tpu.memory_space<vmem>>)
      %add3A_131 = arith.constant 1 : i32
      %add3A_132 = arith.addi %scan3A_70, %add3A_131 : i32
      %lt3A = arith.constant 144 : i32
      %lt3A_133 = arith.cmpi slt, %add3A_132, %lt3A : i32
      %convert_element_type3A = arith.extui %lt3A_133 : i1 to i32
      %cond3A = arith.constant 0 : i32
      %cond3A_134 = arith.cmpi ne, %convert_element_type3A, %cond3A : i32
      scf.if %cond3A_134 {
        %add3A_136 = arith.constant 1 : i32
        %add3A_137 = arith.addi %scan3A_70, %add3A_136 : i32
        %sub3A = arith.constant 1 : i32
        %sub3A_138 = arith.subi %sub3A, %and3A_72 : i32
        %mul3A_139 = arith.constant 128 : i32
        %mul3A_140 = arith.muli %add3A_137, %mul3A_139 : i32
        %add3A_141 = arith.addi %mul3A_2, %mul3A_140 : i32
        %add3A_142 = arith.constant 0 : i32
        %add3A_143 = arith.addi %add3A_141, %add3A_142 : i32
        %dma_start3A_144 = arith.constant 0 : i32
        %dma_start3A_145 = arith.constant 0 : i32
        %dma_start3A_146 = tpu.memref_slice %arg4[%sub3A_138, %dma_start3A_144, %dma_start3A_145] : memref<2x128x384xf32, #tpu.memory_space<vmem>> -> memref<1x128x96xf32, #tpu.memory_space<vmem>>
        %dma_start3A_147 = tpu.memref_squeeze %dma_start3A_146 : memref<1x128x96xf32, #tpu.memory_space<vmem>> -> memref<128x96xf32, #tpu.memory_space<vmem>>
        %dma_start3A_148 = arith.constant 0 : i32
        %dma_start3A_149 = tpu.memref_slice %arg2[%add3A_143, %dma_start3A_148] : memref<590336x96xf32, #tpu.memory_space<hbm>> -> memref<128x96xf32, #tpu.memory_space<hbm>>
        %dma_start3A_150 = arith.constant 0 : i32
        %dma_start3A_151 = arith.constant 0 : i32
        %dma_start3A_152 = tpu.memref_slice %arg4[%sub3A_138, %dma_start3A_150, %dma_start3A_151] : memref<2x128x384xf32, #tpu.memory_space<vmem>> -> memref<1x128x96xf32, #tpu.memory_space<vmem>>
        %dma_start3A_153 = tpu.memref_squeeze %dma_start3A_152 : memref<1x128x96xf32, #tpu.memory_space<vmem>> -> memref<128x96xf32, #tpu.memory_space<vmem>>
        %dma_start3A_154 = arith.constant 0 : i32
        %dma_start3A_155 = tpu.memref_slice %arg2[%add3A_143, %dma_start3A_154] : memref<590336x96xf32, #tpu.memory_space<hbm>> -> memref<128x96xf32, #tpu.memory_space<hbm>>
        tpu.enqueue_dma source(%dma_start3A_155 : memref<128x96xf32, #tpu.memory_space<hbm>>) target(%dma_start3A_153 : memref<128x96xf32, #tpu.memory_space<vmem>>) target_semaphore(%arg5 : memref<!tpu.dma_semaphore, #tpu.memory_space<semaphore_mem>>)
        %add3A_156 = arith.constant 1 : i32
        %add3A_157 = arith.addi %add3A_141, %add3A_156 : i32
        %dma_start3A_158 = arith.constant 0 : i32
        %dma_start3A_159 = arith.constant 96 : i32
        %dma_start3A_160 = tpu.memref_slice %arg4[%sub3A_138, %dma_start3A_158, %dma_start3A_159] : memref<2x128x384xf32, #tpu.memory_space<vmem>> -> memref<1x128x96xf32, #tpu.memory_space<vmem>>
        %dma_start3A_161 = tpu.memref_squeeze %dma_start3A_160 : memref<1x128x96xf32, #tpu.memory_space<vmem>> -> memref<128x96xf32, #tpu.memory_space<vmem>>
        %dma_start3A_162 = arith.constant 0 : i32
        %dma_start3A_163 = tpu.memref_slice %arg2[%add3A_157, %dma_start3A_162] : memref<590336x96xf32, #tpu.memory_space<hbm>> -> memref<128x96xf32, #tpu.memory_space<hbm>>
        %dma_start3A_164 = arith.constant 0 : i32
        %dma_start3A_165 = arith.constant 96 : i32
        %dma_start3A_166 = tpu.memref_slice %arg4[%sub3A_138, %dma_start3A_164, %dma_start3A_165] : memref<2x128x384xf32, #tpu.memory_space<vmem>> -> memref<1x128x96xf32, #tpu.memory_space<vmem>>
        %dma_start3A_167 = tpu.memref_squeeze %dma_start3A_166 : memref<1x128x96xf32, #tpu.memory_space<vmem>> -> memref<128x96xf32, #tpu.memory_space<vmem>>
        %dma_start3A_168 = arith.constant 0 : i32
        %dma_start3A_169 = tpu.memref_slice %arg2[%add3A_157, %dma_start3A_168] : memref<590336x96xf32, #tpu.memory_space<hbm>> -> memref<128x96xf32, #tpu.memory_space<hbm>>
        tpu.enqueue_dma source(%dma_start3A_169 : memref<128x96xf32, #tpu.memory_space<hbm>>) target(%dma_start3A_167 : memref<128x96xf32, #tpu.memory_space<vmem>>) target_semaphore(%arg5 : memref<!tpu.dma_semaphore, #tpu.memory_space<semaphore_mem>>)
        %add3A_170 = arith.constant 384 : i32
        %add3A_171 = arith.addi %add3A_141, %add3A_170 : i32
        %dma_start3A_172 = arith.constant 0 : i32
        %dma_start3A_173 = arith.constant 192 : i32
        %dma_start3A_174 = tpu.memref_slice %arg4[%sub3A_138, %dma_start3A_172, %dma_start3A_173] : memref<2x128x384xf32, #tpu.memory_space<vmem>> -> memref<1x128x96xf32, #tpu.memory_space<vmem>>
        %dma_start3A_175 = tpu.memref_squeeze %dma_start3A_174 : memref<1x128x96xf32, #tpu.memory_space<vmem>> -> memref<128x96xf32, #tpu.memory_space<vmem>>
        %dma_start3A_176 = arith.constant 0 : i32
        %dma_start3A_177 = tpu.memref_slice %arg2[%add3A_171, %dma_start3A_176] : memref<590336x96xf32, #tpu.memory_space<hbm>> -> memref<128x96xf32, #tpu.memory_space<hbm>>
        %dma_start3A_178 = arith.constant 0 : i32
        %dma_start3A_179 = arith.constant 192 : i32
        %dma_start3A_180 = tpu.memref_slice %arg4[%sub3A_138, %dma_start3A_178, %dma_start3A_179] : memref<2x128x384xf32, #tpu.memory_space<vmem>> -> memref<1x128x96xf32, #tpu.memory_space<vmem>>
        %dma_start3A_181 = tpu.memref_squeeze %dma_start3A_180 : memref<1x128x96xf32, #tpu.memory_space<vmem>> -> memref<128x96xf32, #tpu.memory_space<vmem>>
        %dma_start3A_182 = arith.constant 0 : i32
        %dma_start3A_183 = tpu.memref_slice %arg2[%add3A_171, %dma_start3A_182] : memref<590336x96xf32, #tpu.memory_space<hbm>> -> memref<128x96xf32, #tpu.memory_space<hbm>>
        tpu.enqueue_dma source(%dma_start3A_183 : memref<128x96xf32, #tpu.memory_space<hbm>>) target(%dma_start3A_181 : memref<128x96xf32, #tpu.memory_space<vmem>>) target_semaphore(%arg5 : memref<!tpu.dma_semaphore, #tpu.memory_space<semaphore_mem>>)
        %add3A_184 = arith.constant 385 : i32
        %add3A_185 = arith.addi %add3A_141, %add3A_184 : i32
        %dma_start3A_186 = arith.constant 0 : i32
        %dma_start3A_187 = arith.constant 288 : i32
        %dma_start3A_188 = tpu.memref_slice %arg4[%sub3A_138, %dma_start3A_186, %dma_start3A_187] : memref<2x128x384xf32, #tpu.memory_space<vmem>> -> memref<1x128x96xf32, #tpu.memory_space<vmem>>
        %dma_start3A_189 = tpu.memref_squeeze %dma_start3A_188 : memref<1x128x96xf32, #tpu.memory_space<vmem>> -> memref<128x96xf32, #tpu.memory_space<vmem>>
        %dma_start3A_190 = arith.constant 0 : i32
        %dma_start3A_191 = tpu.memref_slice %arg2[%add3A_185, %dma_start3A_190] : memref<590336x96xf32, #tpu.memory_space<hbm>> -> memref<128x96xf32, #tpu.memory_space<hbm>>
        %dma_start3A_192 = arith.constant 0 : i32
        %dma_start3A_193 = arith.constant 288 : i32
        %dma_start3A_194 = tpu.memref_slice %arg4[%sub3A_138, %dma_start3A_192, %dma_start3A_193] : memref<2x128x384xf32, #tpu.memory_space<vmem>> -> memref<1x128x96xf32, #tpu.memory_space<vmem>>
        %dma_start3A_195 = tpu.memref_squeeze %dma_start3A_194 : memref<1x128x96xf32, #tpu.memory_space<vmem>> -> memref<128x96xf32, #tpu.memory_space<vmem>>
        %dma_start3A_196 = arith.constant 0 : i32
        %dma_start3A_197 = tpu.memref_slice %arg2[%add3A_185, %dma_start3A_196] : memref<590336x96xf32, #tpu.memory_space<hbm>> -> memref<128x96xf32, #tpu.memory_space<hbm>>
        tpu.enqueue_dma source(%dma_start3A_197 : memref<128x96xf32, #tpu.memory_space<hbm>>) target(%dma_start3A_195 : memref<128x96xf32, #tpu.memory_space<vmem>>) target_semaphore(%arg5 : memref<!tpu.dma_semaphore, #tpu.memory_space<semaphore_mem>>)
      } else {
      }
      "tpu.region"() ({
        %run_scoped3A = tpu.sem_alloc : memref<!tpu.dma_semaphore, #tpu.memory_space<semaphore_mem>>
        %dma_start3A_136 = arith.constant 0 : i32
        %dma_start3A_137 = arith.constant 0 : i32
        %dma_start3A_138 = tpu.memref_slice %arg4[%and3A_72, %dma_start3A_136, %dma_start3A_137] : memref<2x128x384xf32, #tpu.memory_space<vmem>> -> memref<1x128x384xf32, #tpu.memory_space<vmem>>
        %dma_start3A_139 = tpu.memref_squeeze %dma_start3A_138 : memref<1x128x384xf32, #tpu.memory_space<vmem>> -> memref<128x384xf32, #tpu.memory_space<vmem>>
        %dma_start3A_140 = arith.constant 0 : i32
        %dma_start3A_141 = tpu.memref_slice %arg3[%add3A_75, %dma_start3A_140] : memref<589824x384xf32, #tpu.memory_space<hbm>> -> memref<128x384xf32, #tpu.memory_space<hbm>>
        %dma_start3A_142 = arith.constant 0 : i32
        %dma_start3A_143 = tpu.memref_slice %arg3[%add3A_75, %dma_start3A_142] : memref<589824x384xf32, #tpu.memory_space<hbm>> -> memref<128x384xf32, #tpu.memory_space<hbm>>
        %dma_start3A_144 = arith.constant 0 : i32
        %dma_start3A_145 = arith.constant 0 : i32
        %dma_start3A_146 = tpu.memref_slice %arg4[%and3A_72, %dma_start3A_144, %dma_start3A_145] : memref<2x128x384xf32, #tpu.memory_space<vmem>> -> memref<1x128x384xf32, #tpu.memory_space<vmem>>
        %dma_start3A_147 = tpu.memref_squeeze %dma_start3A_146 : memref<1x128x384xf32, #tpu.memory_space<vmem>> -> memref<128x384xf32, #tpu.memory_space<vmem>>
        tpu.enqueue_dma source(%dma_start3A_147 : memref<128x384xf32, #tpu.memory_space<vmem>>) target(%dma_start3A_143 : memref<128x384xf32, #tpu.memory_space<hbm>>) target_semaphore(%run_scoped3A : memref<!tpu.dma_semaphore, #tpu.memory_space<semaphore_mem>>)
        %dma_wait3A_148 = arith.constant 0 : i32
        %dma_wait3A_149 = arith.constant 0 : i32
        %dma_wait3A_150 = tpu.memref_slice %arg4[%and3A_72, %dma_wait3A_148, %dma_wait3A_149] : memref<2x128x384xf32, #tpu.memory_space<vmem>> -> memref<1x128x384xf32, #tpu.memory_space<vmem>>
        %dma_wait3A_151 = tpu.memref_squeeze %dma_wait3A_150 : memref<1x128x384xf32, #tpu.memory_space<vmem>> -> memref<128x384xf32, #tpu.memory_space<vmem>>
        %dma_wait3A_152 = arith.constant 0 : i32
        %dma_wait3A_153 = tpu.memref_slice %arg3[%add3A_75, %dma_wait3A_152] : memref<589824x384xf32, #tpu.memory_space<hbm>> -> memref<128x384xf32, #tpu.memory_space<hbm>>
        %dma_wait3A_154 = arith.constant 0 : i32
        %dma_wait3A_155 = tpu.memref_slice %arg3[%add3A_75, %dma_wait3A_154] : memref<589824x384xf32, #tpu.memory_space<hbm>> -> memref<128x384xf32, #tpu.memory_space<hbm>>
        %dma_wait3A_156 = arith.constant 0 : i32
        %dma_wait3A_157 = arith.constant 0 : i32
        %dma_wait3A_158 = tpu.memref_slice %arg4[%and3A_72, %dma_wait3A_156, %dma_wait3A_157] : memref<2x128x384xf32, #tpu.memory_space<vmem>> -> memref<1x128x384xf32, #tpu.memory_space<vmem>>
        %dma_wait3A_159 = tpu.memref_squeeze %dma_wait3A_158 : memref<1x128x384xf32, #tpu.memory_space<vmem>> -> memref<128x384xf32, #tpu.memory_space<vmem>>
        tpu.wait_dma2 semaphore(%run_scoped3A : memref<!tpu.dma_semaphore, #tpu.memory_space<semaphore_mem>>) src(%dma_wait3A_159 : memref<128x384xf32, #tpu.memory_space<vmem>>) dst(%dma_wait3A_155 : memref<128x384xf32, #tpu.memory_space<hbm>>)
        tpu.yield
      }) : () -> ()
      %scan3A_135 = arith.constant 0 : i32
      scf.yield %scan3A_135 : i32
    }
    %scan3A_69 = arith.constant 144 : i32
    return
  }
}

#map = affine_map<(d0, d1) -> (0, 0)>
#map1 = affine_map<(d0, d1) -> (0)>
#map2 = affine_map<(d0, d1) -> (0, 0, 0)>
module attributes {stable_mosaic.version = 14 : i64} {
  func.func @_sc_body(%arg0: i32, %arg1: i32, %arg2: memref<589824x384xf32, #tpu.memory_space<hbm>>, %arg3: memref<50176xf32, #tpu.memory_space<hbm>>, %arg4: memref<50176xf32, #tpu.memory_space<hbm>>, %arg5: memref<4x6x16xf32, #tpu.memory_space<hbm>>, %arg6: memref<4x96x50176xf32, #tpu.memory_space<hbm>>, %arg7: memref<128xf32, #tpu.memory_space<vmem>>, %arg8: memref<128xf32, #tpu.memory_space<vmem>>, %arg9: memref<6x16xf32, #tpu.memory_space<vmem>>, %arg10: memref<128xi32, #tpu.memory_space<vmem>>, %arg11: memref<2x128xf32, #tpu.memory_space<vmem>>, %arg12: memref<2x128xf32, #tpu.memory_space<vmem>>, %arg13: memref<2x128xf32, #tpu.memory_space<vmem>>, %arg14: memref<2x128xf32, #tpu.memory_space<vmem>>, %arg15: memref<2x128x384xf32, #tpu.memory_space<vmem>>, %arg16: memref<2x96x128xf32, #tpu.memory_space<vmem>>, %arg17: memref<!tpu.dma_semaphore, #tpu.memory_space<semaphore_mem>>, %arg18: memref<!tpu.dma_semaphore, #tpu.memory_space<semaphore_mem>>) attributes {dimension_semantics = [#tpu.dimension_semantics<core_parallel>, #tpu.dimension_semantics<subcore_parallel>], iteration_bounds = array<i64: 2, 16>, scalar_prefetch = 0 : i64, scratch_operands = 12 : i64, tpu.core_type = #tpu.core_type<sc_vector_subcore>, window_params = [{transform_indices = #map}, {transform_indices = #map1}, {transform_indices = #map1}, {transform_indices = #map2}, {transform_indices = #map2}]} {
    %mul3A = arith.constant 2 : i32
    %mul3A_0 = arith.muli %arg1, %mul3A : i32
    %add3A = arith.addi %mul3A_0, %arg0 : i32
    %jit3A = arith.constant 8 : i32
    %div3A = arith.divsi %add3A, %jit3A : i32
    %sign3A = arith.constant 0 : i32
    %sign3A_1 = arith.cmpi sgt, %add3A, %sign3A : i32
    %sign3A_2 = arith.extui %sign3A_1 : i1 to i32
    %sign3A_3 = arith.constant 0 : i32
    %sign3A_4 = arith.cmpi slt, %add3A, %sign3A_3 : i32
    %sign3A_5 = arith.extui %sign3A_4 : i1 to i32
    %sign3A_6 = arith.subi %sign3A_2, %sign3A_5 : i32
    %sign3A_7 = arith.constant 0 : i32
    %sign3A_8 = arith.cmpi sgt, %jit3A, %sign3A_7 : i32
    %sign3A_9 = arith.extui %sign3A_8 : i1 to i32
    %sign3A_10 = arith.constant 0 : i32
    %sign3A_11 = arith.cmpi slt, %jit3A, %sign3A_10 : i32
    %sign3A_12 = arith.extui %sign3A_11 : i1 to i32
    %sign3A_13 = arith.subi %sign3A_9, %sign3A_12 : i32
    %ne3A = arith.cmpi ne, %sign3A_6, %sign3A_13 : i32
    %rem3A = arith.remsi %add3A, %jit3A : i32
    %ne3A_14 = arith.constant 0 : i32
    %ne3A_15 = arith.cmpi ne, %rem3A, %ne3A_14 : i32
    %and3A = arith.andi %ne3A, %ne3A_15 : i1
    %sub3A = arith.constant 1 : i32
    %sub3A_16 = arith.subi %div3A, %sub3A : i32
    %select_n3A = arith.select %and3A, %sub3A_16, %div3A : i32
    %jit3A_17 = arith.constant 8 : i32
    %eq3A = arith.constant 0 : i32
    %eq3A_18 = arith.cmpi eq, %jit3A_17, %eq3A : i32
    %jit3A_19 = arith.constant 1 : i32
    %select_n3A_20 = arith.select %eq3A_18, %jit3A_19, %jit3A_17 : i32
    %rem3A_21 = arith.remsi %add3A, %select_n3A_20 : i32
    %ne3A_22 = arith.constant 0 : i32
    %ne3A_23 = arith.cmpi ne, %rem3A_21, %ne3A_22 : i32
    %lt3A = arith.constant 0 : i32
    %lt3A_24 = arith.cmpi slt, %rem3A_21, %lt3A : i32
    %lt3A_25 = arith.constant 0 : i32
    %lt3A_26 = arith.cmpi slt, %select_n3A_20, %lt3A_25 : i32
    %ne3A_27 = arith.xori %lt3A_24, %lt3A_26 : i1
    %and3A_28 = arith.andi %ne3A_27, %ne3A_23 : i1
    %add3A_29 = arith.addi %rem3A_21, %select_n3A_20 : i32
    %select_n3A_30 = arith.select %and3A_28, %add3A_29, %rem3A_21 : i32
    %mul3A_31 = arith.constant 6272 : i32
    %mul3A_32 = arith.muli %select_n3A_30, %mul3A_31 : i32
    %mul3A_33 = arith.constant 147456 : i32
    %mul3A_34 = arith.muli %select_n3A, %mul3A_33 : i32
    %mul3A_35 = arith.constant 50176 : i32
    %mul3A_36 = arith.muli %select_n3A, %mul3A_35 : i32
    %add3A_37 = arith.addi %mul3A_36, %mul3A_32 : i32
    "tpu.region"() ({
      %run_scoped3A = tpu.sem_alloc : memref<!tpu.dma_semaphore, #tpu.memory_space<semaphore_mem>>
      %dma_start3A_113 = arith.constant 0 : i32
      %dma_start3A_114 = arith.constant 0 : i32
      %dma_start3A_115 = tpu.memref_slice %arg5[%select_n3A, %dma_start3A_113, %dma_start3A_114] : memref<4x6x16xf32, #tpu.memory_space<hbm>> -> memref<1x6x16xf32, #tpu.memory_space<hbm>>
      %dma_start3A_116 = tpu.memref_squeeze %dma_start3A_115 : memref<1x6x16xf32, #tpu.memory_space<hbm>> -> memref<6x16xf32, #tpu.memory_space<hbm>>
      %dma_start3A_117 = arith.constant 0 : i32
      %dma_start3A_118 = arith.constant 0 : i32
      %dma_start3A_119 = tpu.memref_slice %arg5[%select_n3A, %dma_start3A_117, %dma_start3A_118] : memref<4x6x16xf32, #tpu.memory_space<hbm>> -> memref<1x6x16xf32, #tpu.memory_space<hbm>>
      %dma_start3A_120 = tpu.memref_squeeze %dma_start3A_119 : memref<1x6x16xf32, #tpu.memory_space<hbm>> -> memref<6x16xf32, #tpu.memory_space<hbm>>
      tpu.enqueue_dma source(%dma_start3A_120 : memref<6x16xf32, #tpu.memory_space<hbm>>) target(%arg9 : memref<6x16xf32, #tpu.memory_space<vmem>>) target_semaphore(%run_scoped3A : memref<!tpu.dma_semaphore, #tpu.memory_space<semaphore_mem>>)
      %dma_wait3A_121 = arith.constant 0 : i32
      %dma_wait3A_122 = arith.constant 0 : i32
      %dma_wait3A_123 = tpu.memref_slice %arg5[%select_n3A, %dma_wait3A_121, %dma_wait3A_122] : memref<4x6x16xf32, #tpu.memory_space<hbm>> -> memref<1x6x16xf32, #tpu.memory_space<hbm>>
      %dma_wait3A_124 = tpu.memref_squeeze %dma_wait3A_123 : memref<1x6x16xf32, #tpu.memory_space<hbm>> -> memref<6x16xf32, #tpu.memory_space<hbm>>
      %dma_wait3A_125 = arith.constant 0 : i32
      %dma_wait3A_126 = arith.constant 0 : i32
      %dma_wait3A_127 = tpu.memref_slice %arg5[%select_n3A, %dma_wait3A_125, %dma_wait3A_126] : memref<4x6x16xf32, #tpu.memory_space<hbm>> -> memref<1x6x16xf32, #tpu.memory_space<hbm>>
      %dma_wait3A_128 = tpu.memref_squeeze %dma_wait3A_127 : memref<1x6x16xf32, #tpu.memory_space<hbm>> -> memref<6x16xf32, #tpu.memory_space<hbm>>
      tpu.wait_dma2 semaphore(%run_scoped3A : memref<!tpu.dma_semaphore, #tpu.memory_space<semaphore_mem>>) src(%dma_wait3A_128 : memref<6x16xf32, #tpu.memory_space<hbm>>) dst(%arg9 : memref<6x16xf32, #tpu.memory_space<vmem>>)
      tpu.yield
    }) : () -> ()
    %get3A = arith.constant 0 : i32
    %get3A_38 = arith.index_cast %get3A : i32 to index
    %get3A_39 = arith.constant 0 : index
    %get3A_40 = tpu.vector_load %arg9[%get3A_38, %get3A_39] {strides = array<i32>} : memref<6x16xf32, #tpu.memory_space<vmem>>, vector<16xf32>,
    %get3A_41 = arith.constant 1 : i32
    %get3A_42 = arith.index_cast %get3A_41 : i32 to index
    %get3A_43 = arith.constant 0 : index
    %get3A_44 = tpu.vector_load %arg9[%get3A_42, %get3A_43] {strides = array<i32>} : memref<6x16xf32, #tpu.memory_space<vmem>>, vector<16xf32>,
    %get3A_45 = arith.constant 2 : i32
    %get3A_46 = arith.index_cast %get3A_45 : i32 to index
    %get3A_47 = arith.constant 0 : index
    %get3A_48 = tpu.vector_load %arg9[%get3A_46, %get3A_47] {strides = array<i32>} : memref<6x16xf32, #tpu.memory_space<vmem>>, vector<16xf32>,
    %get3A_49 = arith.constant 3 : i32
    %get3A_50 = arith.index_cast %get3A_49 : i32 to index
    %get3A_51 = arith.constant 0 : index
    %get3A_52 = tpu.vector_load %arg9[%get3A_50, %get3A_51] {strides = array<i32>} : memref<6x16xf32, #tpu.memory_space<vmem>>, vector<16xf32>,
    %get3A_53 = arith.constant 4 : i32
    %get3A_54 = arith.index_cast %get3A_53 : i32 to index
    %get3A_55 = arith.constant 0 : index
    %get3A_56 = tpu.vector_load %arg9[%get3A_54, %get3A_55] {strides = array<i32>} : memref<6x16xf32, #tpu.memory_space<vmem>>, vector<16xf32>,
    %get3A_57 = arith.constant 5 : i32
    %get3A_58 = arith.index_cast %get3A_57 : i32 to index
    %get3A_59 = arith.constant 0 : index
    %get3A_60 = tpu.vector_load %arg9[%get3A_58, %get3A_59] {strides = array<i32>} : memref<6x16xf32, #tpu.memory_space<vmem>>, vector<16xf32>,
    %iota3A = tpu.iota {dimensions = array<i32: 0>} : vector<16xi32>
    %broadcast_in_dim3A = arith.constant 0.000000e+00 : f32
    %broadcast_in_dim3A_61 = vector.broadcast %broadcast_in_dim3A : f32 to vector<16xf32>
    %add3A_62 = arith.constant 0 : i32
    %add3A_63 = arith.addi %mul3A_32, %add3A_62 : i32
    "tpu.region"() ({
      %run_scoped3A = tpu.sem_alloc : memref<!tpu.dma_semaphore, #tpu.memory_space<semaphore_mem>>
      %dma_start3A_113 = tpu.memref_slice %arg3[%add3A_63] : memref<50176xf32, #tpu.memory_space<hbm>> -> memref<128xf32, #tpu.memory_space<hbm>>
      %dma_start3A_114 = tpu.memref_slice %arg3[%add3A_63] : memref<50176xf32, #tpu.memory_space<hbm>> -> memref<128xf32, #tpu.memory_space<hbm>>
      tpu.enqueue_dma source(%dma_start3A_114 : memref<128xf32, #tpu.memory_space<hbm>>) target(%arg7 : memref<128xf32, #tpu.memory_space<vmem>>) target_semaphore(%run_scoped3A : memref<!tpu.dma_semaphore, #tpu.memory_space<semaphore_mem>>)
      %dma_wait3A_115 = tpu.memref_slice %arg3[%add3A_63] : memref<50176xf32, #tpu.memory_space<hbm>> -> memref<128xf32, #tpu.memory_space<hbm>>
      %dma_wait3A_116 = tpu.memref_slice %arg3[%add3A_63] : memref<50176xf32, #tpu.memory_space<hbm>> -> memref<128xf32, #tpu.memory_space<hbm>>
      tpu.wait_dma2 semaphore(%run_scoped3A : memref<!tpu.dma_semaphore, #tpu.memory_space<semaphore_mem>>) src(%dma_wait3A_116 : memref<128xf32, #tpu.memory_space<hbm>>) dst(%arg7 : memref<128xf32, #tpu.memory_space<vmem>>)
      tpu.yield
    }) : () -> ()
    "tpu.region"() ({
      %run_scoped3A = tpu.sem_alloc : memref<!tpu.dma_semaphore, #tpu.memory_space<semaphore_mem>>
      %dma_start3A_113 = tpu.memref_slice %arg4[%add3A_63] : memref<50176xf32, #tpu.memory_space<hbm>> -> memref<128xf32, #tpu.memory_space<hbm>>
      %dma_start3A_114 = tpu.memref_slice %arg4[%add3A_63] : memref<50176xf32, #tpu.memory_space<hbm>> -> memref<128xf32, #tpu.memory_space<hbm>>
      tpu.enqueue_dma source(%dma_start3A_114 : memref<128xf32, #tpu.memory_space<hbm>>) target(%arg8 : memref<128xf32, #tpu.memory_space<vmem>>) target_semaphore(%run_scoped3A : memref<!tpu.dma_semaphore, #tpu.memory_space<semaphore_mem>>)
      %dma_wait3A_115 = tpu.memref_slice %arg4[%add3A_63] : memref<50176xf32, #tpu.memory_space<hbm>> -> memref<128xf32, #tpu.memory_space<hbm>>
      %dma_wait3A_116 = tpu.memref_slice %arg4[%add3A_63] : memref<50176xf32, #tpu.memory_space<hbm>> -> memref<128xf32, #tpu.memory_space<hbm>>
      tpu.wait_dma2 semaphore(%run_scoped3A : memref<!tpu.dma_semaphore, #tpu.memory_space<semaphore_mem>>) src(%dma_wait3A_116 : memref<128xf32, #tpu.memory_space<hbm>>) dst(%arg8 : memref<128xf32, #tpu.memory_space<vmem>>)
      tpu.yield
    }) : () -> ()
    %scan3A = arith.constant 0 : i32
    %scan3A_64 = arith.constant 0 : i32
    %scan3A_65 = arith.constant 8 : i32
    %scan3A_66 = arith.addi %scan3A_64, %scan3A_65 : i32
    %scan3A_67 = arith.constant 1 : i32
    %scan3A_68 = scf.for %scan3A_113 = %scan3A_64 to %scan3A_66 step %scan3A_67 iter_args(%scan3A_114 = %scan3A) -> (i32)  : i32 {
      %mul3A_115 = arith.constant 16 : i32
      %mul3A_116 = arith.muli %scan3A_113, %mul3A_115 : i32
      %get3A_117 = arith.index_cast %mul3A_116 : i32 to index
      %get3A_118 = tpu.vector_load %arg7[%get3A_117] {strides = array<i32>} : memref<128xf32, #tpu.memory_space<vmem>>, vector<16xf32>,
      %get3A_119 = arith.index_cast %mul3A_116 : i32 to index
      %get3A_120 = tpu.vector_load %arg8[%get3A_119] {strides = array<i32>} : memref<128xf32, #tpu.memory_space<vmem>>, vector<16xf32>,
      %mul3A_121 = arith.mulf %get3A_40, %get3A_118 : vector<16xf32>
      %mul3A_122 = arith.mulf %get3A_44, %get3A_120 : vector<16xf32>
      %add3A_123 = arith.addf %mul3A_121, %mul3A_122 : vector<16xf32>
      %add3A_124 = arith.addf %add3A_123, %get3A_48 : vector<16xf32>
      %add3A_125 = arith.constant 1.000000e+00 : f32
      %add3A_126 = vector.broadcast %add3A_125 : f32 to vector<16xf32>
      %add3A_127 = arith.addf %add3A_124, %add3A_126 : vector<16xf32>
      %mul3A_128 = arith.constant 1.920000e+02 : f32
      %mul3A_129 = vector.broadcast %mul3A_128 : f32 to vector<16xf32>
      %mul3A_130 = arith.mulf %add3A_127, %mul3A_129 : vector<16xf32>
      %mul3A_131 = arith.mulf %get3A_52, %get3A_118 : vector<16xf32>
      %mul3A_132 = arith.mulf %get3A_56, %get3A_120 : vector<16xf32>
      %add3A_133 = arith.addf %mul3A_131, %mul3A_132 : vector<16xf32>
      %add3A_134 = arith.addf %add3A_133, %get3A_60 : vector<16xf32>
      %add3A_135 = arith.constant 1.000000e+00 : f32
      %add3A_136 = vector.broadcast %add3A_135 : f32 to vector<16xf32>
      %add3A_137 = arith.addf %add3A_134, %add3A_136 : vector<16xf32>
      %mul3A_138 = arith.constant 1.920000e+02 : f32
      %mul3A_139 = vector.broadcast %mul3A_138 : f32 to vector<16xf32>
      %mul3A_140 = arith.mulf %add3A_137, %mul3A_139 : vector<16xf32>
      %convert_element_type3A = arith.fptosi %mul3A_130 : vector<16xf32> to vector<16xi32>
      %convert_element_type3A_141 = arith.sitofp %convert_element_type3A : vector<16xi32> to vector<16xf32>
      %gt3A = arith.cmpf ogt, %convert_element_type3A_141, %mul3A_130 : vector<16xf32>
      %sub3A_142 = arith.constant 1 : i32
      %sub3A_143 = vector.broadcast %sub3A_142 : i32 to vector<16xi32>
      %sub3A_144 = arith.subi %convert_element_type3A, %sub3A_143 : vector<16xi32>
      %select_n3A_145 = arith.select %gt3A, %sub3A_144, %convert_element_type3A : vector<16xi1>, vector<16xi32>
      %convert_element_type3A_146 = arith.fptosi %mul3A_140 : vector<16xf32> to vector<16xi32>
      %convert_element_type3A_147 = arith.sitofp %convert_element_type3A_146 : vector<16xi32> to vector<16xf32>
      %gt3A_148 = arith.cmpf ogt, %convert_element_type3A_147, %mul3A_140 : vector<16xf32>
      %sub3A_149 = arith.constant 1 : i32
      %sub3A_150 = vector.broadcast %sub3A_149 : i32 to vector<16xi32>
      %sub3A_151 = arith.subi %convert_element_type3A_146, %sub3A_150 : vector<16xi32>
      %select_n3A_152 = arith.select %gt3A_148, %sub3A_151, %convert_element_type3A_146 : vector<16xi1>, vector<16xi32>
      %jit3A_153 = arith.constant 0 : i32
      %jit3A_154 = arith.constant 383 : i32
      %max3A = vector.broadcast %jit3A_153 : i32 to vector<16xi32>
      %max3A_155 = arith.maxsi %max3A, %select_n3A_145 : vector<16xi32>
      %min3A = vector.broadcast %jit3A_154 : i32 to vector<16xi32>
      %min3A_156 = arith.minsi %min3A, %max3A_155 : vector<16xi32>
      %add3A_157 = arith.constant 1 : i32
      %add3A_158 = vector.broadcast %add3A_157 : i32 to vector<16xi32>
      %add3A_159 = arith.addi %select_n3A_145, %add3A_158 : vector<16xi32>
      %jit3A_160 = arith.constant 0 : i32
      %jit3A_161 = arith.constant 383 : i32
      %max3A_162 = vector.broadcast %jit3A_160 : i32 to vector<16xi32>
      %max3A_163 = arith.maxsi %max3A_162, %add3A_159 : vector<16xi32>
      %min3A_164 = vector.broadcast %jit3A_161 : i32 to vector<16xi32>
      %min3A_165 = arith.minsi %min3A_164, %max3A_163 : vector<16xi32>
      %jit3A_166 = arith.constant 0 : i32
      %jit3A_167 = arith.constant 383 : i32
      %max3A_168 = vector.broadcast %jit3A_166 : i32 to vector<16xi32>
      %max3A_169 = arith.maxsi %max3A_168, %select_n3A_152 : vector<16xi32>
      %min3A_170 = vector.broadcast %jit3A_167 : i32 to vector<16xi32>
      %min3A_171 = arith.minsi %min3A_170, %max3A_169 : vector<16xi32>
      %add3A_172 = arith.constant 1 : i32
      %add3A_173 = vector.broadcast %add3A_172 : i32 to vector<16xi32>
      %add3A_174 = arith.addi %select_n3A_152, %add3A_173 : vector<16xi32>
      %jit3A_175 = arith.constant 0 : i32
      %jit3A_176 = arith.constant 383 : i32
      %max3A_177 = vector.broadcast %jit3A_175 : i32 to vector<16xi32>
      %max3A_178 = arith.maxsi %max3A_177, %add3A_174 : vector<16xi32>
      %min3A_179 = vector.broadcast %jit3A_176 : i32 to vector<16xi32>
      %min3A_180 = arith.minsi %min3A_179, %max3A_178 : vector<16xi32>
      %mul3A_181 = arith.constant 384 : i32
      %mul3A_182 = vector.broadcast %mul3A_181 : i32 to vector<16xi32>
      %mul3A_183 = arith.muli %min3A_171, %mul3A_182 : vector<16xi32>
      %add3A_184 = arith.addi %mul3A_183, %min3A_156 : vector<16xi32>
      %add3A_185 = vector.broadcast %mul3A_34 : i32 to vector<16xi32>
      %add3A_186 = arith.addi %add3A_184, %add3A_185 : vector<16xi32>
      %swap3A = arith.index_cast %mul3A_116 : i32 to index
      %swap3A_187 = tpu.vector_load %arg10[%swap3A] {strides = array<i32>} : memref<128xi32, #tpu.memory_space<vmem>>, vector<16xi32>,
      tpu.vector_store %arg10[%swap3A], %add3A_186 {strides = array<i32>} : memref<128xi32, #tpu.memory_space<vmem>>, vector<16xi32>,
      %convert_element_type3A_188 = arith.sitofp %min3A_156 : vector<16xi32> to vector<16xf32>
      %convert_element_type3A_189 = arith.sitofp %min3A_165 : vector<16xi32> to vector<16xf32>
      %convert_element_type3A_190 = arith.sitofp %min3A_171 : vector<16xi32> to vector<16xf32>
      %convert_element_type3A_191 = arith.sitofp %min3A_180 : vector<16xi32> to vector<16xf32>
      %sub3A_192 = arith.subf %convert_element_type3A_189, %mul3A_130 : vector<16xf32>
      %sub3A_193 = arith.subf %convert_element_type3A_191, %mul3A_140 : vector<16xf32>
      %mul3A_194 = arith.mulf %sub3A_192, %sub3A_193 : vector<16xf32>
      %sub3A_195 = arith.subf %convert_element_type3A_189, %mul3A_130 : vector<16xf32>
      %sub3A_196 = arith.subf %mul3A_140, %convert_element_type3A_190 : vector<16xf32>
      %mul3A_197 = arith.mulf %sub3A_195, %sub3A_196 : vector<16xf32>
      %sub3A_198 = arith.subf %mul3A_130, %convert_element_type3A_188 : vector<16xf32>
      %sub3A_199 = arith.subf %convert_element_type3A_191, %mul3A_140 : vector<16xf32>
      %mul3A_200 = arith.mulf %sub3A_198, %sub3A_199 : vector<16xf32>
      %sub3A_201 = arith.subf %mul3A_130, %convert_element_type3A_188 : vector<16xf32>
      %sub3A_202 = arith.subf %mul3A_140, %convert_element_type3A_190 : vector<16xf32>
      %mul3A_203 = arith.mulf %sub3A_201, %sub3A_202 : vector<16xf32>
      %eq3A_204 = arith.cmpi eq, %min3A_165, %min3A_156 : vector<16xi32>
      %eq3A_205 = arith.cmpi eq, %min3A_180, %min3A_171 : vector<16xi32>
      %select_n3A_206 = arith.select %eq3A_204, %mul3A_200, %broadcast_in_dim3A_61 : vector<16xi1>, vector<16xf32>
      %add3A_207 = arith.addf %mul3A_194, %select_n3A_206 : vector<16xf32>
      %select_n3A_208 = arith.select %eq3A_204, %broadcast_in_dim3A_61, %mul3A_200 : vector<16xi1>, vector<16xf32>
      %select_n3A_209 = arith.select %eq3A_204, %mul3A_203, %broadcast_in_dim3A_61 : vector<16xi1>, vector<16xf32>
      %add3A_210 = arith.addf %mul3A_197, %select_n3A_209 : vector<16xf32>
      %select_n3A_211 = arith.select %eq3A_204, %broadcast_in_dim3A_61, %mul3A_203 : vector<16xi1>, vector<16xf32>
      %select_n3A_212 = arith.select %eq3A_205, %add3A_210, %broadcast_in_dim3A_61 : vector<16xi1>, vector<16xf32>
      %add3A_213 = arith.addf %add3A_207, %select_n3A_212 : vector<16xf32>
      %select_n3A_214 = arith.select %eq3A_205, %broadcast_in_dim3A_61, %add3A_210 : vector<16xi1>, vector<16xf32>
      %select_n3A_215 = arith.select %eq3A_205, %select_n3A_211, %broadcast_in_dim3A_61 : vector<16xi1>, vector<16xf32>
      %add3A_216 = arith.addf %select_n3A_208, %select_n3A_215 : vector<16xf32>
      %select_n3A_217 = arith.select %eq3A_205, %broadcast_in_dim3A_61, %select_n3A_211 : vector<16xi1>, vector<16xf32>
      %swap3A_218 = arith.constant 0 : i32
      %swap3A_219 = arith.index_cast %swap3A_218 : i32 to index
      %swap3A_220 = arith.index_cast %mul3A_116 : i32 to index
      %swap3A_221 = tpu.vector_load %arg11[%swap3A_219, %swap3A_220] {strides = array<i32>} : memref<2x128xf32, #tpu.memory_space<vmem>>, vector<16xf32>,
      tpu.vector_store %arg11[%swap3A_219, %swap3A_220], %add3A_213 {strides = array<i32>} : memref<2x128xf32, #tpu.memory_space<vmem>>, vector<16xf32>,
      %swap3A_222 = arith.constant 0 : i32
      %swap3A_223 = arith.index_cast %swap3A_222 : i32 to index
      %swap3A_224 = arith.index_cast %mul3A_116 : i32 to index
      %swap3A_225 = tpu.vector_load %arg12[%swap3A_223, %swap3A_224] {strides = array<i32>} : memref<2x128xf32, #tpu.memory_space<vmem>>, vector<16xf32>,
      tpu.vector_store %arg12[%swap3A_223, %swap3A_224], %select_n3A_214 {strides = array<i32>} : memref<2x128xf32, #tpu.memory_space<vmem>>, vector<16xf32>,
      %swap3A_226 = arith.constant 0 : i32
      %swap3A_227 = arith.index_cast %swap3A_226 : i32 to index
      %swap3A_228 = arith.index_cast %mul3A_116 : i32 to index
      %swap3A_229 = tpu.vector_load %arg13[%swap3A_227, %swap3A_228] {strides = array<i32>} : memref<2x128xf32, #tpu.memory_space<vmem>>, vector<16xf32>,
      tpu.vector_store %arg13[%swap3A_227, %swap3A_228], %add3A_216 {strides = array<i32>} : memref<2x128xf32, #tpu.memory_space<vmem>>, vector<16xf32>,
      %swap3A_230 = arith.constant 0 : i32
      %swap3A_231 = arith.index_cast %swap3A_230 : i32 to index
      %swap3A_232 = arith.index_cast %mul3A_116 : i32 to index
      %swap3A_233 = tpu.vector_load %arg14[%swap3A_231, %swap3A_232] {strides = array<i32>} : memref<2x128xf32, #tpu.memory_space<vmem>>, vector<16xf32>,
      tpu.vector_store %arg14[%swap3A_231, %swap3A_232], %select_n3A_217 {strides = array<i32>} : memref<2x128xf32, #tpu.memory_space<vmem>>, vector<16xf32>,
      %scan3A_234 = arith.constant 0 : i32
      scf.yield %scan3A_234 : i32
    }
    %scan3A_69 = arith.constant 8 : i32
    %dma_start3A = arith.constant 0 : i32
    %dma_start3A_70 = arith.constant 0 : i32
    %dma_start3A_71 = arith.constant 0 : i32
    %dma_start3A_72 = tpu.memref_slice %arg15[%dma_start3A, %dma_start3A_70, %dma_start3A_71] : memref<2x128x384xf32, #tpu.memory_space<vmem>> -> memref<1x128x384xf32, #tpu.memory_space<vmem>>
    %dma_start3A_73 = tpu.memref_squeeze %dma_start3A_72 : memref<1x128x384xf32, #tpu.memory_space<vmem>> -> memref<128x384xf32, #tpu.memory_space<vmem>>
    %dma_start3A_74 = arith.constant 0 : i32
    %dma_start3A_75 = arith.constant 0 : i32
    %dma_start3A_76 = tpu.memref_slice %arg2[%dma_start3A_74, %dma_start3A_75] : memref<589824x384xf32, #tpu.memory_space<hbm>> -> memref<589824x384xf32, #tpu.memory_space<hbm>>
    tpu.enqueue_indirect_dma source(%dma_start3A_76 : memref<589824x384xf32, #tpu.memory_space<hbm>>) target(%dma_start3A_73 : memref<128x384xf32, #tpu.memory_space<vmem>>) offsets(%arg10 : memref<128xi32, #tpu.memory_space<vmem>>) semaphore(%arg17 : memref<!tpu.dma_semaphore, #tpu.memory_space<semaphore_mem>>)
    %scan3A_77 = arith.constant 0 : i32
    %scan3A_78 = arith.constant 0 : i32
    %scan3A_79 = arith.constant 49 : i32
    %scan3A_80 = arith.addi %scan3A_78, %scan3A_79 : i32
    %scan3A_81 = arith.constant 1 : i32
    %scan3A_82 = scf.for %scan3A_113 = %scan3A_78 to %scan3A_80 step %scan3A_81 iter_args(%scan3A_114 = %scan3A_77) -> (i32)  : i32 {
      %and3A_115 = arith.constant 1 : i32
      %and3A_116 = arith.andi %scan3A_113, %and3A_115 : i32
      %sub3A_117 = arith.constant 1 : i32
      %sub3A_118 = arith.subi %sub3A_117, %and3A_116 : i32
      %mul3A_119 = arith.constant 128 : i32
      %mul3A_120 = arith.muli %scan3A_113, %mul3A_119 : i32
      %add3A_121 = arith.addi %add3A_37, %mul3A_120 : i32
      %dma_wait3A_122 = arith.constant 0 : i32
      %dma_wait3A_123 = arith.constant 0 : i32
      %dma_wait3A_124 = tpu.memref_slice %arg15[%and3A_116, %dma_wait3A_122, %dma_wait3A_123] : memref<2x128x384xf32, #tpu.memory_space<vmem>> -> memref<1x128x384xf32, #tpu.memory_space<vmem>>
      %dma_wait3A_125 = tpu.memref_squeeze %dma_wait3A_124 : memref<1x128x384xf32, #tpu.memory_space<vmem>> -> memref<128x384xf32, #tpu.memory_space<vmem>>
      %dma_wait3A_126 = arith.constant 0 : i32
      %dma_wait3A_127 = arith.constant 0 : i32
      %dma_wait3A_128 = tpu.memref_slice %arg2[%dma_wait3A_126, %dma_wait3A_127] : memref<589824x384xf32, #tpu.memory_space<hbm>> -> memref<589824x384xf32, #tpu.memory_space<hbm>>
      tpu.wait_indirect_dma semaphore(%arg17 : memref<!tpu.dma_semaphore, #tpu.memory_space<semaphore_mem>>) src(%dma_wait3A_128 : memref<589824x384xf32, #tpu.memory_space<hbm>>) dst(%dma_wait3A_125 : memref<128x384xf32, #tpu.memory_space<vmem>>)
      %add3A_129 = arith.constant 1 : i32
      %add3A_130 = arith.addi %scan3A_113, %add3A_129 : i32
      %lt3A_131 = arith.constant 49 : i32
      %lt3A_132 = arith.cmpi slt, %add3A_130, %lt3A_131 : i32
      %convert_element_type3A = arith.extui %lt3A_132 : i1 to i32
      %cond3A = arith.constant 0 : i32
      %cond3A_133 = arith.cmpi ne, %convert_element_type3A, %cond3A : i32
      scf.if %cond3A_133 {
        %add3A_177 = arith.constant 1 : i32
        %add3A_178 = arith.addi %scan3A_113, %add3A_177 : i32
        %mul3A_179 = arith.constant 128 : i32
        %mul3A_180 = arith.muli %add3A_178, %mul3A_179 : i32
        %add3A_181 = arith.addi %mul3A_32, %mul3A_180 : i32
        "tpu.region"() ({
          %run_scoped3A = tpu.sem_alloc : memref<!tpu.dma_semaphore, #tpu.memory_space<semaphore_mem>>
          %dma_start3A_196 = tpu.memref_slice %arg3[%add3A_181] : memref<50176xf32, #tpu.memory_space<hbm>> -> memref<128xf32, #tpu.memory_space<hbm>>
          %dma_start3A_197 = tpu.memref_slice %arg3[%add3A_181] : memref<50176xf32, #tpu.memory_space<hbm>> -> memref<128xf32, #tpu.memory_space<hbm>>
          tpu.enqueue_dma source(%dma_start3A_197 : memref<128xf32, #tpu.memory_space<hbm>>) target(%arg7 : memref<128xf32, #tpu.memory_space<vmem>>) target_semaphore(%run_scoped3A : memref<!tpu.dma_semaphore, #tpu.memory_space<semaphore_mem>>)
          %dma_wait3A_198 = tpu.memref_slice %arg3[%add3A_181] : memref<50176xf32, #tpu.memory_space<hbm>> -> memref<128xf32, #tpu.memory_space<hbm>>
          %dma_wait3A_199 = tpu.memref_slice %arg3[%add3A_181] : memref<50176xf32, #tpu.memory_space<hbm>> -> memref<128xf32, #tpu.memory_space<hbm>>
          tpu.wait_dma2 semaphore(%run_scoped3A : memref<!tpu.dma_semaphore, #tpu.memory_space<semaphore_mem>>) src(%dma_wait3A_199 : memref<128xf32, #tpu.memory_space<hbm>>) dst(%arg7 : memref<128xf32, #tpu.memory_space<vmem>>)
          tpu.yield
        }) : () -> ()
        "tpu.region"() ({
          %run_scoped3A = tpu.sem_alloc : memref<!tpu.dma_semaphore, #tpu.memory_space<semaphore_mem>>
          %dma_start3A_196 = tpu.memref_slice %arg4[%add3A_181] : memref<50176xf32, #tpu.memory_space<hbm>> -> memref<128xf32, #tpu.memory_space<hbm>>
          %dma_start3A_197 = tpu.memref_slice %arg4[%add3A_181] : memref<50176xf32, #tpu.memory_space<hbm>> -> memref<128xf32, #tpu.memory_space<hbm>>
          tpu.enqueue_dma source(%dma_start3A_197 : memref<128xf32, #tpu.memory_space<hbm>>) target(%arg8 : memref<128xf32, #tpu.memory_space<vmem>>) target_semaphore(%run_scoped3A : memref<!tpu.dma_semaphore, #tpu.memory_space<semaphore_mem>>)
          %dma_wait3A_198 = tpu.memref_slice %arg4[%add3A_181] : memref<50176xf32, #tpu.memory_space<hbm>> -> memref<128xf32, #tpu.memory_space<hbm>>
          %dma_wait3A_199 = tpu.memref_slice %arg4[%add3A_181] : memref<50176xf32, #tpu.memory_space<hbm>> -> memref<128xf32, #tpu.memory_space<hbm>>
          tpu.wait_dma2 semaphore(%run_scoped3A : memref<!tpu.dma_semaphore, #tpu.memory_space<semaphore_mem>>) src(%dma_wait3A_199 : memref<128xf32, #tpu.memory_space<hbm>>) dst(%arg8 : memref<128xf32, #tpu.memory_space<vmem>>)
          tpu.yield
        }) : () -> ()
        %scan3A_182 = arith.constant 0 : i32
        %scan3A_183 = arith.constant 0 : i32
        %scan3A_184 = arith.constant 8 : i32
        %scan3A_185 = arith.addi %scan3A_183, %scan3A_184 : i32
        %scan3A_186 = arith.constant 1 : i32
        %scan3A_187 = scf.for %scan3A_196 = %scan3A_183 to %scan3A_185 step %scan3A_186 iter_args(%scan3A_197 = %scan3A_182) -> (i32)  : i32 {
          %mul3A_198 = arith.constant 16 : i32
          %mul3A_199 = arith.muli %scan3A_196, %mul3A_198 : i32
          %get3A_200 = arith.index_cast %mul3A_199 : i32 to index
          %get3A_201 = tpu.vector_load %arg7[%get3A_200] {strides = array<i32>} : memref<128xf32, #tpu.memory_space<vmem>>, vector<16xf32>,
          %get3A_202 = arith.index_cast %mul3A_199 : i32 to index
          %get3A_203 = tpu.vector_load %arg8[%get3A_202] {strides = array<i32>} : memref<128xf32, #tpu.memory_space<vmem>>, vector<16xf32>,
          %mul3A_204 = arith.mulf %get3A_40, %get3A_201 : vector<16xf32>
          %mul3A_205 = arith.mulf %get3A_44, %get3A_203 : vector<16xf32>
          %add3A_206 = arith.addf %mul3A_204, %mul3A_205 : vector<16xf32>
          %add3A_207 = arith.addf %add3A_206, %get3A_48 : vector<16xf32>
          %add3A_208 = arith.constant 1.000000e+00 : f32
          %add3A_209 = vector.broadcast %add3A_208 : f32 to vector<16xf32>
          %add3A_210 = arith.addf %add3A_207, %add3A_209 : vector<16xf32>
          %mul3A_211 = arith.constant 1.920000e+02 : f32
          %mul3A_212 = vector.broadcast %mul3A_211 : f32 to vector<16xf32>
          %mul3A_213 = arith.mulf %add3A_210, %mul3A_212 : vector<16xf32>
          %mul3A_214 = arith.mulf %get3A_52, %get3A_201 : vector<16xf32>
          %mul3A_215 = arith.mulf %get3A_56, %get3A_203 : vector<16xf32>
          %add3A_216 = arith.addf %mul3A_214, %mul3A_215 : vector<16xf32>
          %add3A_217 = arith.addf %add3A_216, %get3A_60 : vector<16xf32>
          %add3A_218 = arith.constant 1.000000e+00 : f32
          %add3A_219 = vector.broadcast %add3A_218 : f32 to vector<16xf32>
          %add3A_220 = arith.addf %add3A_217, %add3A_219 : vector<16xf32>
          %mul3A_221 = arith.constant 1.920000e+02 : f32
          %mul3A_222 = vector.broadcast %mul3A_221 : f32 to vector<16xf32>
          %mul3A_223 = arith.mulf %add3A_220, %mul3A_222 : vector<16xf32>
          %convert_element_type3A_224 = arith.fptosi %mul3A_213 : vector<16xf32> to vector<16xi32>
          %convert_element_type3A_225 = arith.sitofp %convert_element_type3A_224 : vector<16xi32> to vector<16xf32>
          %gt3A = arith.cmpf ogt, %convert_element_type3A_225, %mul3A_213 : vector<16xf32>
          %sub3A_226 = arith.constant 1 : i32
          %sub3A_227 = vector.broadcast %sub3A_226 : i32 to vector<16xi32>
          %sub3A_228 = arith.subi %convert_element_type3A_224, %sub3A_227 : vector<16xi32>
          %select_n3A_229 = arith.select %gt3A, %sub3A_228, %convert_element_type3A_224 : vector<16xi1>, vector<16xi32>
          %convert_element_type3A_230 = arith.fptosi %mul3A_223 : vector<16xf32> to vector<16xi32>
          %convert_element_type3A_231 = arith.sitofp %convert_element_type3A_230 : vector<16xi32> to vector<16xf32>
          %gt3A_232 = arith.cmpf ogt, %convert_element_type3A_231, %mul3A_223 : vector<16xf32>
          %sub3A_233 = arith.constant 1 : i32
          %sub3A_234 = vector.broadcast %sub3A_233 : i32 to vector<16xi32>
          %sub3A_235 = arith.subi %convert_element_type3A_230, %sub3A_234 : vector<16xi32>
          %select_n3A_236 = arith.select %gt3A_232, %sub3A_235, %convert_element_type3A_230 : vector<16xi1>, vector<16xi32>
          %jit3A_237 = arith.constant 0 : i32
          %jit3A_238 = arith.constant 383 : i32
          %max3A = vector.broadcast %jit3A_237 : i32 to vector<16xi32>
          %max3A_239 = arith.maxsi %max3A, %select_n3A_229 : vector<16xi32>
          %min3A = vector.broadcast %jit3A_238 : i32 to vector<16xi32>
          %min3A_240 = arith.minsi %min3A, %max3A_239 : vector<16xi32>
          %add3A_241 = arith.constant 1 : i32
          %add3A_242 = vector.broadcast %add3A_241 : i32 to vector<16xi32>
          %add3A_243 = arith.addi %select_n3A_229, %add3A_242 : vector<16xi32>
          %jit3A_244 = arith.constant 0 : i32
          %jit3A_245 = arith.constant 383 : i32
          %max3A_246 = vector.broadcast %jit3A_244 : i32 to vector<16xi32>
          %max3A_247 = arith.maxsi %max3A_246, %add3A_243 : vector<16xi32>
          %min3A_248 = vector.broadcast %jit3A_245 : i32 to vector<16xi32>
          %min3A_249 = arith.minsi %min3A_248, %max3A_247 : vector<16xi32>
          %jit3A_250 = arith.constant 0 : i32
          %jit3A_251 = arith.constant 383 : i32
          %max3A_252 = vector.broadcast %jit3A_250 : i32 to vector<16xi32>
          %max3A_253 = arith.maxsi %max3A_252, %select_n3A_236 : vector<16xi32>
          %min3A_254 = vector.broadcast %jit3A_251 : i32 to vector<16xi32>
          %min3A_255 = arith.minsi %min3A_254, %max3A_253 : vector<16xi32>
          %add3A_256 = arith.constant 1 : i32
          %add3A_257 = vector.broadcast %add3A_256 : i32 to vector<16xi32>
          %add3A_258 = arith.addi %select_n3A_236, %add3A_257 : vector<16xi32>
          %jit3A_259 = arith.constant 0 : i32
          %jit3A_260 = arith.constant 383 : i32
          %max3A_261 = vector.broadcast %jit3A_259 : i32 to vector<16xi32>
          %max3A_262 = arith.maxsi %max3A_261, %add3A_258 : vector<16xi32>
          %min3A_263 = vector.broadcast %jit3A_260 : i32 to vector<16xi32>
          %min3A_264 = arith.minsi %min3A_263, %max3A_262 : vector<16xi32>
          %mul3A_265 = arith.constant 384 : i32
          %mul3A_266 = vector.broadcast %mul3A_265 : i32 to vector<16xi32>
          %mul3A_267 = arith.muli %min3A_255, %mul3A_266 : vector<16xi32>
          %add3A_268 = arith.addi %mul3A_267, %min3A_240 : vector<16xi32>
          %add3A_269 = vector.broadcast %mul3A_34 : i32 to vector<16xi32>
          %add3A_270 = arith.addi %add3A_268, %add3A_269 : vector<16xi32>
          %swap3A = arith.index_cast %mul3A_199 : i32 to index
          %swap3A_271 = tpu.vector_load %arg10[%swap3A] {strides = array<i32>} : memref<128xi32, #tpu.memory_space<vmem>>, vector<16xi32>,
          tpu.vector_store %arg10[%swap3A], %add3A_270 {strides = array<i32>} : memref<128xi32, #tpu.memory_space<vmem>>, vector<16xi32>,
          %convert_element_type3A_272 = arith.sitofp %min3A_240 : vector<16xi32> to vector<16xf32>
          %convert_element_type3A_273 = arith.sitofp %min3A_249 : vector<16xi32> to vector<16xf32>
          %convert_element_type3A_274 = arith.sitofp %min3A_255 : vector<16xi32> to vector<16xf32>
          %convert_element_type3A_275 = arith.sitofp %min3A_264 : vector<16xi32> to vector<16xf32>
          %sub3A_276 = arith.subf %convert_element_type3A_273, %mul3A_213 : vector<16xf32>
          %sub3A_277 = arith.subf %convert_element_type3A_275, %mul3A_223 : vector<16xf32>
          %mul3A_278 = arith.mulf %sub3A_276, %sub3A_277 : vector<16xf32>
          %sub3A_279 = arith.subf %convert_element_type3A_273, %mul3A_213 : vector<16xf32>
          %sub3A_280 = arith.subf %mul3A_223, %convert_element_type3A_274 : vector<16xf32>
          %mul3A_281 = arith.mulf %sub3A_279, %sub3A_280 : vector<16xf32>
          %sub3A_282 = arith.subf %mul3A_213, %convert_element_type3A_272 : vector<16xf32>
          %sub3A_283 = arith.subf %convert_element_type3A_275, %mul3A_223 : vector<16xf32>
          %mul3A_284 = arith.mulf %sub3A_282, %sub3A_283 : vector<16xf32>
          %sub3A_285 = arith.subf %mul3A_213, %convert_element_type3A_272 : vector<16xf32>
          %sub3A_286 = arith.subf %mul3A_223, %convert_element_type3A_274 : vector<16xf32>
          %mul3A_287 = arith.mulf %sub3A_285, %sub3A_286 : vector<16xf32>
          %eq3A_288 = arith.cmpi eq, %min3A_249, %min3A_240 : vector<16xi32>
          %eq3A_289 = arith.cmpi eq, %min3A_264, %min3A_255 : vector<16xi32>
          %select_n3A_290 = arith.select %eq3A_288, %mul3A_284, %broadcast_in_dim3A_61 : vector<16xi1>, vector<16xf32>
          %add3A_291 = arith.addf %mul3A_278, %select_n3A_290 : vector<16xf32>
          %select_n3A_292 = arith.select %eq3A_288, %broadcast_in_dim3A_61, %mul3A_284 : vector<16xi1>, vector<16xf32>
          %select_n3A_293 = arith.select %eq3A_288, %mul3A_287, %broadcast_in_dim3A_61 : vector<16xi1>, vector<16xf32>
          %add3A_294 = arith.addf %mul3A_281, %select_n3A_293 : vector<16xf32>
          %select_n3A_295 = arith.select %eq3A_288, %broadcast_in_dim3A_61, %mul3A_287 : vector<16xi1>, vector<16xf32>
          %select_n3A_296 = arith.select %eq3A_289, %add3A_294, %broadcast_in_dim3A_61 : vector<16xi1>, vector<16xf32>
          %add3A_297 = arith.addf %add3A_291, %select_n3A_296 : vector<16xf32>
          %select_n3A_298 = arith.select %eq3A_289, %broadcast_in_dim3A_61, %add3A_294 : vector<16xi1>, vector<16xf32>
          %select_n3A_299 = arith.select %eq3A_289, %select_n3A_295, %broadcast_in_dim3A_61 : vector<16xi1>, vector<16xf32>
          %add3A_300 = arith.addf %select_n3A_292, %select_n3A_299 : vector<16xf32>
          %select_n3A_301 = arith.select %eq3A_289, %broadcast_in_dim3A_61, %select_n3A_295 : vector<16xi1>, vector<16xf32>
          %swap3A_302 = arith.index_cast %sub3A_118 : i32 to index
          %swap3A_303 = arith.index_cast %mul3A_199 : i32 to index
          %swap3A_304 = tpu.vector_load %arg11[%swap3A_302, %swap3A_303] {strides = array<i32>} : memref<2x128xf32, #tpu.memory_space<vmem>>, vector<16xf32>,
          tpu.vector_store %arg11[%swap3A_302, %swap3A_303], %add3A_297 {strides = array<i32>} : memref<2x128xf32, #tpu.memory_space<vmem>>, vector<16xf32>,
          %swap3A_305 = arith.index_cast %sub3A_118 : i32 to index
          %swap3A_306 = arith.index_cast %mul3A_199 : i32 to index
          %swap3A_307 = tpu.vector_load %arg12[%swap3A_305, %swap3A_306] {strides = array<i32>} : memref<2x128xf32, #tpu.memory_space<vmem>>, vector<16xf32>,
          tpu.vector_store %arg12[%swap3A_305, %swap3A_306], %select_n3A_298 {strides = array<i32>} : memref<2x128xf32, #tpu.memory_space<vmem>>, vector<16xf32>,
          %swap3A_308 = arith.index_cast %sub3A_118 : i32 to index
          %swap3A_309 = arith.index_cast %mul3A_199 : i32 to index
          %swap3A_310 = tpu.vector_load %arg13[%swap3A_308, %swap3A_309] {strides = array<i32>} : memref<2x128xf32, #tpu.memory_space<vmem>>, vector<16xf32>,
          tpu.vector_store %arg13[%swap3A_308, %swap3A_309], %add3A_300 {strides = array<i32>} : memref<2x128xf32, #tpu.memory_space<vmem>>, vector<16xf32>,
          %swap3A_311 = arith.index_cast %sub3A_118 : i32 to index
          %swap3A_312 = arith.index_cast %mul3A_199 : i32 to index
          %swap3A_313 = tpu.vector_load %arg14[%swap3A_311, %swap3A_312] {strides = array<i32>} : memref<2x128xf32, #tpu.memory_space<vmem>>, vector<16xf32>,
          tpu.vector_store %arg14[%swap3A_311, %swap3A_312], %select_n3A_301 {strides = array<i32>} : memref<2x128xf32, #tpu.memory_space<vmem>>, vector<16xf32>,
          %scan3A_314 = arith.constant 0 : i32
          scf.yield %scan3A_314 : i32
        }
        %scan3A_188 = arith.constant 8 : i32
        %dma_start3A_189 = arith.constant 0 : i32
        %dma_start3A_190 = arith.constant 0 : i32
        %dma_start3A_191 = tpu.memref_slice %arg15[%sub3A_118, %dma_start3A_189, %dma_start3A_190] : memref<2x128x384xf32, #tpu.memory_space<vmem>> -> memref<1x128x384xf32, #tpu.memory_space<vmem>>
        %dma_start3A_192 = tpu.memref_squeeze %dma_start3A_191 : memref<1x128x384xf32, #tpu.memory_space<vmem>> -> memref<128x384xf32, #tpu.memory_space<vmem>>
        %dma_start3A_193 = arith.constant 0 : i32
        %dma_start3A_194 = arith.constant 0 : i32
        %dma_start3A_195 = tpu.memref_slice %arg2[%dma_start3A_193, %dma_start3A_194] : memref<589824x384xf32, #tpu.memory_space<hbm>> -> memref<589824x384xf32, #tpu.memory_space<hbm>>
        tpu.enqueue_indirect_dma source(%dma_start3A_195 : memref<589824x384xf32, #tpu.memory_space<hbm>>) target(%dma_start3A_192 : memref<128x384xf32, #tpu.memory_space<vmem>>) offsets(%arg10 : memref<128xi32, #tpu.memory_space<vmem>>) semaphore(%arg17 : memref<!tpu.dma_semaphore, #tpu.memory_space<semaphore_mem>>)
      } else {
      }
      %ge3A = arith.constant 2 : i32
      %ge3A_134 = arith.cmpi sge, %scan3A_113, %ge3A : i32
      %convert_element_type3A_135 = arith.extui %ge3A_134 : i1 to i32
      %cond3A_136 = arith.constant 0 : i32
      %cond3A_137 = arith.cmpi ne, %convert_element_type3A_135, %cond3A_136 : i32
      scf.if %cond3A_137 {
        %dma_wait3A_177 = arith.constant 0 : i32
        %dma_wait3A_178 = arith.constant 0 : i32
        %dma_wait3A_179 = tpu.memref_slice %arg16[%and3A_116, %dma_wait3A_177, %dma_wait3A_178] : memref<2x96x128xf32, #tpu.memory_space<vmem>> -> memref<1x96x128xf32, #tpu.memory_space<vmem>>
        %dma_wait3A_180 = tpu.memref_squeeze %dma_wait3A_179 : memref<1x96x128xf32, #tpu.memory_space<vmem>> -> memref<96x128xf32, #tpu.memory_space<vmem>>
        %dma_wait3A_181 = arith.constant 0 : i32
        %dma_wait3A_182 = tpu.memref_slice %arg6[%select_n3A, %dma_wait3A_181, %mul3A_32] : memref<4x96x50176xf32, #tpu.memory_space<hbm>> -> memref<1x96x128xf32, #tpu.memory_space<hbm>>
        %dma_wait3A_183 = tpu.memref_squeeze %dma_wait3A_182 : memref<1x96x128xf32, #tpu.memory_space<hbm>> -> memref<96x128xf32, #tpu.memory_space<hbm>>
        %dma_wait3A_184 = arith.constant 0 : i32
        %dma_wait3A_185 = tpu.memref_slice %arg6[%select_n3A, %dma_wait3A_184, %mul3A_32] : memref<4x96x50176xf32, #tpu.memory_space<hbm>> -> memref<1x96x128xf32, #tpu.memory_space<hbm>>
        %dma_wait3A_186 = tpu.memref_squeeze %dma_wait3A_185 : memref<1x96x128xf32, #tpu.memory_space<hbm>> -> memref<96x128xf32, #tpu.memory_space<hbm>>
        %dma_wait3A_187 = arith.constant 0 : i32
        %dma_wait3A_188 = arith.constant 0 : i32
        %dma_wait3A_189 = tpu.memref_slice %arg16[%and3A_116, %dma_wait3A_187, %dma_wait3A_188] : memref<2x96x128xf32, #tpu.memory_space<vmem>> -> memref<1x96x128xf32, #tpu.memory_space<vmem>>
        %dma_wait3A_190 = tpu.memref_squeeze %dma_wait3A_189 : memref<1x96x128xf32, #tpu.memory_space<vmem>> -> memref<96x128xf32, #tpu.memory_space<vmem>>
        tpu.wait_dma2 semaphore(%arg18 : memref<!tpu.dma_semaphore, #tpu.memory_space<semaphore_mem>>) src(%dma_wait3A_190 : memref<96x128xf32, #tpu.memory_space<vmem>>) dst(%dma_wait3A_186 : memref<96x128xf32, #tpu.memory_space<hbm>>)
      } else {
      }
      %broadcast_in_dim3A_138 = vector.broadcast %and3A_116 : i32 to vector<16xi32>
      %add3A_139 = arith.constant 0 : i32
      %add3A_140 = vector.broadcast %add3A_139 : i32 to vector<16xi32>
      %add3A_141 = arith.addi %add3A_140, %iota3A : vector<16xi32>
      %add3A_142 = arith.constant 16 : i32
      %add3A_143 = vector.broadcast %add3A_142 : i32 to vector<16xi32>
      %add3A_144 = arith.addi %add3A_143, %iota3A : vector<16xi32>
      %add3A_145 = arith.constant 32 : i32
      %add3A_146 = vector.broadcast %add3A_145 : i32 to vector<16xi32>
      %add3A_147 = arith.addi %add3A_146, %iota3A : vector<16xi32>
      %add3A_148 = arith.constant 48 : i32
      %add3A_149 = vector.broadcast %add3A_148 : i32 to vector<16xi32>
      %add3A_150 = arith.addi %add3A_149, %iota3A : vector<16xi32>
      %add3A_151 = arith.constant 64 : i32
      %add3A_152 = vector.broadcast %add3A_151 : i32 to vector<16xi32>
      %add3A_153 = arith.addi %add3A_152, %iota3A : vector<16xi32>
      %add3A_154 = arith.constant 80 : i32
      %add3A_155 = vector.broadcast %add3A_154 : i32 to vector<16xi32>
      %add3A_156 = arith.addi %add3A_155, %iota3A : vector<16xi32>
      %parallel_loop3A = arith.constant 0 : i32
      %parallel_loop3A_157 = arith.constant 128 : i32
      %parallel_loop3A_158 = arith.constant 1 : i32
      scf.for %parallel_loop3A_177 = %parallel_loop3A to %parallel_loop3A_157 step %parallel_loop3A_158  : i32 {
        %parallel_loop3A_178 = vector.broadcast %parallel_loop3A_177 : i32 to vector<16xi32>
        %parallel_loop3A_179 = tpu.vector_load_idx %arg11[%broadcast_in_dim3A_138, %parallel_loop3A_178] : memref<2x128xf32, #tpu.memory_space<vmem>>[vector<16xi32>, vector<16xi32>], vector<16xf32>,
        %parallel_loop3A_180 = tpu.vector_load_idx %arg12[%broadcast_in_dim3A_138, %parallel_loop3A_178] : memref<2x128xf32, #tpu.memory_space<vmem>>[vector<16xi32>, vector<16xi32>], vector<16xf32>,
        %parallel_loop3A_181 = tpu.vector_load_idx %arg13[%broadcast_in_dim3A_138, %parallel_loop3A_178] : memref<2x128xf32, #tpu.memory_space<vmem>>[vector<16xi32>, vector<16xi32>], vector<16xf32>,
        %parallel_loop3A_182 = tpu.vector_load_idx %arg14[%broadcast_in_dim3A_138, %parallel_loop3A_178] : memref<2x128xf32, #tpu.memory_space<vmem>>[vector<16xi32>, vector<16xi32>], vector<16xf32>,
        %parallel_loop3A_183 = arith.index_cast %and3A_116 : i32 to index
        %parallel_loop3A_184 = arith.index_cast %parallel_loop3A_177 : i32 to index
        %parallel_loop3A_185 = arith.constant 0 : index
        %parallel_loop3A_186 = tpu.vector_load %arg15[%parallel_loop3A_183, %parallel_loop3A_184, %parallel_loop3A_185] {strides = array<i32>} : memref<2x128x384xf32, #tpu.memory_space<vmem>>, vector<16xf32>,
        %parallel_loop3A_187 = arith.index_cast %and3A_116 : i32 to index
        %parallel_loop3A_188 = arith.index_cast %parallel_loop3A_177 : i32 to index
        %parallel_loop3A_189 = arith.constant 96 : index
        %parallel_loop3A_190 = tpu.vector_load %arg15[%parallel_loop3A_187, %parallel_loop3A_188, %parallel_loop3A_189] {strides = array<i32>} : memref<2x128x384xf32, #tpu.memory_space<vmem>>, vector<16xf32>,
        %parallel_loop3A_191 = arith.index_cast %and3A_116 : i32 to index
        %parallel_loop3A_192 = arith.index_cast %parallel_loop3A_177 : i32 to index
        %parallel_loop3A_193 = arith.constant 192 : index
        %parallel_loop3A_194 = tpu.vector_load %arg15[%parallel_loop3A_191, %parallel_loop3A_192, %parallel_loop3A_193] {strides = array<i32>} : memref<2x128x384xf32, #tpu.memory_space<vmem>>, vector<16xf32>,
        %parallel_loop3A_195 = arith.index_cast %and3A_116 : i32 to index
        %parallel_loop3A_196 = arith.index_cast %parallel_loop3A_177 : i32 to index
        %parallel_loop3A_197 = arith.constant 288 : index
        %parallel_loop3A_198 = tpu.vector_load %arg15[%parallel_loop3A_195, %parallel_loop3A_196, %parallel_loop3A_197] {strides = array<i32>} : memref<2x128x384xf32, #tpu.memory_space<vmem>>, vector<16xf32>,
        %parallel_loop3A_199 = arith.mulf %parallel_loop3A_179, %parallel_loop3A_186 : vector<16xf32>
        %parallel_loop3A_200 = arith.mulf %parallel_loop3A_180, %parallel_loop3A_194 : vector<16xf32>
        %parallel_loop3A_201 = arith.addf %parallel_loop3A_199, %parallel_loop3A_200 : vector<16xf32>
        %parallel_loop3A_202 = arith.mulf %parallel_loop3A_181, %parallel_loop3A_190 : vector<16xf32>
        %parallel_loop3A_203 = arith.addf %parallel_loop3A_201, %parallel_loop3A_202 : vector<16xf32>
        %parallel_loop3A_204 = arith.mulf %parallel_loop3A_182, %parallel_loop3A_198 : vector<16xf32>
        %parallel_loop3A_205 = arith.addf %parallel_loop3A_203, %parallel_loop3A_204 : vector<16xf32>
        tpu.vector_store_idx %arg16[%broadcast_in_dim3A_138, %add3A_141, %parallel_loop3A_178], %parallel_loop3A_205 : memref<2x96x128xf32, #tpu.memory_space<vmem>>[vector<16xi32>, vector<16xi32>, vector<16xi32>], vector<16xf32>,
        %parallel_loop3A_206 = arith.index_cast %and3A_116 : i32 to index
        %parallel_loop3A_207 = arith.index_cast %parallel_loop3A_177 : i32 to index
        %parallel_loop3A_208 = arith.constant 16 : index
        %parallel_loop3A_209 = tpu.vector_load %arg15[%parallel_loop3A_206, %parallel_loop3A_207, %parallel_loop3A_208] {strides = array<i32>} : memref<2x128x384xf32, #tpu.memory_space<vmem>>, vector<16xf32>,
        %parallel_loop3A_210 = arith.index_cast %and3A_116 : i32 to index
        %parallel_loop3A_211 = arith.index_cast %parallel_loop3A_177 : i32 to index
        %parallel_loop3A_212 = arith.constant 112 : index
        %parallel_loop3A_213 = tpu.vector_load %arg15[%parallel_loop3A_210, %parallel_loop3A_211, %parallel_loop3A_212] {strides = array<i32>} : memref<2x128x384xf32, #tpu.memory_space<vmem>>, vector<16xf32>,
        %parallel_loop3A_214 = arith.index_cast %and3A_116 : i32 to index
        %parallel_loop3A_215 = arith.index_cast %parallel_loop3A_177 : i32 to index
        %parallel_loop3A_216 = arith.constant 208 : index
        %parallel_loop3A_217 = tpu.vector_load %arg15[%parallel_loop3A_214, %parallel_loop3A_215, %parallel_loop3A_216] {strides = array<i32>} : memref<2x128x384xf32, #tpu.memory_space<vmem>>, vector<16xf32>,
        %parallel_loop3A_218 = arith.index_cast %and3A_116 : i32 to index
        %parallel_loop3A_219 = arith.index_cast %parallel_loop3A_177 : i32 to index
        %parallel_loop3A_220 = arith.constant 304 : index
        %parallel_loop3A_221 = tpu.vector_load %arg15[%parallel_loop3A_218, %parallel_loop3A_219, %parallel_loop3A_220] {strides = array<i32>} : memref<2x128x384xf32, #tpu.memory_space<vmem>>, vector<16xf32>,
        %parallel_loop3A_222 = arith.mulf %parallel_loop3A_179, %parallel_loop3A_209 : vector<16xf32>
        %parallel_loop3A_223 = arith.mulf %parallel_loop3A_180, %parallel_loop3A_217 : vector<16xf32>
        %parallel_loop3A_224 = arith.addf %parallel_loop3A_222, %parallel_loop3A_223 : vector<16xf32>
        %parallel_loop3A_225 = arith.mulf %parallel_loop3A_181, %parallel_loop3A_213 : vector<16xf32>
        %parallel_loop3A_226 = arith.addf %parallel_loop3A_224, %parallel_loop3A_225 : vector<16xf32>
        %parallel_loop3A_227 = arith.mulf %parallel_loop3A_182, %parallel_loop3A_221 : vector<16xf32>
        %parallel_loop3A_228 = arith.addf %parallel_loop3A_226, %parallel_loop3A_227 : vector<16xf32>
        tpu.vector_store_idx %arg16[%broadcast_in_dim3A_138, %add3A_144, %parallel_loop3A_178], %parallel_loop3A_228 : memref<2x96x128xf32, #tpu.memory_space<vmem>>[vector<16xi32>, vector<16xi32>, vector<16xi32>], vector<16xf32>,
        %parallel_loop3A_229 = arith.index_cast %and3A_116 : i32 to index
        %parallel_loop3A_230 = arith.index_cast %parallel_loop3A_177 : i32 to index
        %parallel_loop3A_231 = arith.constant 32 : index
        %parallel_loop3A_232 = tpu.vector_load %arg15[%parallel_loop3A_229, %parallel_loop3A_230, %parallel_loop3A_231] {strides = array<i32>} : memref<2x128x384xf32, #tpu.memory_space<vmem>>, vector<16xf32>,
        %parallel_loop3A_233 = arith.index_cast %and3A_116 : i32 to index
        %parallel_loop3A_234 = arith.index_cast %parallel_loop3A_177 : i32 to index
        %parallel_loop3A_235 = arith.constant 128 : index
        %parallel_loop3A_236 = tpu.vector_load %arg15[%parallel_loop3A_233, %parallel_loop3A_234, %parallel_loop3A_235] {strides = array<i32>} : memref<2x128x384xf32, #tpu.memory_space<vmem>>, vector<16xf32>,
        %parallel_loop3A_237 = arith.index_cast %and3A_116 : i32 to index
        %parallel_loop3A_238 = arith.index_cast %parallel_loop3A_177 : i32 to index
        %parallel_loop3A_239 = arith.constant 224 : index
        %parallel_loop3A_240 = tpu.vector_load %arg15[%parallel_loop3A_237, %parallel_loop3A_238, %parallel_loop3A_239] {strides = array<i32>} : memref<2x128x384xf32, #tpu.memory_space<vmem>>, vector<16xf32>,
        %parallel_loop3A_241 = arith.index_cast %and3A_116 : i32 to index
        %parallel_loop3A_242 = arith.index_cast %parallel_loop3A_177 : i32 to index
        %parallel_loop3A_243 = arith.constant 320 : index
        %parallel_loop3A_244 = tpu.vector_load %arg15[%parallel_loop3A_241, %parallel_loop3A_242, %parallel_loop3A_243] {strides = array<i32>} : memref<2x128x384xf32, #tpu.memory_space<vmem>>, vector<16xf32>,
        %parallel_loop3A_245 = arith.mulf %parallel_loop3A_179, %parallel_loop3A_232 : vector<16xf32>
        %parallel_loop3A_246 = arith.mulf %parallel_loop3A_180, %parallel_loop3A_240 : vector<16xf32>
        %parallel_loop3A_247 = arith.addf %parallel_loop3A_245, %parallel_loop3A_246 : vector<16xf32>
        %parallel_loop3A_248 = arith.mulf %parallel_loop3A_181, %parallel_loop3A_236 : vector<16xf32>
        %parallel_loop3A_249 = arith.addf %parallel_loop3A_247, %parallel_loop3A_248 : vector<16xf32>
        %parallel_loop3A_250 = arith.mulf %parallel_loop3A_182, %parallel_loop3A_244 : vector<16xf32>
        %parallel_loop3A_251 = arith.addf %parallel_loop3A_249, %parallel_loop3A_250 : vector<16xf32>
        tpu.vector_store_idx %arg16[%broadcast_in_dim3A_138, %add3A_147, %parallel_loop3A_178], %parallel_loop3A_251 : memref<2x96x128xf32, #tpu.memory_space<vmem>>[vector<16xi32>, vector<16xi32>, vector<16xi32>], vector<16xf32>,
        %parallel_loop3A_252 = arith.index_cast %and3A_116 : i32 to index
        %parallel_loop3A_253 = arith.index_cast %parallel_loop3A_177 : i32 to index
        %parallel_loop3A_254 = arith.constant 48 : index
        %parallel_loop3A_255 = tpu.vector_load %arg15[%parallel_loop3A_252, %parallel_loop3A_253, %parallel_loop3A_254] {strides = array<i32>} : memref<2x128x384xf32, #tpu.memory_space<vmem>>, vector<16xf32>,
        %parallel_loop3A_256 = arith.index_cast %and3A_116 : i32 to index
        %parallel_loop3A_257 = arith.index_cast %parallel_loop3A_177 : i32 to index
        %parallel_loop3A_258 = arith.constant 144 : index
        %parallel_loop3A_259 = tpu.vector_load %arg15[%parallel_loop3A_256, %parallel_loop3A_257, %parallel_loop3A_258] {strides = array<i32>} : memref<2x128x384xf32, #tpu.memory_space<vmem>>, vector<16xf32>,
        %parallel_loop3A_260 = arith.index_cast %and3A_116 : i32 to index
        %parallel_loop3A_261 = arith.index_cast %parallel_loop3A_177 : i32 to index
        %parallel_loop3A_262 = arith.constant 240 : index
        %parallel_loop3A_263 = tpu.vector_load %arg15[%parallel_loop3A_260, %parallel_loop3A_261, %parallel_loop3A_262] {strides = array<i32>} : memref<2x128x384xf32, #tpu.memory_space<vmem>>, vector<16xf32>,
        %parallel_loop3A_264 = arith.index_cast %and3A_116 : i32 to index
        %parallel_loop3A_265 = arith.index_cast %parallel_loop3A_177 : i32 to index
        %parallel_loop3A_266 = arith.constant 336 : index
        %parallel_loop3A_267 = tpu.vector_load %arg15[%parallel_loop3A_264, %parallel_loop3A_265, %parallel_loop3A_266] {strides = array<i32>} : memref<2x128x384xf32, #tpu.memory_space<vmem>>, vector<16xf32>,
        %parallel_loop3A_268 = arith.mulf %parallel_loop3A_179, %parallel_loop3A_255 : vector<16xf32>
        %parallel_loop3A_269 = arith.mulf %parallel_loop3A_180, %parallel_loop3A_263 : vector<16xf32>
        %parallel_loop3A_270 = arith.addf %parallel_loop3A_268, %parallel_loop3A_269 : vector<16xf32>
        %parallel_loop3A_271 = arith.mulf %parallel_loop3A_181, %parallel_loop3A_259 : vector<16xf32>
        %parallel_loop3A_272 = arith.addf %parallel_loop3A_270, %parallel_loop3A_271 : vector<16xf32>
        %parallel_loop3A_273 = arith.mulf %parallel_loop3A_182, %parallel_loop3A_267 : vector<16xf32>
        %parallel_loop3A_274 = arith.addf %parallel_loop3A_272, %parallel_loop3A_273 : vector<16xf32>
        tpu.vector_store_idx %arg16[%broadcast_in_dim3A_138, %add3A_150, %parallel_loop3A_178], %parallel_loop3A_274 : memref<2x96x128xf32, #tpu.memory_space<vmem>>[vector<16xi32>, vector<16xi32>, vector<16xi32>], vector<16xf32>,
        %parallel_loop3A_275 = arith.index_cast %and3A_116 : i32 to index
        %parallel_loop3A_276 = arith.index_cast %parallel_loop3A_177 : i32 to index
        %parallel_loop3A_277 = arith.constant 64 : index
        %parallel_loop3A_278 = tpu.vector_load %arg15[%parallel_loop3A_275, %parallel_loop3A_276, %parallel_loop3A_277] {strides = array<i32>} : memref<2x128x384xf32, #tpu.memory_space<vmem>>, vector<16xf32>,
        %parallel_loop3A_279 = arith.index_cast %and3A_116 : i32 to index
        %parallel_loop3A_280 = arith.index_cast %parallel_loop3A_177 : i32 to index
        %parallel_loop3A_281 = arith.constant 160 : index
        %parallel_loop3A_282 = tpu.vector_load %arg15[%parallel_loop3A_279, %parallel_loop3A_280, %parallel_loop3A_281] {strides = array<i32>} : memref<2x128x384xf32, #tpu.memory_space<vmem>>, vector<16xf32>,
        %parallel_loop3A_283 = arith.index_cast %and3A_116 : i32 to index
        %parallel_loop3A_284 = arith.index_cast %parallel_loop3A_177 : i32 to index
        %parallel_loop3A_285 = arith.constant 256 : index
        %parallel_loop3A_286 = tpu.vector_load %arg15[%parallel_loop3A_283, %parallel_loop3A_284, %parallel_loop3A_285] {strides = array<i32>} : memref<2x128x384xf32, #tpu.memory_space<vmem>>, vector<16xf32>,
        %parallel_loop3A_287 = arith.index_cast %and3A_116 : i32 to index
        %parallel_loop3A_288 = arith.index_cast %parallel_loop3A_177 : i32 to index
        %parallel_loop3A_289 = arith.constant 352 : index
        %parallel_loop3A_290 = tpu.vector_load %arg15[%parallel_loop3A_287, %parallel_loop3A_288, %parallel_loop3A_289] {strides = array<i32>} : memref<2x128x384xf32, #tpu.memory_space<vmem>>, vector<16xf32>,
        %parallel_loop3A_291 = arith.mulf %parallel_loop3A_179, %parallel_loop3A_278 : vector<16xf32>
        %parallel_loop3A_292 = arith.mulf %parallel_loop3A_180, %parallel_loop3A_286 : vector<16xf32>
        %parallel_loop3A_293 = arith.addf %parallel_loop3A_291, %parallel_loop3A_292 : vector<16xf32>
        %parallel_loop3A_294 = arith.mulf %parallel_loop3A_181, %parallel_loop3A_282 : vector<16xf32>
        %parallel_loop3A_295 = arith.addf %parallel_loop3A_293, %parallel_loop3A_294 : vector<16xf32>
        %parallel_loop3A_296 = arith.mulf %parallel_loop3A_182, %parallel_loop3A_290 : vector<16xf32>
        %parallel_loop3A_297 = arith.addf %parallel_loop3A_295, %parallel_loop3A_296 : vector<16xf32>
        tpu.vector_store_idx %arg16[%broadcast_in_dim3A_138, %add3A_153, %parallel_loop3A_178], %parallel_loop3A_297 : memref<2x96x128xf32, #tpu.memory_space<vmem>>[vector<16xi32>, vector<16xi32>, vector<16xi32>], vector<16xf32>,
        %parallel_loop3A_298 = arith.index_cast %and3A_116 : i32 to index
        %parallel_loop3A_299 = arith.index_cast %parallel_loop3A_177 : i32 to index
        %parallel_loop3A_300 = arith.constant 80 : index
        %parallel_loop3A_301 = tpu.vector_load %arg15[%parallel_loop3A_298, %parallel_loop3A_299, %parallel_loop3A_300] {strides = array<i32>} : memref<2x128x384xf32, #tpu.memory_space<vmem>>, vector<16xf32>,
        %parallel_loop3A_302 = arith.index_cast %and3A_116 : i32 to index
        %parallel_loop3A_303 = arith.index_cast %parallel_loop3A_177 : i32 to index
        %parallel_loop3A_304 = arith.constant 176 : index
        %parallel_loop3A_305 = tpu.vector_load %arg15[%parallel_loop3A_302, %parallel_loop3A_303, %parallel_loop3A_304] {strides = array<i32>} : memref<2x128x384xf32, #tpu.memory_space<vmem>>, vector<16xf32>,
        %parallel_loop3A_306 = arith.index_cast %and3A_116 : i32 to index
        %parallel_loop3A_307 = arith.index_cast %parallel_loop3A_177 : i32 to index
        %parallel_loop3A_308 = arith.constant 272 : index
        %parallel_loop3A_309 = tpu.vector_load %arg15[%parallel_loop3A_306, %parallel_loop3A_307, %parallel_loop3A_308] {strides = array<i32>} : memref<2x128x384xf32, #tpu.memory_space<vmem>>, vector<16xf32>,
        %parallel_loop3A_310 = arith.index_cast %and3A_116 : i32 to index
        %parallel_loop3A_311 = arith.index_cast %parallel_loop3A_177 : i32 to index
        %parallel_loop3A_312 = arith.constant 368 : index
        %parallel_loop3A_313 = tpu.vector_load %arg15[%parallel_loop3A_310, %parallel_loop3A_311, %parallel_loop3A_312] {strides = array<i32>} : memref<2x128x384xf32, #tpu.memory_space<vmem>>, vector<16xf32>,
        %parallel_loop3A_314 = arith.mulf %parallel_loop3A_179, %parallel_loop3A_301 : vector<16xf32>
        %parallel_loop3A_315 = arith.mulf %parallel_loop3A_180, %parallel_loop3A_309 : vector<16xf32>
        %parallel_loop3A_316 = arith.addf %parallel_loop3A_314, %parallel_loop3A_315 : vector<16xf32>
        %parallel_loop3A_317 = arith.mulf %parallel_loop3A_181, %parallel_loop3A_305 : vector<16xf32>
        %parallel_loop3A_318 = arith.addf %parallel_loop3A_316, %parallel_loop3A_317 : vector<16xf32>
        %parallel_loop3A_319 = arith.mulf %parallel_loop3A_182, %parallel_loop3A_313 : vector<16xf32>
        %parallel_loop3A_320 = arith.addf %parallel_loop3A_318, %parallel_loop3A_319 : vector<16xf32>
        tpu.vector_store_idx %arg16[%broadcast_in_dim3A_138, %add3A_156, %parallel_loop3A_178], %parallel_loop3A_320 : memref<2x96x128xf32, #tpu.memory_space<vmem>>[vector<16xi32>, vector<16xi32>, vector<16xi32>], vector<16xf32>,
      } {sc.loop_unroll_factor = 4 : i64, sc.parallel_access}
      %mul3A_159 = arith.constant 128 : i32
      %mul3A_160 = arith.muli %scan3A_113, %mul3A_159 : i32
      %add3A_161 = arith.addi %mul3A_32, %mul3A_160 : i32
      %dma_start3A_162 = arith.constant 0 : i32
      %dma_start3A_163 = arith.constant 0 : i32
      %dma_start3A_164 = tpu.memref_slice %arg16[%and3A_116, %dma_start3A_162, %dma_start3A_163] : memref<2x96x128xf32, #tpu.memory_space<vmem>> -> memref<1x96x128xf32, #tpu.memory_space<vmem>>
      %dma_start3A_165 = tpu.memref_squeeze %dma_start3A_164 : memref<1x96x128xf32, #tpu.memory_space<vmem>> -> memref<96x128xf32, #tpu.memory_space<vmem>>
      %dma_start3A_166 = arith.constant 0 : i32
      %dma_start3A_167 = tpu.memref_slice %arg6[%select_n3A, %dma_start3A_166, %add3A_161] : memref<4x96x50176xf32, #tpu.memory_space<hbm>> -> memref<1x96x128xf32, #tpu.memory_space<hbm>>
      %dma_start3A_168 = tpu.memref_squeeze %dma_start3A_167 : memref<1x96x128xf32, #tpu.memory_space<hbm>> -> memref<96x128xf32, #tpu.memory_space<hbm>>
      %dma_start3A_169 = arith.constant 0 : i32
      %dma_start3A_170 = tpu.memref_slice %arg6[%select_n3A, %dma_start3A_169, %add3A_161] : memref<4x96x50176xf32, #tpu.memory_space<hbm>> -> memref<1x96x128xf32, #tpu.memory_space<hbm>>
      %dma_start3A_171 = tpu.memref_squeeze %dma_start3A_170 : memref<1x96x128xf32, #tpu.memory_space<hbm>> -> memref<96x128xf32, #tpu.memory_space<hbm>>
      %dma_start3A_172 = arith.constant 0 : i32
      %dma_start3A_173 = arith.constant 0 : i32
      %dma_start3A_174 = tpu.memref_slice %arg16[%and3A_116, %dma_start3A_172, %dma_start3A_173] : memref<2x96x128xf32, #tpu.memory_space<vmem>> -> memref<1x96x128xf32, #tpu.memory_space<vmem>>
      %dma_start3A_175 = tpu.memref_squeeze %dma_start3A_174 : memref<1x96x128xf32, #tpu.memory_space<vmem>> -> memref<96x128xf32, #tpu.memory_space<vmem>>
      tpu.enqueue_dma source(%dma_start3A_175 : memref<96x128xf32, #tpu.memory_space<vmem>>) target(%dma_start3A_171 : memref<96x128xf32, #tpu.memory_space<hbm>>) target_semaphore(%arg18 : memref<!tpu.dma_semaphore, #tpu.memory_space<semaphore_mem>>)
      %scan3A_176 = arith.constant 0 : i32
      scf.yield %scan3A_176 : i32
    }
    %scan3A_83 = arith.constant 49 : i32
    %dma_wait3A = arith.constant 0 : i32
    %dma_wait3A_84 = arith.constant 0 : i32
    %dma_wait3A_85 = arith.constant 0 : i32
    %dma_wait3A_86 = tpu.memref_slice %arg16[%dma_wait3A, %dma_wait3A_84, %dma_wait3A_85] : memref<2x96x128xf32, #tpu.memory_space<vmem>> -> memref<1x96x128xf32, #tpu.memory_space<vmem>>
    %dma_wait3A_87 = tpu.memref_squeeze %dma_wait3A_86 : memref<1x96x128xf32, #tpu.memory_space<vmem>> -> memref<96x128xf32, #tpu.memory_space<vmem>>
    %dma_wait3A_88 = arith.constant 0 : i32
    %dma_wait3A_89 = tpu.memref_slice %arg6[%select_n3A, %dma_wait3A_88, %mul3A_32] : memref<4x96x50176xf32, #tpu.memory_space<hbm>> -> memref<1x96x128xf32, #tpu.memory_space<hbm>>
    %dma_wait3A_90 = tpu.memref_squeeze %dma_wait3A_89 : memref<1x96x128xf32, #tpu.memory_space<hbm>> -> memref<96x128xf32, #tpu.memory_space<hbm>>
    %dma_wait3A_91 = arith.constant 0 : i32
    %dma_wait3A_92 = tpu.memref_slice %arg6[%select_n3A, %dma_wait3A_91, %mul3A_32] : memref<4x96x50176xf32, #tpu.memory_space<hbm>> -> memref<1x96x128xf32, #tpu.memory_space<hbm>>
    %dma_wait3A_93 = tpu.memref_squeeze %dma_wait3A_92 : memref<1x96x128xf32, #tpu.memory_space<hbm>> -> memref<96x128xf32, #tpu.memory_space<hbm>>
    %dma_wait3A_94 = arith.constant 0 : i32
    %dma_wait3A_95 = arith.constant 0 : i32
    %dma_wait3A_96 = tpu.memref_slice %arg16[%dma_wait3A, %dma_wait3A_94, %dma_wait3A_95] : memref<2x96x128xf32, #tpu.memory_space<vmem>> -> memref<1x96x128xf32, #tpu.memory_space<vmem>>
    %dma_wait3A_97 = tpu.memref_squeeze %dma_wait3A_96 : memref<1x96x128xf32, #tpu.memory_space<vmem>> -> memref<96x128xf32, #tpu.memory_space<vmem>>
    tpu.wait_dma2 semaphore(%arg18 : memref<!tpu.dma_semaphore, #tpu.memory_space<semaphore_mem>>) src(%dma_wait3A_97 : memref<96x128xf32, #tpu.memory_space<vmem>>) dst(%dma_wait3A_93 : memref<96x128xf32, #tpu.memory_space<hbm>>)
    %dma_wait3A_98 = arith.constant 1 : i32
    %dma_wait3A_99 = arith.constant 0 : i32
    %dma_wait3A_100 = arith.constant 0 : i32
    %dma_wait3A_101 = tpu.memref_slice %arg16[%dma_wait3A_98, %dma_wait3A_99, %dma_wait3A_100] : memref<2x96x128xf32, #tpu.memory_space<vmem>> -> memref<1x96x128xf32, #tpu.memory_space<vmem>>
    %dma_wait3A_102 = tpu.memref_squeeze %dma_wait3A_101 : memref<1x96x128xf32, #tpu.memory_space<vmem>> -> memref<96x128xf32, #tpu.memory_space<vmem>>
    %dma_wait3A_103 = arith.constant 0 : i32
    %dma_wait3A_104 = tpu.memref_slice %arg6[%select_n3A, %dma_wait3A_103, %mul3A_32] : memref<4x96x50176xf32, #tpu.memory_space<hbm>> -> memref<1x96x128xf32, #tpu.memory_space<hbm>>
    %dma_wait3A_105 = tpu.memref_squeeze %dma_wait3A_104 : memref<1x96x128xf32, #tpu.memory_space<hbm>> -> memref<96x128xf32, #tpu.memory_space<hbm>>
    %dma_wait3A_106 = arith.constant 0 : i32
    %dma_wait3A_107 = tpu.memref_slice %arg6[%select_n3A, %dma_wait3A_106, %mul3A_32] : memref<4x96x50176xf32, #tpu.memory_space<hbm>> -> memref<1x96x128xf32, #tpu.memory_space<hbm>>
    %dma_wait3A_108 = tpu.memref_squeeze %dma_wait3A_107 : memref<1x96x128xf32, #tpu.memory_space<hbm>> -> memref<96x128xf32, #tpu.memory_space<hbm>>
    %dma_wait3A_109 = arith.constant 0 : i32
    %dma_wait3A_110 = arith.constant 0 : i32
    %dma_wait3A_111 = tpu.memref_slice %arg16[%dma_wait3A_98, %dma_wait3A_109, %dma_wait3A_110] : memref<2x96x128xf32, #tpu.memory_space<vmem>> -> memref<1x96x128xf32, #tpu.memory_space<vmem>>
    %dma_wait3A_112 = tpu.memref_squeeze %dma_wait3A_111 : memref<1x96x128xf32, #tpu.memory_space<vmem>> -> memref<96x128xf32, #tpu.memory_space<vmem>>
    tpu.wait_dma2 semaphore(%arg18 : memref<!tpu.dma_semaphore, #tpu.memory_space<semaphore_mem>>) src(%dma_wait3A_112 : memref<96x128xf32, #tpu.memory_space<vmem>>) dst(%dma_wait3A_108 : memref<96x128xf32, #tpu.memory_space<hbm>>)
    return
  }
}

</mosaic_0001>

<sc_bundles>
// kernel: kernel.4.cloned.1.call-start
scs
__scs_entry_jumppad:
0x0: {  	(pc) =	sbr.rel $0x88, $3  }
0x1: {  	(tag) =	ssettag $0x0;
	lr =	simm.s32 $0x1  }
0x2: {  	[smem:$0x3F9F] =	sst lr;
	_ =	strace $0xD0000000  }
0x3: {  	_ = 	snop  }
0x4: {  	_ = 	snop  }
0x5: {  	_ = 	snop  }
0x6: {  	_ = 	snop  }
0x7: {  	_ = 	snop  }
__scs_overlays_trampoline_lowered:
0x8: {  	[smem:$0x3FAE] =	sst s0  }
0x9: {  	[smem:$0x3FAF] =	sst s1  }
0xa: {  	[smem:$0x3FB0] =	sst s2  }
0xb: {  	[smem:$0x3FB1] =	sst s3  }
0xc: {  	[smem:$0x3FB2] =	sst s4  }
0xd: {  	[smem:$0x3FB3] =	sst s5  }
0xe: {  	[smem:$0x3FB4] =	sst s6  }
0xf: {  	[smem:$0x3FB5] =	sst s7  }
0x10: {  	[smem:$0x3FB6] =	sst s8  }
0x11: {  	[smem:$0x3FB7] =	sst s9;
	s0 =	simm.s32 @!p0 $0x0  }
0x12: {  	s1 =	sld [smem:$0x3F9D];
	s0 =	simm.s32 @p0 $0x1  }
0x13: {  	[smem:$0x3FB8] =	sst s0;
	s0 =	simm.s32 @!p1 $0x0  }
0x14: {  	s2 =	sld [smem:$0x3F9C];
	s0 =	simm.s32 @p1 $0x1  }
0x15: {  	[smem:$0x3FB9] =	sst s0;
	s0 =	simm.s32 @!p2 $0x0  }
0x16: {  	s3 =	sld [smem:$0x3FDB];
	s0 =	simm.s32 @p2 $0x1  }
0x17: {  	s4 =	simm.s32 $0x1BF5;
	[smem:$0x3FBB] =	sst s0  }
0x18: {  	s0 =	sld [smem:$0x3F9E];
	_ =	swait.ge [sflag:s4], $0x0  }
0x19: {  	s7 =	sld [smem:$0x3F9F]  }
0x1a: {  	s8 =	sadd.s32 $0xFFFFE003, lr  }
0x1b: {  	s9 =	sadd.s32 $0xFFFFFEF7, lr;
	s5 =	simm.s32 $0xFFFFFFFF;
	p2 =	slt.u32 s8, $0xFFFFF086  }
0x1c: {  	p1 =	slt.u32 s9, $0xF7A;
	s5 =	simm.s32 @!p2 $0x0  }
0x1d: {  	s5 =	simm.s32 @p1 $0x1;
	p0 =	seq.s32 s7, s2  }
0x1e: {  	s7 =	smul.u32 @!p0 $0xF7A, s2;
	p2 =	seq.s32 @!p0 s5, $0x0  }
0x1f: {  	s9 =	smul.u32 $0xF7A, s1;
	s8 =	simm.s32 @!p0 $0x1BF5;
	p2 =	por !p2, p0  }
0x20: {  	[sflag:s8] =	ssyncset.s32 @!p0 $0xFFFFF086;
	s6 =	sadd.s32 @!p0 s3, s7;
	s7 =	simm.s32 @!p0 $0x108  }
0x21: {  	s3 =	sadd.s32 s3, s9;
	s6 =	sadd.s32 @!p0 $0x88, s6;
	s7 =	simm.s32 @p2 $0x1082  }
0x22: {  	[simem:s7], [sflag:s8] =	dma.local @!p0 [hbm:s6], $0xF7A  }
0x23: {  	s9 =	sor.u32 $0xD0000000, s2;
	s6 =	simm.s32 $0x108;
	_ =	swait.ge @!p0 [sflag:s8], $0x0  }
0x24: {  	s3 =	sadd.s32 $0x88, s3;
	s6 =	simm.s32 @!p1 $0x1082;
	[sflag:s4] =	ssyncset.s32 $0xFFFFF086  }
0x25: {  	[simem:s6], [sflag:s4] =	dma.local [hbm:s3], $0xF7A  }
0x26: {  	[smem:$0x3F9F] =	sst s1;
	(tag) =	ssettag s2;
	_ =	strace s9  }
0x27: {  	s1 =	sld [smem:$0x3FAF]  }
0x28: {  	s2 =	sld [smem:$0x3FB0]  }
0x29: {  	s4 =	sld [smem:$0x3FB2]  }
0x2a: {  	p0 =	seq.s32 s5, $0x0;
	s5 =	sld [smem:$0x3FB3]  }
0x2b: {  	s6 =	sld [smem:$0x3FB4]  }
0x2c: {  	s7 =	sld [smem:$0x3FB5]  }
0x2d: {  	s3 =	simm.s32 $0x108;
	s8 =	sld [smem:$0x3FB6]  }
0x2e: {  	s3 =	simm.s32 @!p0 $0x1082;
	s9 =	sld [smem:$0x3FB7]  }
0x2f: {  	lr =	sadd.s32 s0, s3;
	s0 =	sld [smem:$0x3FAE]  }
0x30: {  	s3 =	sld [smem:$0x3FB1]  }
0x31: {  	[smem:$0x3FBA] =	sst s10  }
0x32: {  	s10 =	sld [smem:$0x3FB8];
	_ =	sdelay $0x3  }
0x33: {  	p0 =	seq.s32 s10, $0x1;
	s10 =	sld [smem:$0x3FBA];
	_ =	sdelay $0x3  }
0x34: {  	[smem:$0x3FBA] =	sst s10  }
0x35: {  	s10 =	sld [smem:$0x3FB9];
	_ =	sdelay $0x3  }
0x36: {  	p1 =	seq.s32 s10, $0x1;
	s10 =	sld [smem:$0x3FBA];
	_ =	sdelay $0x3  }
0x37: {  	[smem:$0x3FBA] =	sst s10  }
0x38: {  	s10 =	sld [smem:$0x3FBB]  }
0x39: {  	_ = 	snop;
	(pc) =	sbr.ind lr, $3  }
0x3a: {  	_ = 	snop  }
0x3b: {  	_ = 	snop  }
0x3c: {  	p2 =	seq.s32 s10, $0x1;
	s10 =	sld [smem:$0x3FBA]  }
0x3d: {  	_ =	shalt  }
0x3e: {  	_ =	shalt  }
0x3f: {  	_ =	shalt  }
0x40: {  	_ =	shalt  }
0x41: {  	_ =	shalt  }
0x42: {  	_ =	shalt  }
0x43: {  	_ =	shalt  }
0x44: {  	_ =	shalt  }
0x45: {  	_ =	shalt  }
0x46: {  	_ =	shalt  }
0x47: {  	_ =	shalt  }
0x48: {  	_ =	shalt  }
0x49: {  	_ =	shalt  }
0x4a: {  	_ =	shalt  }
0x4b: {  	_ =	shalt  }
0x4c: {  	_ =	shalt  }
0x4d: {  	_ =	shalt  }
0x4e: {  	_ =	shalt  }
0x4f: {  	_ =	shalt  }
0x50: {  	_ =	shalt  }
0x51: {  	_ =	shalt  }
0x52: {  	_ =	shalt  }
0x53: {  	_ =	shalt  }
0x54: {  	_ =	shalt  }
0x55: {  	_ =	shalt  }
0x56: {  	_ =	shalt  }
0x57: {  	_ =	shalt  }
0x58: {  	_ =	shalt  }
0x59: {  	_ =	shalt  }
0x5a: {  	_ =	shalt  }
0x5b: {  	_ =	shalt  }
0x5c: {  	_ =	shalt  }
0x5d: {  	_ =	shalt  }
0x5e: {  	_ =	shalt  }
0x5f: {  	_ =	shalt  }
0x60: {  	_ =	shalt  }
0x61: {  	_ =	shalt  }
0x62: {  	_ =	shalt  }
0x63: {  	_ =	shalt  }
0x64: {  	_ =	shalt  }
0x65: {  	_ =	shalt  }
0x66: {  	_ =	shalt  }
0x67: {  	_ =	shalt  }
0x68: {  	_ =	shalt  }
0x69: {  	_ =	shalt  }
0x6a: {  	_ =	shalt  }
0x6b: {  	_ =	shalt  }
0x6c: {  	_ =	shalt  }
0x6d: {  	_ =	shalt  }
0x6e: {  	_ =	shalt  }
0x6f: {  	_ =	shalt  }
0x70: {  	_ =	shalt  }
0x71: {  	_ =	shalt  }
0x72: {  	_ =	shalt  }
0x73: {  	_ =	shalt  }
0x74: {  	_ =	shalt  }
0x75: {  	_ =	shalt  }
0x76: {  	_ =	shalt  }
0x77: {  	_ =	shalt  }
0x78: {  	_ =	shalt  }
0x79: {  	_ =	shalt  }
0x7a: {  	_ =	shalt  }
0x7b: {  	_ =	shalt  }
0x7c: {  	_ =	shalt  }
0x7d: {  	_ =	shalt  }
0x7e: {  	_ =	shalt  }
0x7f: {  	_ =	shalt  }
0x80: {  	_ =	shalt  }
0x81: {  	_ =	shalt  }
0x82: {  	_ =	shalt  }
0x83: {  	_ =	shalt  }
0x84: {  	_ =	shalt  }
0x85: {  	_ =	shalt  }
0x86: {  	_ =	shalt  }
0x87: {  	_ =	shalt  }
.Lfunc_end0:
.L_simem_size_0:
called_computation.1_lowered:
.L_overlay_start_0:
0x88: {  	s2 =	sld [smem:$0x3FD9]  }
0x89: {  	s3 =	sld [smem:$0x3FFE];
	_ =	sdelay $0x1  }
0x8a: {  	s1 =	srdreg.scid  }
0x8b: {  	s0 =	sand.u32 $0x1, s1  }
0x8c: {  	s16 =	sshll.u32 s0, $0xA;
	s2 =	sadd.s32 s3, s2  }
0x8d: {  	s2 =	sadd.s32 s2, s16  }
0x8e: {  	[smem:$0x3FC6] =	sst s2  }
0x8f: {  	_ = 	snop  }
0x90: {  	(tm) =	ssettm $0x1  }
0x91: {  	s17 =	sld [smem:$0x3FFB];
	_ =	sdelay $0x3  }
0x92: {  	_ =	strace s17  }
0x93: {  	s2 =	sld [smem:$0x3FFC];
	_ =	sdelay $0x3  }
0x94: {  	_ =	strace s2  }
0x95: {  	s2 =	sld [smem:$0x3FFD];
	_ =	sdelay $0x3  }
0x96: {  	_ =	strace s2  }
0x97: {  	_ =	strace $0x8FFFFFFF  }
0x98: {  	s18 =	sld [smem:$0x3FDB];
	_ =	sdelay $0x1  }
0x99: {  	s19 =	simm.s32 $_scs_section_size  }
0x9a: {  	s4 =	simm.s32 $_size__tile_overlayer_lowered;
	s5 =	simm.s32 $_tile_overlayer_lowered  }
0x9b: {  	s22 =	simm.s32 $0x1BFF;
	s21 =	sshll.u32 s5, $0x1;
	s2 =	sadd.s32 s19, s18  }
0x9c: {  	s6 =	simm.s32 $0x0;
	s20 =	sshll.u32 s4, $0x1;
	s4 =	sadd.s32 s21, s2  }
0x9d: {  	[timem:s6], [sflag:s22] =	dma.local [hbm:s4], s20  }
0x9e: {  	_ =	swait.ge [sflag:s22], s20  }
0x9f: {  	s3 =	ssub.s32 $0x0, s20;
	[sflag:s22] =	ssyncset.done $0x0  }
0xa0: {  	[sflag:s22] =	ssyncadd.s32 s3;
	_ =	sdelay $0x1  }
0xa1: {  	s23 =	simm.s32 $0x1B8B  }
0xa2: {  	_ =	swait.ge [sflag:s23], $0x1  }
0xa3: {  	[sflag:s23] =	ssyncset.done $0x0  }
0xa4: {  	s25 =	simm.s32 $0x1B8E;
	s24 =	sld [smem:$0x3FFE];
	[sflag:s23] =	ssyncadd.s32 $0xFFFFFFFF  }
0xa5: {  	s26 =	simm.s32 $execute0_lowered;
	[smem:$0x3FD2] =	sst s25  }
0xa6: {  	s4 =	sshll.u32 s26, $0x1;
	_ =	strace $0x80000049;
	[dreg:$0x1] =	wrdreg $0xFFFFFFFF  }
0xa7: {  	s28 =	simm.s32 $_size_execute0_lowered;
	s2 =	sadd.s32 s2, s4;
	[dreg:$0x0] =	wrdreg $0x0  }
0xa8: {  	s4 =	sshll.u32 s28, $0x1;
	[dreg:$0x2] =	wrdreg s2  }
0xa9: {  	[dreg:$0x3] =	wrdreg s4  }
0xaa: {  	[dreg:$0x4] =	wrdreg $0xC0  }
0xab: {  	_ =	task [dreg:s6], $0x5FFFF  }
0xac: {  	[dreg:$0x1] =	wrdreg $0xFFFFFFFF  }
0xad: {  	[dreg:$0x0] =	wrdreg $0x60  }
0xae: {  	[dreg:$0x2] =	wrdreg s24  }
0xaf: {  	[dreg:$0x3] =	wrdreg $0x9  }
0xb0: {  	_ =	task.clear_ibuf [dreg:s6], $0x4FFFF;
	_ =	strace $0x90000049  }
0xb1: {  	s29 =	simm.s32 $0x9;
	_ =	strace $0x8000004B  }
0xb2: {  	_ =	swait.ge [sflag:s29], $0x1  }
0xb3: {  	[sflag:s29] =	ssyncadd.s32 $0xFFFFFFFF  }
0xb4: {  	_ =	strace $0x9000004B  }
0xb5: {  	_ =	sfence  }
0xb6: {  	s30 =	sld [smem:$0x0];
	_ =	sdelay $0x2  }
0xb7: {  	s31 =	sshll.u32 s1, $0xD;
	s1 =	sshrl.u32 s1, $0x2  }
0xb8: {  	s3 =	sand.u32 $0x4000, s31;
	s1 =	sadd.s32 s1, s30  }
0xb9: {  	s0 =	sor.u32 s3, s0;
	s1 =	sshll.u32 s1, $0x11  }
0xba: {  	s0 =	sor.u32 s1, s0  }
0xbb: {  	s0 =	sadd.s32 $0x8F2B, s0  }
0xbc: {  	[sflag:s0] =	ssyncadd.remote.s32 $0x1  }
0xbd: {  	_ =	sfence.sel $0xFFFF  }
0xbe: {  	[dreg:$0x0] =	wrdreg $0xFFFFFFFF;
	(pc) =	sbr.abs _section_cstart, $3  }
0xbf: {  	[dreg:$0x1] =	wrdreg $0xFFFFFFFF  }
0xc0: {  	_ =	task.clear_ibuf [dreg:s6], $0x2FFFF;
	_ =	strace $0x9FFFFFFF  }
0xc1: {  	(tm) =	ssettm $0x7FFFFFFF  }
tec
execute0_lowered:
.L_overlay_start_1:
0x0: {  	(tag) =	ssettag $0x1  }
0x1: {  	s5 =	rddreg [dreg:$0x0]  }
0x2: {  	s0 =	rddreg [dreg:$0x1];
	s2 =	simm.s32 $0x0  }
0x3: {  	s3 =	srdreg.scid;
	s1 =	stileid.u32;
	s12 =	simm.s32 $0x1  }
0x4: {  	s13 =	simm.s32 $0x2;
	s14 =	simm.s32 $0x0;
	[smem:$0x7FF] =	sst s2  }
0x5: {  	s3 =	sand.u32 $0x1, s3;
	s4 =	sshll.u32 s1, $0x1;
	_ =	strace $0x8000004A  }
.Ltmp0:
0x6: {  	s6 =	ssub.s32 $0x2, s3;
	s7 =	sor.u32 s3, s4;
	(pc) =	sbr.rel .LBB2_1-.Ltmp0, $4  }
0x7: {  	s3 =	sadd.s32 $0xE00, s5;
	s8 =	sshrl.u32 s6, $0x1;
	s9 =	smul.u32 $0x36000, s7  }
0x8: {  	s4 =	sadd.s32 $0x6C2600, s5;
	s5 =	sadd.s32 $0xE0C, s5;
	s11 =	ssub.s32 s6, s8  }
0x9: {  	s6 =	smul.u32 $0x4800, s7;
	s7 =	sadd.s32 s3, s9;
	s8 =	sadd.s32 s9, s5  }
0xa: {  	s11 =	smax.u32 s11, $0x1;
	s9 =	sadd.s32 $0x1200, s7;
	s10 =	sadd.s32 $0x120C, s7  }
.LBB2_21:
0xb: {  	s14 =	sadd.s32 $0x1, s14  }
0xc: {  	p0 =	sne.s32 s14, s11  }
.Ltmp1:
0xd: {  	_ = 	snop;
	(pc) =	sbr.rel @!p0 .LBB2_22-.Ltmp1, $1  }
0xe: {  	_ =	sdelay $0x3  }
.LBB2_1:
0xf: {  	s15 =	simm.s32 $0xC  }
0x10: {  	s18 =	sadd.s32 $0x0, s7;
	s16 =	simm.s32 $0x180;
	s17 =	simm.s32 $0x0  }
.LBB2_2:
0x11: {  	[tilespmem:s17], [sflag:$0x1] =	stream.linear.gather [hbm4b:s18+s2], $0x60, $0x38;
	[tilespmem:$0x18000] =	vst v63  }
0x12: {  	s18 =	smov.u32 s15;
	s17 =	smov.u32 s16;
	p0 =	sne.s32 s15, $0x5F4  }
.Ltmp2:
0x13: {  	s15 =	sadd.s32 $0xC, s15;
	(pc) =	sbr.rel @p0 .LBB2_2-.Ltmp2, $2  }
0x14: {  	_ =	sdelay $0x2  }
0x15: {  	s16 =	sadd.s32 $0x180, s16;
	s18 =	sadd.s32 s18, s7  }
0x16: {  	[tilespmem:s17], [sflag:$0x1] =	stream.linear.gather [hbm4b:s18+s2], $0x60, $0x38;
	[tilespmem:$0x18000] =	vst v63  }
0x17: {  	s15 =	simm.s32 $0x60  }
0x18: {  	s16 =	simm.s32 $0xC;
	s18 =	sadd.s32 $0x0, s8;
	s17 =	simm.s32 $0x1E0  }
.LBB2_4:
0x19: {  	[tilespmem:s15], [sflag:$0x1] =	stream.linear.gather [hbm4b:s18+s2], $0x60, $0x38;
	[tilespmem:$0x18000] =	vst v63  }
0x1a: {  	s18 =	smov.u32 s16;
	s15 =	smov.u32 s17;
	p0 =	sne.s32 s16, $0x5F4  }
.Ltmp3:
0x1b: {  	s16 =	sadd.s32 $0xC, s16;
	(pc) =	sbr.rel @p0 .LBB2_4-.Ltmp3, $2  }
0x1c: {  	_ =	sdelay $0x2  }
0x1d: {  	s17 =	sadd.s32 $0x180, s17;
	s18 =	sadd.s32 s18, s8  }
0x1e: {  	[tilespmem:s15], [sflag:$0x1] =	stream.linear.gather [hbm4b:s18+s2], $0x60, $0x38;
	[tilespmem:$0x18000] =	vst v63  }
0x1f: {  	s15 =	simm.s32 $0xC0  }
0x20: {  	s16 =	simm.s32 $0xC;
	s18 =	sadd.s32 $0x0, s9;
	s17 =	simm.s32 $0x240  }
.LBB2_6:
0x21: {  	[tilespmem:s15], [sflag:$0x1] =	stream.linear.gather [hbm4b:s18+s2], $0x60, $0x38;
	[tilespmem:$0x18000] =	vst v63  }
0x22: {  	s18 =	smov.u32 s16;
	s15 =	smov.u32 s17;
	p0 =	sne.s32 s16, $0x5F4  }
.Ltmp4:
0x23: {  	s16 =	sadd.s32 $0xC, s16;
	(pc) =	sbr.rel @p0 .LBB2_6-.Ltmp4, $2  }
0x24: {  	_ =	sdelay $0x2  }
0x25: {  	s17 =	sadd.s32 $0x180, s17;
	s18 =	sadd.s32 s18, s9  }
0x26: {  	[tilespmem:s15], [sflag:$0x1] =	stream.linear.gather [hbm4b:s18+s2], $0x60, $0x38;
	[tilespmem:$0x18000] =	vst v63  }
0x27: {  	s15 =	simm.s32 $0x0;
	s16 =	simm.s32 $0x120;
	s17 =	simm.s32 $0x0  }
.LBB2_8:
0x28: {  	p0 =	sne.s32 s17, $0x5F4  }
.Ltmp5:
0x29: {  	_ = 	snop;
	(pc) =	sbr.rel @p0 .LBB2_8-.Ltmp5, $4  }
0x2a: {  	_ = 	snop  }
0x2b: {  	s18 =	sadd.s32 s17, s10  }
0x2c: {  	[tilespmem:s16], [sflag:$0x1] =	stream.linear.gather [hbm4b:s18+s15], $0x60, $0x38;
	[tilespmem:$0x18000] =	vst v63  }
0x2d: {  	s17 =	sadd.s32 $0xC, s17;
	s16 =	sadd.s32 $0x180, s16  }
.Ltmp6:
0x2e: {  	(pc) =	sbr.rel .LBB2_10-.Ltmp6, $2  }
0x2f: {  	_ =	sdelay $0x2  }
0x30: {  	p0 =	por $0x1, $0x1  }
.LBB2_20:
0x31: {  	s17 =	sshll.u32 s15, $0x7;
	s31 =	sand.u32 $0x1, s15  }
0x32: {  	s17 =	sadd.s32 s6, s17;
	s15 =	smul.u32 $0x30000, s31  }
0x33: {  	s17 =	smul.u32 $0x30, s17  }
0x34: {  	p1 =	sne.s32 s16, $0x90  }
.Ltmp7:
0x35: {  	s15 =	sshrl.u32 s15, $0x2;
	s17 =	sadd.s32 s4, s17;
	(pc) =	sbr.rel @!p1 .LBB2_21-.Ltmp7, $4  }
0x36: {  	[hbm4b:s17+s2] =	stream.linear.scatter [tilespmem:s15], [sflag:$0x2], $0xC000, $0x38;
	[tilespmem:$0x18000] =	vst v63  }
0x37: {  	_ =	swait.ge [sflag:s13], $0xC000  }
0x38: {  	[sflag:s13] =	ssyncset.done $0x0  }
0x39: {  	p0 =	por !p0, !p0;
	s15 =	smov.u32 s16;
	[sflag:s13] =	ssyncadd.s32 $0xFFFF4000  }
.LBB2_10:
0x3a: {  	_ =	swait.ge [sflag:s12], $0x3000  }
0x3b: {  	[sflag:s12] =	ssyncset.done $0x0  }
0x3c: {  	[sflag:s12] =	ssyncadd.s32 $0xFFFFD000  }
0x3d: {  	_ =	swait.ge [sflag:s12], $0x3000  }
0x3e: {  	[sflag:s12] =	ssyncset.done $0x0  }
0x3f: {  	[sflag:s12] =	ssyncadd.s32 $0xFFFFD000  }
0x40: {  	p1 =	seq.s32 s15, $0x8F;
	_ =	swait.ge [sflag:s12], $0x3000  }
.Ltmp8:
0x41: {  	[sflag:s12] =	ssyncset.done $0x0;
	(pc) =	sbr.rel @p1 .LBB2_20-.Ltmp8, $4  }
0x42: {  	[sflag:s12] =	ssyncadd.s32 $0xFFFFD000  }
0x43: {  	_ =	swait.ge [sflag:s12], $0x3000  }
0x44: {  	[sflag:s12] =	ssyncset.done $0x0  }
0x45: {  	s16 =	sadd.s32 $0x1, s15;
	[sflag:s12] =	ssyncadd.s32 $0xFFFFD000  }
0x46: {  	s17 =	simm.s32 $0x1  }
0x47: {  	s18 =	sshll.u32 s16, $0x7;
	s17 =	simm.s32 @!p0 $0x0  }
0x48: {  	s19 =	sadd.s32 s6, s18;
	s17 =	smul.u32 $0x30000, s17  }
0x49: {  	s21 =	smul.u32 $0xC, s19  }
0x4a: {  	s24 =	simm.s32 $0xC;
	s22 =	sshrl.u32 s17, $0x2  }
0x4b: {  	s23 =	sadd.s32 s3, s21;
	s17 =	sor.u32 $0x120, s22;
	s18 =	sor.u32 $0xC0, s22  }
0x4c: {  	s20 =	sor.u32 $0x60, s22;
	s26 =	sadd.s32 $0x0, s23;
	s25 =	sadd.s32 $0x180, s22  }
.LBB2_12:
0x4d: {  	[tilespmem:s22], [sflag:$0x1] =	stream.linear.gather [hbm4b:s26+s2], $0x60, $0x38;
	[tilespmem:$0x18000] =	vst v63  }
0x4e: {  	s26 =	smov.u32 s24;
	s22 =	smov.u32 s25;
	p1 =	sne.s32 s24, $0x5F4  }
.Ltmp9:
0x4f: {  	s24 =	sadd.s32 $0xC, s24;
	(pc) =	sbr.rel @p1 .LBB2_12-.Ltmp9, $2  }
0x50: {  	_ =	sdelay $0x2  }
0x51: {  	s25 =	sadd.s32 $0x180, s25;
	s26 =	sadd.s32 s26, s23  }
0x52: {  	[tilespmem:s22], [sflag:$0x1] =	stream.linear.gather [hbm4b:s26+s2], $0x60, $0x38;
	[tilespmem:$0x18000] =	vst v63  }
0x53: {  	s21 =	sadd.s32 s21, s5  }
0x54: {  	s22 =	simm.s32 $0xC;
	s23 =	sadd.s32 $0x180, s20;
	s24 =	sadd.s32 $0x0, s21  }
.LBB2_14:
0x55: {  	[tilespmem:s20], [sflag:$0x1] =	stream.linear.gather [hbm4b:s24+s2], $0x60, $0x38;
	[tilespmem:$0x18000] =	vst v63  }
0x56: {  	s24 =	smov.u32 s22;
	s20 =	smov.u32 s23;
	p1 =	sne.s32 s22, $0x5F4  }
.Ltmp10:
0x57: {  	s22 =	sadd.s32 $0xC, s22;
	(pc) =	sbr.rel @p1 .LBB2_14-.Ltmp10, $2  }
0x58: {  	_ =	sdelay $0x2  }
0x59: {  	s23 =	sadd.s32 $0x180, s23;
	s24 =	sadd.s32 s24, s21  }
0x5a: {  	s19 =	smul.u32 $0x60, s19  }
0x5b: {  	[tilespmem:s20], [sflag:$0x1] =	stream.linear.gather [hbm4b:s24+s2], $0x60, $0x38;
	[tilespmem:$0x18000] =	vst v63  }
0x5c: {  	s19 =	sshrl.u32 s19, $0x3  }
0x5d: {  	s19 =	sadd.s32 s3, s19  }
0x5e: {  	s20 =	sadd.s32 $0x1200, s19  }
0x5f: {  	s21 =	simm.s32 $0xC;
	s22 =	sadd.s32 $0x180, s18;
	s23 =	sadd.s32 $0x0, s20  }
.LBB2_16:
0x60: {  	[tilespmem:s18], [sflag:$0x1] =	stream.linear.gather [hbm4b:s23+s2], $0x60, $0x38;
	[tilespmem:$0x18000] =	vst v63  }
0x61: {  	s23 =	smov.u32 s21;
	s18 =	smov.u32 s22;
	p1 =	sne.s32 s21, $0x5F4  }
.Ltmp11:
0x62: {  	s21 =	sadd.s32 $0xC, s21;
	(pc) =	sbr.rel @p1 .LBB2_16-.Ltmp11, $2  }
0x63: {  	_ =	sdelay $0x2  }
0x64: {  	s22 =	sadd.s32 $0x180, s22;
	s23 =	sadd.s32 s23, s20  }
0x65: {  	[tilespmem:s18], [sflag:$0x1] =	stream.linear.gather [hbm4b:s23+s2], $0x60, $0x38;
	[tilespmem:$0x18000] =	vst v63  }
0x66: {  	s18 =	sadd.s32 $0x120C, s19  }
0x67: {  	s19 =	simm.s32 $0xC;
	s20 =	sadd.s32 $0x180, s17;
	s21 =	sadd.s32 $0x0, s18  }
.LBB2_18:
0x68: {  	[tilespmem:s17], [sflag:$0x1] =	stream.linear.gather [hbm4b:s21+s2], $0x60, $0x38;
	[tilespmem:$0x18000] =	vst v63  }
0x69: {  	s21 =	smov.u32 s19;
	s17 =	smov.u32 s20;
	p1 =	sne.s32 s19, $0x5F4  }
.Ltmp12:
0x6a: {  	s19 =	sadd.s32 $0xC, s19;
	(pc) =	sbr.rel @p1 .LBB2_18-.Ltmp12, $2  }
0x6b: {  	_ =	sdelay $0x2  }
0x6c: {  	s20 =	sadd.s32 $0x180, s20;
	s21 =	sadd.s32 s21, s18  }
.Ltmp13:
0x6d: {  	(pc) =	sbr.rel .LBB2_20-.Ltmp13, $2  }
0x6e: {  	_ =	sdelay $0x2  }
0x6f: {  	[tilespmem:s17], [sflag:$0x1] =	stream.linear.gather [hbm4b:s21+s2], $0x60, $0x38;
	[tilespmem:$0x18000] =	vst v63  }
.LBB2_22:
0x70: {  	_ =	sfence.sel $0x180000  }
0x71: {  	[bflag:$0x0] =	sbarrier.arrive $0xFFFF  }
0x72: {  	p0 =	sne.s32 s1, $0x0;
	_ =	strace $0x9000004A  }
0x73: {  	s0 =	sadd.s32 @!p0 $0x100000, s0;
	[bflag:$0x2] =	sbarrier.arrive $0xFFFF  }
0x74: {  	[sflag:s0] =	ssyncadd.tile.s32 @!p0 $0x1;
	_ =	shalt  }
.Lfunc_end2:
_tile_overlayer_lowered:
.L_overlay_start_2:
0x75: {  	(tag) =	ssettag $0x2  }
0x76: {  	s0 =	rddreg [dreg:$0x0];
	s2 =	stileid.u32  }
0x77: {  	s1 =	rddreg [dreg:$0x1];
	p0 =	sne.s32 s2, $0x0  }
0x78: {  	s3 =	rddreg [dreg:$0x2];
	[bflag:$0x3] =	sbarrier.arrive $0xFFFF;
	s2 =	simm.s32 @!p0 $0x1C02  }
0x79: {  	[timem:s3], [sflag:s2] =	dma.local @!p0 [hbm:s0], s1  }
0x7a: {  	s0 =	simm.s32 @!p0 $0x2  }
0x7b: {  	_ =	swait.ge @!p0 [sflag:s0], s1  }
0x7c: {  	s1 =	ssub.s32 @!p0 $0x0, s1;
	[sflag:s0] =	ssyncset.done @!p0 $0x0  }
0x7d: {  	[sflag:s0] =	ssyncadd.s32 @!p0 s1  }
0x7e: {  	[bflag:$0x3] =	sbarrier.arrive $0xFFFF  }
0x7f: {  	_ =	shalt  }

// kernel: kernel.7.cloned.1.call-start
scs
__scs_entry_jumppad:
0x0: {  	(pc) =	sbr.rel $0x88, $3  }
0x1: {  	(tag) =	ssettag $0x0;
	lr =	simm.s32 $0x1  }
0x2: {  	[smem:$0x3F9F] =	sst lr;
	_ =	strace $0xD0000000  }
0x3: {  	_ = 	snop  }
0x4: {  	_ = 	snop  }
0x5: {  	_ = 	snop  }
0x6: {  	_ = 	snop  }
0x7: {  	_ = 	snop  }
__scs_overlays_trampoline_lowered:
0x8: {  	[smem:$0x3FAE] =	sst s0  }
0x9: {  	[smem:$0x3FAF] =	sst s1  }
0xa: {  	[smem:$0x3FB0] =	sst s2  }
0xb: {  	[smem:$0x3FB1] =	sst s3  }
0xc: {  	[smem:$0x3FB2] =	sst s4  }
0xd: {  	[smem:$0x3FB3] =	sst s5  }
0xe: {  	[smem:$0x3FB4] =	sst s6  }
0xf: {  	[smem:$0x3FB5] =	sst s7  }
0x10: {  	[smem:$0x3FB6] =	sst s8  }
0x11: {  	[smem:$0x3FB7] =	sst s9;
	s0 =	simm.s32 @!p0 $0x0  }
0x12: {  	s1 =	sld [smem:$0x3F9D];
	s0 =	simm.s32 @p0 $0x1  }
0x13: {  	[smem:$0x3FB8] =	sst s0;
	s0 =	simm.s32 @!p1 $0x0  }
0x14: {  	s2 =	sld [smem:$0x3F9C];
	s0 =	simm.s32 @p1 $0x1  }
0x15: {  	[smem:$0x3FB9] =	sst s0;
	s0 =	simm.s32 @!p2 $0x0  }
0x16: {  	s3 =	sld [smem:$0x3FDB];
	s0 =	simm.s32 @p2 $0x1  }
0x17: {  	s4 =	simm.s32 $0x1BF5;
	[smem:$0x3FBB] =	sst s0  }
0x18: {  	s0 =	sld [smem:$0x3F9E];
	_ =	swait.ge [sflag:s4], $0x0  }
0x19: {  	s7 =	sld [smem:$0x3F9F]  }
0x1a: {  	s8 =	sadd.s32 $0xFFFFE003, lr  }
0x1b: {  	s9 =	sadd.s32 $0xFFFFFEF7, lr;
	s5 =	simm.s32 $0xFFFFFFFF;
	p2 =	slt.u32 s8, $0xFFFFF086  }
0x1c: {  	p1 =	slt.u32 s9, $0xF7A;
	s5 =	simm.s32 @!p2 $0x0  }
0x1d: {  	s5 =	simm.s32 @p1 $0x1;
	p0 =	seq.s32 s7, s2  }
0x1e: {  	s7 =	smul.u32 @!p0 $0xF7A, s2;
	p2 =	seq.s32 @!p0 s5, $0x0  }
0x1f: {  	s9 =	smul.u32 $0xF7A, s1;
	s8 =	simm.s32 @!p0 $0x1BF5;
	p2 =	por !p2, p0  }
0x20: {  	[sflag:s8] =	ssyncset.s32 @!p0 $0xFFFFF086;
	s6 =	sadd.s32 @!p0 s3, s7;
	s7 =	simm.s32 @!p0 $0x108  }
0x21: {  	s3 =	sadd.s32 s3, s9;
	s6 =	sadd.s32 @!p0 $0x88, s6;
	s7 =	simm.s32 @p2 $0x1082  }
0x22: {  	[simem:s7], [sflag:s8] =	dma.local @!p0 [hbm:s6], $0xF7A  }
0x23: {  	s9 =	sor.u32 $0xD0000000, s2;
	s6 =	simm.s32 $0x108;
	_ =	swait.ge @!p0 [sflag:s8], $0x0  }
0x24: {  	s3 =	sadd.s32 $0x88, s3;
	s6 =	simm.s32 @!p1 $0x1082;
	[sflag:s4] =	ssyncset.s32 $0xFFFFF086  }
0x25: {  	[simem:s6], [sflag:s4] =	dma.local [hbm:s3], $0xF7A  }
0x26: {  	[smem:$0x3F9F] =	sst s1;
	(tag) =	ssettag s2;
	_ =	strace s9  }
0x27: {  	s1 =	sld [smem:$0x3FAF]  }
0x28: {  	s2 =	sld [smem:$0x3FB0]  }
0x29: {  	s4 =	sld [smem:$0x3FB2]  }
0x2a: {  	p0 =	seq.s32 s5, $0x0;
	s5 =	sld [smem:$0x3FB3]  }
0x2b: {  	s6 =	sld [smem:$0x3FB4]  }
0x2c: {  	s7 =	sld [smem:$0x3FB5]  }
0x2d: {  	s3 =	simm.s32 $0x108;
	s8 =	sld [smem:$0x3FB6]  }
0x2e: {  	s3 =	simm.s32 @!p0 $0x1082;
	s9 =	sld [smem:$0x3FB7]  }
0x2f: {  	lr =	sadd.s32 s0, s3;
	s0 =	sld [smem:$0x3FAE]  }
0x30: {  	s3 =	sld [smem:$0x3FB1]  }
0x31: {  	[smem:$0x3FBA] =	sst s10  }
0x32: {  	s10 =	sld [smem:$0x3FB8];
	_ =	sdelay $0x3  }
0x33: {  	p0 =	seq.s32 s10, $0x1;
	s10 =	sld [smem:$0x3FBA];
	_ =	sdelay $0x3  }
0x34: {  	[smem:$0x3FBA] =	sst s10  }
0x35: {  	s10 =	sld [smem:$0x3FB9];
	_ =	sdelay $0x3  }
0x36: {  	p1 =	seq.s32 s10, $0x1;
	s10 =	sld [smem:$0x3FBA];
	_ =	sdelay $0x3  }
0x37: {  	[smem:$0x3FBA] =	sst s10  }
0x38: {  	s10 =	sld [smem:$0x3FBB]  }
0x39: {  	_ = 	snop;
	(pc) =	sbr.ind lr, $3  }
0x3a: {  	_ = 	snop  }
0x3b: {  	_ = 	snop  }
0x3c: {  	p2 =	seq.s32 s10, $0x1;
	s10 =	sld [smem:$0x3FBA]  }
0x3d: {  	_ =	shalt  }
0x3e: {  	_ =	shalt  }
0x3f: {  	_ =	shalt  }
0x40: {  	_ =	shalt  }
0x41: {  	_ =	shalt  }
0x42: {  	_ =	shalt  }
0x43: {  	_ =	shalt  }
0x44: {  	_ =	shalt  }
0x45: {  	_ =	shalt  }
0x46: {  	_ =	shalt  }
0x47: {  	_ =	shalt  }
0x48: {  	_ =	shalt  }
0x49: {  	_ =	shalt  }
0x4a: {  	_ =	shalt  }
0x4b: {  	_ =	shalt  }
0x4c: {  	_ =	shalt  }
0x4d: {  	_ =	shalt  }
0x4e: {  	_ =	shalt  }
0x4f: {  	_ =	shalt  }
0x50: {  	_ =	shalt  }
0x51: {  	_ =	shalt  }
0x52: {  	_ =	shalt  }
0x53: {  	_ =	shalt  }
0x54: {  	_ =	shalt  }
0x55: {  	_ =	shalt  }
0x56: {  	_ =	shalt  }
0x57: {  	_ =	shalt  }
0x58: {  	_ =	shalt  }
0x59: {  	_ =	shalt  }
0x5a: {  	_ =	shalt  }
0x5b: {  	_ =	shalt  }
0x5c: {  	_ =	shalt  }
0x5d: {  	_ =	shalt  }
0x5e: {  	_ =	shalt  }
0x5f: {  	_ =	shalt  }
0x60: {  	_ =	shalt  }
0x61: {  	_ =	shalt  }
0x62: {  	_ =	shalt  }
0x63: {  	_ =	shalt  }
0x64: {  	_ =	shalt  }
0x65: {  	_ =	shalt  }
0x66: {  	_ =	shalt  }
0x67: {  	_ =	shalt  }
0x68: {  	_ =	shalt  }
0x69: {  	_ =	shalt  }
0x6a: {  	_ =	shalt  }
0x6b: {  	_ =	shalt  }
0x6c: {  	_ =	shalt  }
0x6d: {  	_ =	shalt  }
0x6e: {  	_ =	shalt  }
0x6f: {  	_ =	shalt  }
0x70: {  	_ =	shalt  }
0x71: {  	_ =	shalt  }
0x72: {  	_ =	shalt  }
0x73: {  	_ =	shalt  }
0x74: {  	_ =	shalt  }
0x75: {  	_ =	shalt  }
0x76: {  	_ =	shalt  }
0x77: {  	_ =	shalt  }
0x78: {  	_ =	shalt  }
0x79: {  	_ =	shalt  }
0x7a: {  	_ =	shalt  }
0x7b: {  	_ =	shalt  }
0x7c: {  	_ =	shalt  }
0x7d: {  	_ =	shalt  }
0x7e: {  	_ =	shalt  }
0x7f: {  	_ =	shalt  }
0x80: {  	_ =	shalt  }
0x81: {  	_ =	shalt  }
0x82: {  	_ =	shalt  }
0x83: {  	_ =	shalt  }
0x84: {  	_ =	shalt  }
0x85: {  	_ =	shalt  }
0x86: {  	_ =	shalt  }
0x87: {  	_ =	shalt  }
.Lfunc_end0:
.L_simem_size_0:
called_computation.2_lowered:
.L_overlay_start_0:
0x88: {  	s2 =	sld [smem:$0x3FD9]  }
0x89: {  	s3 =	sld [smem:$0x3FFE];
	_ =	sdelay $0x1  }
0x8a: {  	s1 =	srdreg.scid  }
0x8b: {  	s0 =	sand.u32 $0x1, s1  }
0x8c: {  	s17 =	sshll.u32 s0, $0xA;
	s2 =	sadd.s32 s3, s2  }
0x8d: {  	s2 =	sadd.s32 s2, s17  }
0x8e: {  	[smem:$0x3FC6] =	sst s2  }
0x8f: {  	_ = 	snop  }
0x90: {  	s2 =	sld [smem:$0x3FD0];
	(tm) =	ssettm $0x1  }
0x91: {  	s18 =	sld [smem:$0x3FFB];
	_ =	sdelay $0x3  }
0x92: {  	_ =	strace s18  }
0x93: {  	s3 =	sld [smem:$0x3FFC];
	_ =	sdelay $0x3  }
0x94: {  	_ =	strace s3  }
0x95: {  	s3 =	sld [smem:$0x3FFD];
	_ =	sdelay $0x3  }
0x96: {  	_ =	strace s3  }
0x97: {  	_ =	strace $0x8FFFFFFF  }
0x98: {  	s19 =	sld [smem:$0x3FDB];
	_ =	sdelay $0x1  }
0x99: {  	s4 =	simm.s32 $_scs_section_size  }
0x9a: {  	s5 =	simm.s32 $_size__tile_overlayer_lowered;
	s6 =	simm.s32 $_tile_overlayer_lowered  }
0x9b: {  	s22 =	simm.s32 $0x1BFF;
	s21 =	sshll.u32 s6, $0x1;
	s3 =	sadd.s32 s4, s19  }
0x9c: {  	s7 =	simm.s32 $0x0;
	s20 =	sshll.u32 s5, $0x1;
	s5 =	sadd.s32 s21, s3  }
0x9d: {  	[timem:s7], [sflag:s22] =	dma.local [hbm:s5], s20  }
0x9e: {  	_ =	swait.ge [sflag:s22], s20  }
0x9f: {  	s4 =	ssub.s32 $0x0, s20;
	[sflag:s22] =	ssyncset.done $0x0  }
0xa0: {  	[sflag:s22] =	ssyncadd.s32 s4;
	_ =	sdelay $0x1  }
0xa1: {  	s23 =	simm.s32 $0x1B8B  }
0xa2: {  	_ =	swait.ge [sflag:s23], $0x1  }
0xa3: {  	[sflag:s23] =	ssyncset.done $0x0  }
0xa4: {  	s25 =	simm.s32 $0x1B8E;
	s24 =	sld [smem:$0x3FFE];
	[sflag:s23] =	ssyncadd.s32 $0xFFFFFFFF  }
0xa5: {  	s26 =	simm.s32 $execute0_lowered;
	[smem:$0x3FD2] =	sst s25  }
0xa6: {  	s5 =	sshll.u32 s26, $0x1;
	_ =	strace $0x8000004C;
	[dreg:$0x1] =	wrdreg $0xFFFFFFFF  }
0xa7: {  	s28 =	simm.s32 $_size_execute0_lowered;
	s3 =	sadd.s32 s3, s5;
	[dreg:$0x0] =	wrdreg $0x0  }
0xa8: {  	s5 =	sshll.u32 s28, $0x1;
	[dreg:$0x2] =	wrdreg s3  }
0xa9: {  	[dreg:$0x3] =	wrdreg s5  }
0xaa: {  	[dreg:$0x4] =	wrdreg $0xC0  }
0xab: {  	_ =	task [dreg:s7], $0x5FFFF  }
0xac: {  	[dreg:$0x1] =	wrdreg $0xFFFFFFFF  }
0xad: {  	[dreg:$0x0] =	wrdreg $0x60  }
0xae: {  	[dreg:$0x2] =	wrdreg s24  }
0xaf: {  	[dreg:$0x3] =	wrdreg s2  }
0xb0: {  	[dreg:$0x4] =	wrdreg $0x9  }
0xb1: {  	_ =	task.clear_ibuf [dreg:s7], $0x5FFFF;
	_ =	strace $0x9000004C  }
0xb2: {  	s29 =	simm.s32 $0x9;
	_ =	strace $0x8000004E  }
0xb3: {  	_ =	swait.ge [sflag:s29], $0x1  }
0xb4: {  	[sflag:s29] =	ssyncadd.s32 $0xFFFFFFFF  }
0xb5: {  	_ =	strace $0x9000004E  }
0xb6: {  	_ =	sfence  }
0xb7: {  	s30 =	sld [smem:$0x0];
	_ =	sdelay $0x2  }
0xb8: {  	s31 =	sshll.u32 s1, $0xD;
	s1 =	sshrl.u32 s1, $0x2  }
0xb9: {  	s3 =	sand.u32 $0x4000, s31;
	s1 =	sadd.s32 s1, s30  }
0xba: {  	s0 =	sor.u32 s3, s0;
	s1 =	sshll.u32 s1, $0x11  }
0xbb: {  	s0 =	sor.u32 s1, s0  }
0xbc: {  	s0 =	sadd.s32 $0x8F2B, s0  }
0xbd: {  	[sflag:s0] =	ssyncadd.remote.s32 $0x1  }
0xbe: {  	_ =	sfence.sel $0xFFFF  }
0xbf: {  	[dreg:$0x0] =	wrdreg $0xFFFFFFFF;
	(pc) =	sbr.abs _section_cstart, $3  }
0xc0: {  	[dreg:$0x1] =	wrdreg $0xFFFFFFFF  }
0xc1: {  	_ =	task.clear_ibuf [dreg:s7], $0x2FFFF;
	_ =	strace $0x9FFFFFFF  }
0xc2: {  	(tm) =	ssettm $0x7FFFFFFF  }
0xc3: {  	_ =	shalt  }
tec
execute0_lowered:
.L_overlay_start_1:
0x0: {  	(tag) =	ssettag $0x1  }
0x1: {  	s0 =	rddreg [dreg:$0x0]  }
0x2: {  	s2 =	rddreg [dreg:$0x1]  }
0x3: {  	s3 =	simm.s32 $0x0;
	s5 =	stileid.u32;
	s1 =	srdreg.scid  }
0x4: {  	s14 =	simm.s32 $0x3;
	s15 =	simm.s32 $0x80;
	s16 =	simm.s32 $0x160  }
0x5: {  	s18 =	simm.s32 $0x1;
	s19 =	simm.s32 $0x2;
	s20 =	simm.s32 $0x1E0  }
0x6: {  	v0 =	vlaneseq.u32;
	s21 =	simm.s32 $0x2E0;
	s22 =	simm.s32 $0x3E0;
	s23 =	simm.s32 $0x4E0  }
0x7: {  	s24 =	simm.s32 $0x185E0;
	[smem:$0x7FF] =	sst s3;
	s8 =	sshrl.u32 s5, $0x2;
	v0 =	vmul.u32 $0x80, v0  }
0x8: {  	s4 =	sshll.u32 s5, $0x1;
	s1 =	sand.u32 $0x1, s1;
	s7 =	smul.u32 $0xC, s8  }
0x9: {  	_ =	strace $0x8000004D;
	s29 =	sand.u32 $0x6, s4;
	s12 =	smul.u32 $0x498000, s8;
	v3 =	vor.u32 $0x800, v0;
	[tilespmem:$0x1FFD0] =	vst v0  }
0xa: {  	s25 =	simm.s32 $0xC400;
	s31 =	smul.u32 $0x24000, s8;
	s9 =	sor.u32 s1, s29;
	[tilespmem:$0x1FF90] =	vst v3;
	v3 =	vor.u32 $0x1000, v0  }
0xb: {  	s26 =	simm.s32 $0x0;
	s5 =	sadd.s32 $0x21C2600, s0;
	s6 =	smul.u32 $0x1880, s9;
	[tilespmem:$0x1FFA0] =	vst v3;
	v3 =	vor.u32 $0x1800, v0  }
0xc: {  	s4 =	sadd.s32 $0x6C2600, s0;
	s1 =	ssub.s32 $0x2, s1;
	s11 =	smul.u32 $0x310, s9;
	v1 =	vmov s31;
	[tilespmem:$0x1FFB0] =	vst v3;
	v3 =	vor.u32 $0x2000, v0;
	v0 =	vor.u32 $0x2800, v0  }
0xd: {  	s10 =	sadd.s32 s7, s0;
	s7 =	sadd.s32 $0xE00, s0;
	s30 =	sshrl.u32 s1, $0x1;
	[tilespmem:$0x1FFF0] =	vst v1  }
0xe: {  	s0 =	ssub.s32 s1, s30;
	s8 =	sadd.s32 $0x21C4000, s10;
	s9 =	sadd.s32 s2, s11;
	[tilespmem:$0x1FFC0] =	vst v3  }
0xf: {  	v2 =	vimm.s32 $0x0;
	s10 =	sadd.s32 s5, s11;
	s11 =	sadd.s32 s12, s6;
	s12 =	smax.u32 s0, $0x1;
	[tilespmem:$0x1FFE0] =	vst v0;
	v0 =	vmov v1  }
.LBB2_1:
0x10: {  	s0 =	simm.s32 $0x100  }
0x11: {  	[tilespmem:s0], [sflag:$0x3] =	stream.linear.gather [hbm4b:s8+s3], $0x60, $0x38;
	[tilespmem:$0x1E5E0] =	vst v63  }
0x12: {  	_ =	swait.ge [sflag:s14], $0x60  }
0x13: {  	[sflag:s14] =	ssyncset.done $0x0  }
0x14: {  	[sflag:s14] =	ssyncadd.s32 $0xFFFFFFA0  }
0x15: {  	v8 =	vld [tilespmem:$0x100]  }
0x16: {  	v9 =	vld [tilespmem:$0x110]  }
0x17: {  	v10 =	vld [tilespmem:$0x120]  }
0x18: {  	v11 =	vld [tilespmem:$0x130]  }
0x19: {  	v12 =	vld [tilespmem:$0x140]  }
0x1a: {  	v13 =	vld [tilespmem:$0x150];
	[tilespmem:s3], [sflag:$0x3] =	stream.linear.gather [hbm4b:s9+s3], $0x80, $0x38  }
0x1b: {  	_ =	swait.ge [sflag:s14], $0x80  }
0x1c: {  	[sflag:s14] =	ssyncset.done $0x0  }
0x1d: {  	[sflag:s14] =	ssyncadd.s32 $0xFFFFFF80  }
0x1e: {  	[tilespmem:s15], [sflag:$0x3] =	stream.linear.gather [hbm4b:s10+s3], $0x80, $0x38;
	[tilespmem:$0x1E5E0] =	vst v63  }
0x1f: {  	_ =	swait.ge [sflag:s14], $0x80  }
0x20: {  	[sflag:s14] =	ssyncset.done $0x0  }
0x21: {  	s0 =	simm.s32 $0x0;
	[sflag:s14] =	ssyncadd.s32 $0xFFFFFF80  }
0x22: {  	v3 =	vld [tilespmem:s0+$0x0]  }
0x23: {  	v4 =	vld [tilespmem:s0+$0x80];
	_ =	sdelay $0x4  }
0x24: {  	v14 =	vmul.f32 v3, v8;
	v15 =	vmul.f32 v4, v9  }
0x25: {  	v3 =	vmul.f32 v3, v11;
	v4 =	vmul.f32 v4, v12  }
0x26: {  	v14 =	vadd.f32 v15, v14  }
0x27: {  	v3 =	vadd.f32 v4, v3  }
0x28: {  	v4 =	vadd.f32 v14, v10  }
0x29: {  	v3 =	vadd.f32 v3, v13  }
0x2a: {  	v4 =	vadd.f32 $1.000000000e+00, v4  }
0x2b: {  	v3 =	vadd.f32 $1.000000000e+00, v3  }
0x2c: {  	s1 =	simm.s32 $0x10;
	v16 =	vmul.f32 $1.920000000e+02, v4  }
0x2d: {  	v18 =	vld [tilespmem:s1+$0x0];
	v17 =	vmul.f32 $1.920000000e+02, v3  }
0x2e: {  	v3 =	vtrunc.f32 v16  }
0x2f: {  	v4 =	vcvt.f32.s32 v3;
	vm0 =	vlt.f32 v16, v3;
	v3 =	vtrunc.f32 v17  }
0x30: {  	v14 =	vsel vm0, $0xFFFFFFFF, v2;
	v15 =	vcvt.f32.s32 v3;
	vm12 =	vlt.f32 v17, v3  }
0x31: {  	v3 =	vadd.s32 v4, v14;
	v4 =	vsel vm12, $0xFFFFFFFF, v2  }
0x32: {  	v19 =	vmul.f32 v18, v8;
	v4 =	vadd.s32 v15, v4;
	vm13 =	vgt.s32 v3, $0x0  }
0x33: {  	v15 =	vadd.s32 $0x1, v3;
	vm1 =	vgt.s32 v4, $0x0;
	v3 =	vnsel vm13, $0x0, v3  }
0x34: {  	v21 =	vadd.s32 $0x1, v4;
	vm14 =	vgt.s32 v15, $0x0;
	v14 =	vmin.u32 v3, $0x17F;
	v3 =	vld [tilespmem:s1+$0x80]  }
0x35: {  	v4 =	vnsel vm1, $0x0, v4;
	v15 =	vnsel vm14, $0x0, v15;
	vm15 =	vgt.s32 v21, $0x0  }
0x36: {  	s28 =	simm.s32 $0x80;
	v20 =	vmin.u32 v15, $0x17F;
	v15 =	vmin.u32 v4, $0x17F;
	v4 =	vnsel vm15, $0x0, v21  }
.LBB2_2:
0x37: {  	p0 =	sne.s32 s28, $0x1C0;
	v4 =	vmin.u32 v4, $0x17F;
	v21 =	vcvt.s32.f32 v14;
	v22 =	vcvt.s32.f32 v15  }
0x38: {  	v23 =	vmul.u32 $0x180, v15;
	v24 =	vcvt.s32.f32 v20;
	v25 =	vcvt.s32.f32 v4  }
0x39: {  	v26 =	vmul.f32 v3, v9;
	v22 =	vsub.f32 v17, v22;
	v21 =	vsub.f32 v16, v21  }
0x3a: {  	v18 =	vmul.f32 v18, v11;
	v16 =	vsub.f32 v24, v16;
	v17 =	vsub.f32 v25, v17  }
0x3b: {  	v3 =	vmul.f32 v3, v12;
	v19 =	vadd.f32 v26, v19;
	v24 =	vmul.f32 v22, v21  }
0x3c: {  	vm0 =	veq.s32 v20, v14;
	v22 =	vmul.f32 v16, v22;
	v21 =	vmul.f32 v17, v21  }
0x3d: {  	v3 =	vadd.f32 v3, v18;
	v16 =	vmul.f32 v17, v16;
	v17 =	vnsel vm0, $0x0, v24  }
0x3e: {  	v18 =	vadd.f32 v19, v10;
	v19 =	vnsel vm0, $0x0, v21;
	v20 =	vadd.f32 v17, v22  }
0x3f: {  	vm1 =	veq.s32 v4, v15;
	v3 =	vadd.f32 v3, v13;
	v4 =	vadd.f32 v19, v16  }
0x40: {  	v15 =	vadd.f32 $1.000000000e+00, v18;
	v19 =	vsel vm0, $0x0, v24;
	v16 =	vnsel vm1, $0x0, v20  }
0x41: {  	v21 =	vsel vm0, $0x0, v21;
	v3 =	vadd.f32 $1.000000000e+00, v3;
	v4 =	vadd.f32 v16, v4  }
0x42: {  	s29 =	sshra.s32 s28, $0x2;
	v14 =	vor.u32 v0, v14;
	v16 =	vmul.f32 $1.920000000e+02, v15;
	v15 =	vnsel vm1, $0x0, v19  }
0x43: {  	v17 =	vmul.f32 $1.920000000e+02, v3;
	v3 =	vsel vm1, $0x0, v20;
	v15 =	vadd.f32 v15, v21;
	v18 =	vld [tilespmem:s29+$0x0];
	[tilespmem:s0+$0x1E0] =	vst v4  }
0x44: {  	v14 =	vadd.s32 v23, v14;
	v19 =	vsel vm1, $0x0, v19;
	v4 =	vtrunc.f32 v16;
	[tilespmem:s0+$0x2E0] =	vst v3  }
0x45: {  	v3 =	vcvt.f32.s32 v4;
	vm0 =	vlt.f32 v16, v4;
	v4 =	vtrunc.f32 v17;
	[tilespmem:s0+$0x3E0] =	vst v15  }
0x46: {  	v15 =	vsel vm0, $0xFFFFFFFF, v2;
	v20 =	vcvt.f32.s32 v4;
	vm0 =	vlt.f32 v17, v4;
	[tilespmem:s0+$0x4E0] =	vst v19  }
0x47: {  	v4 =	vadd.s32 v3, v15;
	v3 =	vsel vm0, $0xFFFFFFFF, v2;
	[tilespmem:s0+$0x160] =	vst v14;
	s0 =	smov.u32 s1;
	s1 =	smov.u32 s29  }
.Ltmp0:
0x48: {  	v14 =	vadd.s32 v20, v3;
	vm0 =	vgt.s32 v4, $0x0;
	v19 =	vmul.f32 v18, v8;
	(pc) =	sbr.rel @p0 .LBB2_2-.Ltmp0, $4  }
0x49: {  	v15 =	vadd.s32 $0x1, v4;
	vm1 =	vgt.s32 v14, $0x0;
	v21 =	vadd.s32 $0x1, v14  }
0x4a: {  	v4 =	vnsel vm0, $0x0, v4;
	vm0 =	vgt.s32 v15, $0x0;
	v22 =	vnsel vm1, $0x0, v14;
	v3 =	vld [tilespmem:s1+$0x80]  }
0x4b: {  	v14 =	vmin.u32 v4, $0x17F;
	v4 =	vnsel vm0, $0x0, v15;
	vm0 =	vgt.s32 v21, $0x0  }
0x4c: {  	s28 =	sadd.s32 $0x40, s28;
	v20 =	vmin.u32 v4, $0x17F;
	v15 =	vmin.u32 v22, $0x17F;
	v4 =	vnsel vm0, $0x0, v21  }
0x4d: {  	_ = 	snop  }
0x4e: {  	v18 =	vmul.f32 v18, v11  }
0x4f: {  	v22 =	vcvt.s32.f32 v15;
	v21 =	vmul.f32 v3, v9  }
0x50: {  	v4 =	vmin.u32 v4, $0x17F;
	v37 =	vcvt.s32.f32 v20;
	v3 =	vmul.f32 v3, v12  }
0x51: {  	v23 =	vcvt.s32.f32 v4;
	v22 =	vsub.f32 v17, v22;
	v19 =	vadd.f32 v21, v19  }
0x52: {  	v36 =	vcvt.s32.f32 v14;
	v38 =	vsub.f32 v37, v16;
	v3 =	vadd.f32 v3, v18  }
0x53: {  	v40 =	vsub.f32 v23, v17;
	v19 =	vadd.f32 v19, v10  }
0x54: {  	vm0 =	veq.s32 v20, v14;
	v21 =	vsub.f32 v16, v36;
	v3 =	vadd.f32 v3, v13  }
0x55: {  	vm12 =	veq.s32 v4, v15;
	v15 =	vmul.u32 $0x180, v15;
	v39 =	vadd.f32 $1.000000000e+00, v19  }
0x56: {  	v16 =	vmul.f32 v40, v38;
	v41 =	vmul.f32 v22, v21;
	v3 =	vadd.f32 $1.000000000e+00, v3  }
0x57: {  	v14 =	vor.u32 v0, v14;
	v21 =	vmul.f32 v40, v21;
	v18 =	vmul.f32 $1.920000000e+02, v39  }
0x58: {  	v14 =	vadd.s32 v15, v14;
	v22 =	vmul.f32 v38, v22;
	v3 =	vmul.f32 $1.920000000e+02, v3  }
0x59: {  	v20 =	vnsel vm0, $0x0, v41;
	v45 =	vnsel vm0, $0x0, v21;
	v42 =	vtrunc.f32 v18  }
0x5a: {  	v24 =	vtrunc.f32 v3;
	v43 =	vcvt.f32.s32 v42;
	vm1 =	vlt.f32 v18, v42  }
0x5b: {  	v44 =	vcvt.f32.s32 v24;
	vm2 =	vlt.f32 v3, v24;
	v25 =	vsel vm1, $0xFFFFFFFF, v2  }
0x5c: {  	v19 =	vsel vm0, $0x0, v41;
	v26 =	vsel vm2, $0xFFFFFFFF, v2;
	v46 =	vadd.s32 v43, v25  }
0x5d: {  	v20 =	vadd.f32 v20, v22;
	v17 =	vadd.s32 v44, v26;
	vm10 =	vgt.s32 v46, $0x0  }
0x5e: {  	v23 =	vadd.s32 $0x1, v46;
	vm11 =	vgt.s32 v17, $0x0;
	v48 =	vadd.s32 $0x1, v17  }
0x5f: {  	v22 =	vnsel vm10, $0x0, v46;
	vm3 =	vgt.s32 v23, $0x0;
	v47 =	vnsel vm11, $0x0, v17  }
0x60: {  	vm13 =	vgt.s32 v48, $0x0;
	v49 =	vnsel vm3, $0x0, v23;
	v22 =	vmin.u32 v22, $0x17F  }
0x61: {  	v50 =	vmin.u32 v47, $0x17F;
	v4 =	vnsel vm13, $0x0, v48;
	v17 =	vmin.u32 v49, $0x17F  }
0x62: {  	v51 =	vcvt.s32.f32 v22;
	v4 =	vmin.u32 v4, $0x17F;
	v52 =	vcvt.s32.f32 v50  }
0x63: {  	v16 =	vadd.f32 v45, v16;
	v27 =	vcvt.s32.f32 v17;
	v53 =	vcvt.s32.f32 v4  }
0x64: {  	v21 =	vsel vm0, $0x0, v21;
	v25 =	vsub.f32 v18, v51;
	v26 =	vsub.f32 v3, v52  }
0x65: {  	v56 =	vnsel vm12, $0x0, v19;
	v18 =	vsub.f32 v27, v18;
	v3 =	vsub.f32 v53, v3  }
0x66: {  	v60 =	vsel vm12, $0x0, v19;
	v54 =	vnsel vm12, $0x0, v20;
	v55 =	vmul.f32 v26, v25  }
0x67: {  	vm14 =	veq.s32 v17, v22;
	v26 =	vmul.f32 v18, v26;
	v25 =	vmul.f32 v3, v25  }
0x68: {  	[tilespmem:s0+$0x160] =	vst v14;
	v58 =	vsel vm12, $0x0, v20;
	v3 =	vmul.f32 v3, v18;
	v57 =	vnsel vm14, $0x0, v55  }
0x69: {  	[tilespmem:s0+$0x4E0] =	vst v60;
	v16 =	vadd.f32 v54, v16;
	v18 =	vadd.f32 v57, v26;
	v59 =	vnsel vm14, $0x0, v25  }
0x6a: {  	[tilespmem:s0+$0x2E0] =	vst v58;
	v17 =	vadd.f32 v56, v21;
	vm15 =	veq.s32 v4, v50;
	v3 =	vadd.f32 v59, v3  }
0x6b: {  	[tilespmem:s0+$0x1E0] =	vst v16;
	v62 =	vsel vm14, $0x0, v55;
	v61 =	vnsel vm15, $0x0, v18  }
0x6c: {  	[tilespmem:s0+$0x3E0] =	vst v17;
	v4 =	vsel vm15, $0x0, v62;
	v3 =	vadd.f32 v61, v3  }
0x6d: {  	v14 =	vsel vm14, $0x0, v25;
	v15 =	vnsel vm15, $0x0, v62;
	[tilespmem:s1+$0x4E0] =	vst v4  }
0x6e: {  	v14 =	vadd.f32 v15, v14;
	v63 =	vsel vm15, $0x0, v18;
	[tilespmem:s1+$0x1E0] =	vst v3;
	v3 =	vmul.u32 $0x180, v50  }
0x6f: {  	v15 =	vor.u32 v0, v22;
	[tilespmem:s1+$0x2E0] =	vst v63  }
0x70: {  	s31 =	simm.s32 $0x5E0;
	[tilespmem:s1+$0x3E0] =	vst v14;
	v3 =	vadd.s32 v3, v15  }
0x71: {  	s29 =	simm.s32 $0x0;
	p0 =	por $0x1, $0x1;
	p1 =	por $0x0, $0x0;
	[tilespmem:s1+$0x160] =	vst v3  }
0x72: {  	[tilespmem:s31], [sflag:$0x1] =	stream.indirect.gather [hbm4b:s4+s15], $0x180, s16, s15, $0xb8;
	[tilespmem:$0x1E5E0] =	vst v63  }
.LBB2_4:
0x73: {  	p2 =	seq.s32 s29, $0x30  }
.Ltmp1:
0x74: {  	_ = 	snop;
	(pc) =	sbr.rel @p2 .LBB2_8-.Ltmp1, $4  }
0x75: {  	_ = 	snop  }
0x76: {  	_ =	swait.ge [sflag:s18], $0xC000  }
0x77: {  	[sflag:s18] =	ssyncset.done $0x0  }
0x78: {  	s0 =	sand.u32 $0x1, s29;
	s28 =	sadd.s32 $0x1, s29;
	[sflag:s18] =	ssyncadd.s32 $0xFFFF4000  }
0x79: {  	s1 =	sshll.u32 s28, $0x7  }
0x7a: {  	s1 =	sadd.s32 s6, s1  }
0x7b: {  	s1 =	sshrl.u32 s1, $0x3  }
0x7c: {  	s31 =	simm.s32 $0x0;
	s30 =	sadd.s32 s2, s1  }
0x7d: {  	[tilespmem:s31], [sflag:$0x3] =	stream.linear.gather [hbm4b:s30+s31], $0x80, $0x38;
	[tilespmem:$0x1E5E0] =	vst v63  }
0x7e: {  	_ =	swait.ge [sflag:s14], $0x80  }
0x7f: {  	[sflag:s14] =	ssyncset.done $0x0  }
0x80: {  	s1 =	sadd.s32 s5, s1;
	[sflag:s14] =	ssyncadd.s32 $0xFFFFFF80  }
0x81: {  	[tilespmem:s15], [sflag:$0x3] =	stream.linear.gather [hbm4b:s1+s31], $0x80, $0x38;
	[tilespmem:$0x1E5E0] =	vst v63  }
0x82: {  	_ =	swait.ge [sflag:s14], $0x80  }
0x83: {  	[sflag:s14] =	ssyncset.done $0x0  }
0x84: {  	s1 =	simm.s32 $0x0;
	[sflag:s14] =	ssyncadd.s32 $0xFFFFFF80  }
0x85: {  	v3 =	vld [tilespmem:s1+$0x0]  }
0x86: {  	v4 =	vld [tilespmem:s1+$0x80];
	_ =	sdelay $0x4  }
0x87: {  	v14 =	vmul.f32 v3, v8;
	v15 =	vmul.f32 v4, v9  }
0x88: {  	v3 =	vmul.f32 v3, v11;
	v4 =	vmul.f32 v4, v12  }
0x89: {  	v14 =	vadd.f32 v15, v14  }
0x8a: {  	v3 =	vadd.f32 v4, v3  }
0x8b: {  	v4 =	vadd.f32 v14, v10  }
0x8c: {  	v3 =	vadd.f32 v3, v13  }
0x8d: {  	v4 =	vadd.f32 $1.000000000e+00, v4  }
0x8e: {  	v3 =	vadd.f32 $1.000000000e+00, v3  }
0x8f: {  	v4 =	vmul.f32 $1.920000000e+02, v4  }
0x90: {  	v3 =	vmul.f32 $1.920000000e+02, v3  }
0x91: {  	v14 =	vtrunc.f32 v4  }
0x92: {  	v16 =	vtrunc.f32 v3;
	v15 =	vcvt.f32.s32 v14;
	vm0 =	vlt.f32 v4, v14  }
0x93: {  	v18 =	vcvt.f32.s32 v16;
	vm10 =	vlt.f32 v3, v16;
	v17 =	vsel vm0, $0xFFFFFFFF, v2  }
0x94: {  	v16 =	vsel vm10, $0xFFFFFFFF, v2;
	v15 =	vadd.s32 v15, v17  }
0x95: {  	v16 =	vadd.s32 v18, v16;
	vm11 =	vgt.s32 v15, $0x0  }
0x96: {  	v17 =	vadd.s32 $0x1, v15;
	vm1 =	vgt.s32 v16, $0x0;
	v15 =	vnsel vm11, $0x0, v15  }
0x97: {  	vm12 =	vgt.s32 v17, $0x0;
	v18 =	vmin.u32 v15, $0x17F;
	v15 =	vadd.s32 $0x1, v16  }
0x98: {  	v17 =	vnsel vm12, $0x0, v17;
	v16 =	vnsel vm1, $0x0, v16;
	vm13 =	vgt.s32 v15, $0x0  }
0x99: {  	s30 =	simm.s32 $0x1;
	v0 =	vld [tilespmem:$0x1FFF0];
	v19 =	vmin.u32 v17, $0x17F;
	v20 =	vmin.u32 v16, $0x17F;
	v15 =	vnsel vm13, $0x0, v15  }
0x9a: {  	s30 =	simm.s32 @!p0 $0x0;
	v17 =	vcvt.s32.f32 v18;
	v22 =	vcvt.s32.f32 v20;
	v21 =	vmin.u32 v15, $0x17F  }
0x9b: {  	s30 =	sshll.u32 s30, $0x7;
	v23 =	vcvt.s32.f32 v19;
	v24 =	vcvt.s32.f32 v21  }
0x9c: {  	s31 =	sadd.s32 $0x1E0, s30;
	v25 =	vsub.f32 v4, v17;
	v22 =	vsub.f32 v3, v22  }
0x9d: {  	s13 =	sadd.s32 $0x3E0, s30;
	v14 =	vmov s31;
	v4 =	vsub.f32 v23, v4;
	v3 =	vsub.f32 v24, v3  }
0x9e: {  	v16 =	vmov s13;
	v60 =	vor.u32 v0, v18;
	v26 =	vmul.f32 v22, v25  }
0x9f: {  	vm14 =	veq.s32 v19, v18;
	v22 =	vmul.f32 v4, v22;
	v25 =	vmul.f32 v3, v25  }
0xa0: {  	s31 =	sadd.s32 $0x2E0, s30;
	v59 =	vmul.u32 $0x180, v20;
	v3 =	vmul.f32 v3, v4;
	v4 =	vnsel vm14, $0x0, v26  }
0xa1: {  	s30 =	sadd.s32 $0x4E0, s30;
	v15 =	vmov s31;
	v4 =	vadd.f32 v4, v22;
	v19 =	vnsel vm14, $0x0, v25  }
0xa2: {  	v17 =	vmov s30;
	vm15 =	veq.s32 v21, v20;
	v19 =	vadd.f32 v19, v3  }
0xa3: {  	v18 =	vadd.s32 v59, v60;
	v20 =	vsel vm14, $0x0, v26;
	v63 =	vnsel vm15, $0x0, v4  }
0xa4: {  	v62 =	vnsel vm15, $0x0, v20;
	v61 =	vsel vm14, $0x0, v25;
	v19 =	vadd.f32 v63, v19  }
0xa5: {  	s30 =	sxor.u32 $0x1, s0;
	s31 =	simm.s32 $0x40;
	[tilespmem:s1+$0x160] =	vst v18;
	v18 =	vsel vm15, $0x0, v20;
	v3 =	vsel vm15, $0x0, v4;
	v4 =	vadd.f32 v62, v61  }
.LBB2_6:
0xa6: {  	p2 =	sne.s32 s31, $0x1C0;
	[tilespmem:v14+s1+$0x0 ss:$0x1] =	vst.idx.msk $0xffff, v19;
	s13 =	smov.u32 s31;
	s31 =	sadd.s32 $0x40, s31  }
0xa7: {  	[tilespmem:v15+s1+$0x0 ss:$0x1] =	vst.idx.msk $0xffff, v3  }
0xa8: {  	[tilespmem:v16+s1+$0x0 ss:$0x1] =	vst.idx.msk $0xffff, v4  }
0xa9: {  	[tilespmem:v17+s1+$0x0 ss:$0x1] =	vst.idx.msk $0xffff, v18;
	s1 =	sshra.s32 s13, $0x2  }
0xaa: {  	v3 =	vld [tilespmem:s1+$0x0]  }
0xab: {  	v4 =	vld [tilespmem:s1+$0x80];
	_ =	sdelay $0x3  }
0xac: {  	v18 =	vmul.f32 v3, v8;
	v3 =	vmul.f32 v3, v11  }
0xad: {  	v19 =	vmul.f32 v4, v9;
	v4 =	vmul.f32 v4, v12;
	_ =	sdelay $0x1  }
0xae: {  	v18 =	vadd.f32 v19, v18;
	v3 =	vadd.f32 v4, v3;
	_ =	sdelay $0x1  }
0xaf: {  	v4 =	vadd.f32 v18, v10;
	v3 =	vadd.f32 v3, v13;
	_ =	sdelay $0x1  }
0xb0: {  	v4 =	vadd.f32 $1.000000000e+00, v4;
	v3 =	vadd.f32 $1.000000000e+00, v3;
	_ =	sdelay $0x1  }
0xb1: {  	v4 =	vmul.f32 $1.920000000e+02, v4;
	v3 =	vmul.f32 $1.920000000e+02, v3;
	_ =	sdelay $0x1  }
0xb2: {  	v18 =	vtrunc.f32 v4;
	v19 =	vtrunc.f32 v3  }
0xb3: {  	v20 =	vcvt.f32.s32 v18;
	vm0 =	vlt.f32 v4, v18;
	v18 =	vcvt.f32.s32 v19  }
0xb4: {  	v21 =	vsel vm0, $0xFFFFFFFF, v2;
	vm0 =	vlt.f32 v3, v19  }
0xb5: {  	v19 =	vadd.s32 v20, v21;
	v20 =	vsel vm0, $0xFFFFFFFF, v2  }
0xb6: {  	v18 =	vadd.s32 v18, v20;
	vm0 =	vgt.s32 v19, $0x0;
	v20 =	vadd.s32 $0x1, v19  }
0xb7: {  	v19 =	vnsel vm0, $0x0, v19;
	vm0 =	vgt.s32 v20, $0x0;
	vm1 =	vgt.s32 v18, $0x0  }
0xb8: {  	v21 =	vadd.s32 $0x1, v18;
	v19 =	vmin.u32 v19, $0x17F;
	v20 =	vnsel vm0, $0x0, v20  }
0xb9: {  	v18 =	vnsel vm1, $0x0, v18;
	vm0 =	vgt.s32 v21, $0x0;
	v20 =	vmin.u32 v20, $0x17F  }
0xba: {  	v18 =	vmin.u32 v18, $0x17F;
	v21 =	vnsel vm0, $0x0, v21;
	v22 =	vcvt.s32.f32 v19  }
0xbb: {  	v21 =	vmin.u32 v21, $0x17F;
	v23 =	vcvt.s32.f32 v20;
	v24 =	vcvt.s32.f32 v18  }
0xbc: {  	v25 =	vmul.u32 $0x180, v18;
	v26 =	vcvt.s32.f32 v21  }
0xbd: {  	v27 =	vor.u32 v0, v19;
	v22 =	vsub.f32 v4, v22;
	v24 =	vsub.f32 v3, v24  }
0xbe: {  	v25 =	vadd.s32 v25, v27;
	v4 =	vsub.f32 v23, v4;
	v3 =	vsub.f32 v26, v3  }
0xbf: {  	vm0 =	veq.s32 v21, v18;
	v23 =	vmul.f32 v24, v22  }
0xc0: {  	vm1 =	veq.s32 v20, v19;
	v18 =	vmul.f32 v4, v24;
	v21 =	vmul.f32 v3, v22  }
0xc1: {  	v3 =	vmul.f32 v3, v4;
	v4 =	vnsel vm1, $0x0, v23;
	v20 =	vsel vm1, $0x0, v23  }
.Ltmp2:
0xc2: {  	v19 =	vnsel vm1, $0x0, v21;
	v21 =	vsel vm1, $0x0, v21;
	v4 =	vadd.f32 v4, v18;
	(pc) =	sbr.rel @p2 .LBB2_6-.Ltmp2, $4  }
0xc3: {  	v18 =	vadd.f32 v19, v3;
	v19 =	vnsel vm0, $0x0, v20  }
0xc4: {  	v22 =	vnsel vm0, $0x0, v4;
	v3 =	vsel vm0, $0x0, v4;
	v4 =	vadd.f32 v19, v21  }
0xc5: {  	v19 =	vadd.f32 v22, v18  }
0xc6: {  	v18 =	vsel vm0, $0x0, v20;
	[tilespmem:s1+$0x160] =	vst v25  }
0xc7: {  	_ =	sdelay $0x2  }
0xc8: {  	s13 =	smul.u32 $0x30000, s30;
	p2 =	slt.u32 s29, $0x2  }
.Ltmp3:
0xc9: {  	[tilespmem:v14+s1+$0x0 ss:$0x1] =	vst.idx.msk $0xffff, v19;
	(pc) =	sbr.rel @p2 .LBB2_9-.Ltmp3, $4  }
0xca: {  	[tilespmem:v15+s1+$0x0 ss:$0x1] =	vst.idx.msk $0xffff, v3  }
0xcb: {  	[tilespmem:v16+s1+$0x0 ss:$0x1] =	vst.idx.msk $0xffff, v4;
	s13 =	sshrl.u32 s13, $0x2  }
0xcc: {  	[tilespmem:v17+s1+$0x0 ss:$0x1] =	vst.idx.msk $0xffff, v18;
	s31 =	sor.u32 $0x5E0, s13  }
0xcd: {  	[tilespmem:s31], [sflag:$0x1] =	stream.indirect.gather [hbm4b:s4+s15], $0x180, s16, s15, $0xb8;
	[tilespmem:$0x1E5E0] =	vst v63  }
.LBB2_8:
0xce: {  	_ =	swait.ge [sflag:s19], $0x3000  }
0xcf: {  	[sflag:s19] =	ssyncset.done $0x0  }
0xd0: {  	[sflag:s19] =	ssyncadd.s32 $0xFFFFD000  }
.LBB2_9:
0xd1: {  	s1 =	simm.s32 $0x0  }
0xd2: {  	v3 =	vmov s1;
	s1 =	simm.s32 $0x1  }
0xd3: {  	s1 =	simm.s32 @!p1 $0x0  }
0xd4: {  	s1 =	smul.u32 $0x30000, s1;
	_ =	sdelay $0x1  }
0xd5: {  	s17 =	simm.s32 $0x1;
	s1 =	sshrl.u32 s1, $0x2  }
0xd6: {  	v0 =	vld [tilespmem:$0x1FFD0];
	v15 =	vmov s17;
	s31 =	sor.u32 $0x8E0, s1  }
0xd7: {  	s13 =	simm.s32 $0x3;
	v15 =	vand.u32 $0x7D, v15;
	v25 =	vld [tilespmem:s31+$0x180]  }
0xd8: {  	v3 =	vand.u32 $0x7C, v3;
	v16 =	vbroadcast v15, $0x0;
	v15 =	vmov s13;
	v26 =	vld [tilespmem:s31+$0x240]  }
0xd9: {  	v4 =	vmov s0;
	v14 =	vbroadcast v3, $0x0;
	v17 =	vand.u32 $0x7F, v15;
	v29 =	vld [tilespmem:s31+$0x1E0]  }
0xda: {  	v42 =	vshll.u32 v4, $0x7;
	v43 =	vbroadcast v17, $0x0;
	v30 =	vld [tilespmem:s31+$0x2A0]  }
0xdb: {  	v3 =	vor.u32 v42, v14;
	v31 =	vld [tilespmem:s31+$0xFFFFFDC0]  }
0xdc: {  	v21 =	vor.u32 v42, v43;
	v32 =	vld [tilespmem:s31+$0xFFFFFF40]  }
0xdd: {  	v33 =	vld [tilespmem:s31+$0xFFFFFD60]  }
0xde: {  	v37 =	vld [tilespmem:s31+$0xFFFFFE20]  }
0xdf: {  	v40 =	vld [tilespmem:s31+$0x0]  }
0xe0: {  	v24 =	vor.u32 v42, v16;
	v15 =	vld.idx.msk [tilespmem:v3+s23+$0x0], $0xffff  }
0xe1: {  	v52 =	vld.idx.msk [tilespmem:v21+s20+$0x0], $0xffff  }
0xe2: {  	v51 =	vld.idx.msk [tilespmem:v21+s21+$0x0], $0xffff  }
0xe3: {  	v17 =	vld.idx.msk [tilespmem:v3+s22+$0x0], $0xffff  }
0xe4: {  	v36 =	vld.idx.msk [tilespmem:v21+s22+$0x0], $0xffff  }
0xe5: {  	v19 =	vld.idx.msk [tilespmem:v24+s23+$0x0], $0xffff  }
0xe6: {  	v49 =	vld.idx.msk [tilespmem:v21+s23+$0x0], $0xffff  }
0xe7: {  	v50 =	vmul.u32 $0x3000, v4;
	v20 =	vld.idx.msk [tilespmem:v24+s22+$0x0], $0xffff;
	v4 =	vmul.f32 v25, v52;
	v25 =	vmul.f32 v26, v51  }
0xe8: {  	v27 =	vld.idx.msk [tilespmem:v24+s20+$0x0], $0xffff  }
0xe9: {  	v39 =	vor.u32 v0, v50;
	v28 =	vld.idx.msk [tilespmem:v24+s21+$0x0], $0xffff;
	v24 =	vmul.f32 v29, v36;
	v4 =	vadd.f32 v25, v4  }
0xea: {  	s13 =	simm.s32 $0x2;
	v22 =	vld.idx.msk [tilespmem:v3+s20+$0x0], $0xffff;
	v29 =	vor.u32 v39, v43  }
0xeb: {  	v23 =	vld.idx.msk [tilespmem:v3+s21+$0x0], $0xffff;
	v3 =	vmov s13;
	v4 =	vadd.f32 v4, v24;
	v24 =	vmul.f32 v30, v49  }
0xec: {  	v41 =	vld [tilespmem:s31+$0xFFFFFEE0];
	v3 =	vand.u32 $0x7E, v3  }
0xed: {  	v59 =	vld [tilespmem:s31+$0xFFFFFFA0];
	v18 =	vbroadcast v3, $0x0;
	v4 =	vadd.f32 v4, v24  }
0xee: {  	v30 =	vld [tilespmem:s31+$0xFFFFFD00]  }
0xef: {  	v3 =	vor.u32 v42, v18;
	v24 =	vld [tilespmem:s31+$0xFFFFFE80];
	[tilespmem:v29+s24+$0x0] =	vst.idx.msk $0xffff, v4  }
0xf0: {  	v4 =	vld [tilespmem:s31+$0x190]  }
0xf1: {  	v29 =	vld [tilespmem:s31+$0x250]  }
0xf2: {  	v35 =	vld [tilespmem:s31+$0x1F0]  }
0xf3: {  	v0 =	vld [tilespmem:$0x1FF90]  }
0xf4: {  	v25 =	vld.idx.msk [tilespmem:v3+s20+$0x0], $0xffff  }
0xf5: {  	v31 =	vmul.f32 v31, v23;
	v30 =	vmul.f32 v30, v22;
	v38 =	vld [tilespmem:s31+$0x2B0]  }
0xf6: {  	v26 =	vld.idx.msk [tilespmem:v3+s21+$0x0], $0xffff;
	v4 =	vmul.f32 v4, v52;
	v29 =	vmul.f32 v29, v51  }
0xf7: {  	v58 =	vor.u32 v39, v14;
	v44 =	vmul.f32 v24, v27;
	v24 =	vadd.f32 v31, v30;
	v31 =	vld [tilespmem:s31+$0xC0]  }
0xf8: {  	v46 =	vld [tilespmem:s31+$0x60];
	v34 =	vor.u32 v0, v50;
	v4 =	vadd.f32 v29, v4;
	v29 =	vmul.f32 v35, v36  }
0xf9: {  	v37 =	vmul.f32 v37, v15;
	v21 =	vld.idx.msk [tilespmem:v3+s22+$0x0], $0xffff;
	v30 =	vmul.f32 v33, v17;
	v45 =	vor.u32 v34, v43  }
0xfa: {  	v61 =	vld [tilespmem:s31+$0x120];
	v32 =	vmul.f32 v32, v28;
	v4 =	vadd.f32 v4, v29;
	v29 =	vmul.f32 v38, v49  }
0xfb: {  	v60 =	vmul.f32 v41, v20;
	v62 =	vmul.f32 v59, v19;
	v30 =	vadd.f32 v24, v30;
	v24 =	vld.idx.msk [tilespmem:v3+s23+$0x0], $0xffff  }
0xfc: {  	v3 =	vmul.f32 v40, v25;
	v4 =	vadd.f32 v4, v29;
	v29 =	vmul.f32 v31, v26  }
0xfd: {  	v32 =	vadd.f32 v32, v44;
	v30 =	vadd.f32 v30, v37;
	v31 =	vor.u32 v39, v16  }
0xfe: {  	[tilespmem:v45+s24+$0x0] =	vst.idx.msk $0xffff, v4;
	v3 =	vadd.f32 v29, v3;
	v4 =	vmul.f32 v46, v21  }
0xff: {  	[tilespmem:v58+s24+$0x0] =	vst.idx.msk $0xffff, v30;
	v30 =	vadd.f32 v32, v60;
	v46 =	vor.u32 v39, v18  }
0x100: {  	v63 =	vld [tilespmem:s31+$0xFFFFFD10];
	v3 =	vadd.f32 v3, v4;
	v4 =	vmul.f32 v61, v24  }
0x101: {  	v30 =	vadd.f32 v30, v62;
	v29 =	vld [tilespmem:s31+$0x1A0]  }
0x102: {  	v47 =	vld [tilespmem:s31+$0x260];
	v3 =	vadd.f32 v3, v4  }
0x103: {  	[tilespmem:v31+s24+$0x0] =	vst.idx.msk $0xffff, v30;
	v30 =	vld [tilespmem:s31+$0x200]  }
0x104: {  	v31 =	vld [tilespmem:s31+$0x2C0];
	[tilespmem:v46+s24+$0x0] =	vst.idx.msk $0xffff, v3  }
0x105: {  	v0 =	vld [tilespmem:$0x1FFA0]  }
0x106: {  	v4 =	vld [tilespmem:s31+$0xFFFFFE90]  }
0x107: {  	v3 =	vld [tilespmem:s31+$0xFFFFFF50]  }
0x108: {  	v55 =	vld [tilespmem:s31+$0xFFFFFEF0];
	v29 =	vmul.f32 v29, v52;
	v32 =	vmul.f32 v47, v51  }
0x109: {  	v53 =	vld [tilespmem:s31+$0x10]  }
0x10a: {  	v54 =	vld [tilespmem:s31+$0xD0];
	v29 =	vadd.f32 v32, v29;
	v30 =	vmul.f32 v30, v36;
	v33 =	vadd.s32 v0, v50  }
0x10b: {  	v58 =	vld [tilespmem:s31+$0xFFFFFFB0];
	v4 =	vmul.f32 v4, v27;
	v56 =	vor.u32 v33, v43  }
0x10c: {  	v48 =	vld [tilespmem:s31+$0xFFFFFDD0];
	v29 =	vadd.f32 v29, v30;
	v30 =	vmul.f32 v31, v49;
	v3 =	vmul.f32 v3, v28  }
0x10d: {  	v57 =	vld [tilespmem:s31+$0x70]  }
0x10e: {  	v31 =	vld [tilespmem:s31+$0xFFFFFD70];
	v29 =	vadd.f32 v29, v30;
	v3 =	vadd.f32 v3, v4;
	v4 =	vmul.f32 v55, v20  }
0x10f: {  	v61 =	vor.u32 v34, v16;
	v30 =	vld [tilespmem:s31+$0x130];
	v38 =	vmul.f32 v53, v25;
	v40 =	vmul.f32 v54, v26  }
0x110: {  	v59 =	vld [tilespmem:s31+$0xFFFFFE30];
	v3 =	vadd.f32 v3, v4;
	v4 =	vmul.f32 v58, v19;
	[tilespmem:v56+s24+$0x0] =	vst.idx.msk $0xffff, v29  }
0x111: {  	v35 =	vmul.f32 v63, v22;
	v37 =	vmul.f32 v48, v23;
	v60 =	vld [tilespmem:s31+$0x1B0]  }
0x112: {  	v63 =	vmul.f32 v57, v21;
	v62 =	vadd.f32 v40, v38;
	v3 =	vadd.f32 v3, v4;
	v44 =	vld [tilespmem:s31+$0x270]  }
0x113: {  	v45 =	vor.u32 v34, v18;
	v31 =	vmul.f32 v31, v17;
	v29 =	vadd.f32 v37, v35;
	v41 =	vld [tilespmem:s31+$0x210]  }
0x114: {  	v30 =	vmul.f32 v30, v24;
	v37 =	vadd.f32 v62, v63;
	v47 =	vld [tilespmem:s31+$0x2D0];
	[tilespmem:v61+s24+$0x0] =	vst.idx.msk $0xffff, v3  }
0x115: {  	v29 =	vadd.f32 v29, v31;
	v31 =	vmul.f32 v59, v15;
	v0 =	vld [tilespmem:$0x1FFB0]  }
0x116: {  	v30 =	vadd.f32 v37, v30;
	v56 =	vld [tilespmem:s31+$0xFFFFFF00]  }
0x117: {  	v4 =	vor.u32 v34, v14;
	v29 =	vadd.f32 v29, v31;
	v31 =	vld [tilespmem:s31+$0xFFFFFEA0]  }
0x118: {  	[tilespmem:v45+s24+$0x0] =	vst.idx.msk $0xffff, v30;
	v30 =	vld [tilespmem:s31+$0xFFFFFF60]  }
0x119: {  	v38 =	vld [tilespmem:s31+$0x20];
	v3 =	vmul.f32 v60, v52;
	v48 =	vmul.f32 v44, v51  }
0x11a: {  	v57 =	vld [tilespmem:s31+$0x80]  }
0x11b: {  	v61 =	vld [tilespmem:s31+$0x140];
	v53 =	vmul.f32 v41, v36;
	v32 =	vadd.s32 v0, v50;
	v3 =	vadd.f32 v48, v3  }
0x11c: {  	[tilespmem:v4+s24+$0x0] =	vst.idx.msk $0xffff, v29;
	v4 =	vld [tilespmem:s31+$0xE0];
	v54 =	vor.u32 v32, v43  }
0x11d: {  	v29 =	vmul.f32 v47, v49;
	v60 =	vld [tilespmem:s31+$0xFFFFFFC0];
	v3 =	vadd.f32 v3, v53  }
0x11e: {  	v55 =	vld [tilespmem:s31+$0xFFFFFD20];
	v58 =	vmul.f32 v31, v27;
	v30 =	vmul.f32 v30, v28  }
0x11f: {  	v37 =	vld [tilespmem:s31+$0xFFFFFDE0];
	v3 =	vadd.f32 v3, v29  }
0x120: {  	s17 =	simm.s32 $0x4;
	v62 =	vmul.f32 v56, v20;
	v38 =	vmul.f32 v38, v25;
	v30 =	vadd.f32 v30, v58;
	v58 =	vld [tilespmem:s31+$0xFFFFFE40]  }
0x121: {  	v53 =	vor.u32 v33, v16;
	v4 =	vmul.f32 v4, v26;
	v29 =	vmov s17;
	[tilespmem:v54+s24+$0x0] =	vst.idx.msk $0xffff, v3;
	v54 =	vld [tilespmem:s31+$0xFFFFFD80]  }
0x122: {  	v56 =	vmul.f32 v60, v19;
	v29 =	vand.u32 $0x7C, v29;
	v30 =	vadd.f32 v30, v62;
	v3 =	vld [tilespmem:s31+$0x1C0]  }
0x123: {  	v29 =	vbroadcast v29, $0x0;
	v59 =	vld [tilespmem:s31+$0x280]  }
0x124: {  	v4 =	vadd.f32 v4, v38;
	v0 =	vld [tilespmem:$0x1FFC0];
	v38 =	vadd.f32 v30, v56  }
0x125: {  	v40 =	vmul.f32 v55, v22;
	v37 =	vmul.f32 v37, v23;
	v47 =	vld [tilespmem:s31+$0x220];
	v44 =	vor.u32 v42, v29  }
0x126: {  	v63 =	vmul.f32 v57, v21;
	v48 =	vld [tilespmem:s31+$0x2E0];
	[tilespmem:v53+s24+$0x0] =	vst.idx.msk $0xffff, v38  }
0x127: {  	v41 =	vor.u32 v33, v18;
	v37 =	vadd.f32 v37, v40;
	v40 =	vld [tilespmem:s31+$0xFFFFFEB0]  }
0x128: {  	v4 =	vadd.f32 v4, v63;
	v63 =	vld [tilespmem:s31+$0xFFFFFF70];
	v45 =	vmul.f32 v59, v51;
	v59 =	vmul.f32 v61, v24  }
0x129: {  	v56 =	vld [tilespmem:s31+$0xFFFFFF10]  }
0x12a: {  	v61 =	vmul.f32 v54, v17;
	v30 =	vld.idx.msk [tilespmem:v44+s23+$0x0], $0xffff;
	v4 =	vadd.f32 v4, v59  }
0x12b: {  	v62 =	vor.u32 v33, v14;
	v3 =	vmul.f32 v3, v52;
	v35 =	vld.idx.msk [tilespmem:v44+s22+$0x0], $0xffff  }
0x12c: {  	v59 =	vmul.f32 v58, v15;
	v58 =	vld [tilespmem:s31+$0xFFFFFFD0];
	[tilespmem:v41+s24+$0x0] =	vst.idx.msk $0xffff, v4;
	v4 =	vadd.f32 v37, v61  }
0x12d: {  	v57 =	vmul.f32 v47, v36;
	v3 =	vadd.f32 v45, v3;
	v41 =	vld [tilespmem:s31+$0x30]  }
0x12e: {  	v40 =	vmul.f32 v40, v27;
	v47 =	vmul.f32 v63, v28;
	v46 =	vld [tilespmem:s31+$0xF0];
	v4 =	vadd.f32 v4, v59  }
0x12f: {  	v31 =	vadd.s32 v0, v50;
	v60 =	vmul.f32 v48, v49;
	v3 =	vadd.f32 v3, v57;
	v57 =	vld [tilespmem:s31+$0x90]  }
0x130: {  	v55 =	vor.u32 v31, v43;
	v40 =	vadd.f32 v47, v40;
	v47 =	vld.idx.msk [tilespmem:v44+s20+$0x0], $0xffff;
	[tilespmem:v62+s24+$0x0] =	vst.idx.msk $0xffff, v4  }
0x131: {  	s13 =	simm.s32 $0x5;
	v45 =	vld [tilespmem:s31+$0xFFFFFD30]  }
0x132: {  	s17 =	simm.s32 $0x6;
	v3 =	vadd.f32 v3, v60;
	v60 =	vmov s13;
	v48 =	vld [tilespmem:s31+$0xFFFFFDF0]  }
0x133: {  	v0 =	vor.u32 v32, v18;
	v61 =	vmov s17;
	v44 =	vld.idx.msk [tilespmem:v44+s21+$0x0], $0xffff;
	v37 =	vand.u32 $0x7D, v60  }
0x134: {  	v56 =	vmul.f32 v56, v20;
	v38 =	vbroadcast v37, $0x0;
	v62 =	vand.u32 $0x7E, v61;
	v59 =	vld [tilespmem:s31+$0xFFFFFD90]  }
0x135: {  	v63 =	vor.u32 v32, v16;
	v58 =	vmul.f32 v58, v19;
	[tilespmem:v55+s24+$0x0] =	vst.idx.msk $0xffff, v3;
	v61 =	vld [tilespmem:s31+$0x150];
	v37 =	vbroadcast v62, $0x0  }
0x136: {  	v62 =	vld [tilespmem:s31+$0xFFFFFE50];
	v60 =	vor.u32 v42, v38;
	v41 =	vmul.f32 v41, v25;
	v46 =	vmul.f32 v46, v26  }
0x137: {  	v56 =	vadd.f32 v40, v56;
	v3 =	vld [tilespmem:s31+$0x1D0];
	v45 =	vmul.f32 v45, v22;
	v48 =	vmul.f32 v48, v23  }
0x138: {  	v54 =	vld [tilespmem:s31+$0x290];
	v57 =	vmul.f32 v57, v21;
	v53 =	vor.u32 v42, v37;
	v46 =	vadd.f32 v46, v41  }
0x139: {  	v4 =	vld [tilespmem:s31+$0x230];
	v48 =	vadd.f32 v48, v45;
	v45 =	vadd.f32 v56, v58;
	v56 =	vmul.f32 v59, v17  }
0x13a: {  	v55 =	vld [tilespmem:s31+$0x2F0];
	v57 =	vadd.f32 v46, v57;
	v58 =	vmul.f32 v61, v24;
	v59 =	vor.u32 v32, v14  }
0x13b: {  	v40 =	vld.idx.msk [tilespmem:v60+s23+$0x0], $0xffff;
	v61 =	vmul.f32 v62, v15;
	v56 =	vadd.f32 v48, v56  }
0x13c: {  	v46 =	vld.idx.msk [tilespmem:v60+s22+$0x0], $0xffff;
	v57 =	vadd.f32 v57, v58  }
0x13d: {  	v41 =	vld.idx.msk [tilespmem:v53+s23+$0x0], $0xffff;
	[tilespmem:v63+s24+$0x0] =	vst.idx.msk $0xffff, v45;
	v63 =	vadd.f32 v56, v61  }
0x13e: {  	v45 =	vld.idx.msk [tilespmem:v53+s22+$0x0], $0xffff;
	[tilespmem:v0+s24+$0x0] =	vst.idx.msk $0xffff, v57  }
0x13f: {  	v48 =	vld.idx.msk [tilespmem:v60+s20+$0x0], $0xffff;
	[tilespmem:v59+s24+$0x0] =	vst.idx.msk $0xffff, v63  }
0x140: {  	v1 =	vld [tilespmem:$0x1FFE0]  }
0x141: {  	v3 =	vmul.f32 v3, v52;
	v51 =	vmul.f32 v54, v51;
	v52 =	vld [tilespmem:s31+$0xFFFFFEC0]  }
0x142: {  	v0 =	vld [tilespmem:s31+$0xFFFFFF80]  }
0x143: {  	v4 =	vmul.f32 v4, v36;
	v3 =	vadd.f32 v51, v3;
	v56 =	vld [tilespmem:s31+$0x40]  }
0x144: {  	v51 =	vld [tilespmem:s31+$0x100]  }
0x145: {  	s17 =	simm.s32 $0x7;
	v3 =	vadd.f32 v3, v4;
	v62 =	vld [tilespmem:s31+$0xFFFFFE00];
	v36 =	vadd.s32 v1, v50  }
0x146: {  	v4 =	vmul.f32 v55, v49;
	v63 =	vmov s17;
	v50 =	vld [tilespmem:s31+$0xFFFFFD40];
	v61 =	vor.u32 v36, v43  }
0x147: {  	v55 =	vld [tilespmem:s31+$0xFFFFFF20];
	v43 =	vand.u32 $0x7F, v63  }
0x148: {  	v3 =	vadd.f32 v3, v4;
	v4 =	vmul.f32 v52, v27;
	v52 =	vld [tilespmem:s31+$0xA0];
	v43 =	vbroadcast v43, $0x0  }
0x149: {  	v58 =	vld [tilespmem:s31+$0xFFFFFDA0];
	v0 =	vmul.f32 v0, v28  }
0x14a: {  	v57 =	vld [tilespmem:s31+$0xFFFFFFE0];
	v59 =	vmul.f32 v56, v25;
	v51 =	vmul.f32 v51, v26;
	v63 =	vor.u32 v42, v43  }
0x14b: {  	v56 =	vld [tilespmem:s31+$0x160];
	[tilespmem:v61+s24+$0x0] =	vst.idx.msk $0xffff, v3;
	v3 =	vmul.f32 v50, v22;
	v50 =	vmul.f32 v62, v23  }
0x14c: {  	v61 =	vadd.f32 v0, v4;
	v62 =	vadd.f32 v51, v59;
	v59 =	vld [tilespmem:s31+$0xFFFFFE60];
	v4 =	vmul.f32 v55, v20  }
0x14d: {  	s30 =	smul.u32 $0xC000, s0;
	s1 =	simm.s32 $0x8;
	s0 =	smov.u32 s31;
	v49 =	vld.idx.msk [tilespmem:v60+s21+$0x0], $0xffff;
	v60 =	vadd.f32 v50, v3;
	v3 =	vmul.f32 v52, v21  }
.LBB2_10:
0x14e: {  	p2 =	slt.u32 s1, $0x7C;
	v55 =	vld.idx.msk [tilespmem:v53+s20+$0x0], $0xffff;
	v0 =	vmul.f32 v58, v17;
	v4 =	vadd.f32 v61, v4;
	v50 =	vor.u32 v31, v16  }
0x14f: {  	s31 =	sadd.s32 $0x600, s31;
	v54 =	vld.idx.msk [tilespmem:v53+s21+$0x0], $0xffff;
	v52 =	vmul.f32 v57, v19;
	v3 =	vadd.f32 v62, v3;
	v57 =	vor.u32 v31, v18  }
0x150: {  	v58 =	vld [tilespmem:s31+$0x180];
	v0 =	vadd.f32 v60, v0;
	v60 =	vor.u32 v31, v14;
	v56 =	vmul.f32 v56, v24  }
0x151: {  	v51 =	vld.idx.msk [tilespmem:v63+s20+$0x0], $0xffff;
	v59 =	vmul.f32 v59, v15;
	v4 =	vadd.f32 v4, v52  }
0x152: {  	v53 =	vld.idx.msk [tilespmem:v63+s21+$0x0], $0xffff;
	v3 =	vadd.f32 v3, v56  }
0x153: {  	v56 =	vld [tilespmem:s31+$0x240];
	v0 =	vadd.f32 v0, v59;
	[tilespmem:v50+s24+$0x0] =	vst.idx.msk $0xffff, v4  }
0x154: {  	v52 =	vld.idx.msk [tilespmem:v63+s22+$0x0], $0xffff;
	[tilespmem:v57+s24+$0x0] =	vst.idx.msk $0xffff, v3  }
0x155: {  	v3 =	vld [tilespmem:s31+$0x1E0];
	[tilespmem:v60+s24+$0x0] =	vst.idx.msk $0xffff, v0  }
0x156: {  	v50 =	vld.idx.msk [tilespmem:v63+s23+$0x0], $0xffff  }
0x157: {  	v0 =	vld [tilespmem:s31+$0x2A0]  }
0x158: {  	v57 =	vmul.f32 v58, v51;
	v4 =	vld [tilespmem:s31+$0xFFFFFD00];
	v56 =	vmul.f32 v56, v53  }
0x159: {  	v58 =	vld [tilespmem:s31+$0xFFFFFDC0]  }
0x15a: {  	v59 =	vld [tilespmem:s31+$0xFFFFFE80];
	v56 =	vadd.f32 v56, v57;
	v3 =	vmul.f32 v3, v52  }
0x15b: {  	v60 =	vor.u32 v39, v43;
	v57 =	vld [tilespmem:s31+$0xFFFFFF40]  }
0x15c: {  	v61 =	vld [tilespmem:s31+$0x0];
	v3 =	vadd.f32 v56, v3;
	v0 =	vmul.f32 v0, v50  }
0x15d: {  	v4 =	vmul.f32 v4, v47;
	v56 =	vld [tilespmem:s31+$0xC0]  }
0x15e: {  	v62 =	vld [tilespmem:s31+$0xFFFFFD60];
	v58 =	vmul.f32 v58, v44;
	v0 =	vadd.f32 v3, v0  }
0x15f: {  	v3 =	vld [tilespmem:s31+$0xFFFFFEE0];
	v59 =	vmul.f32 v59, v48  }
0x160: {  	v4 =	vadd.f32 v58, v4;
	v57 =	vmul.f32 v57, v49;
	v58 =	vld [tilespmem:s31+$0x60];
	[tilespmem:v60+s24+$0x0] =	vst.idx.msk $0xffff, v0  }
0x161: {  	v0 =	vmul.f32 v61, v55;
	v60 =	vld [tilespmem:s31+$0x190]  }
0x162: {  	v57 =	vadd.f32 v57, v59;
	v56 =	vmul.f32 v56, v54;
	v59 =	vld [tilespmem:s31+$0x250]  }
0x163: {  	v61 =	vld [tilespmem:s31+$0xFFFFFE20];
	v62 =	vmul.f32 v62, v35  }
0x164: {  	v3 =	vmul.f32 v3, v46;
	v0 =	vadd.f32 v56, v0;
	v56 =	vld [tilespmem:s31+$0x1F0]  }
0x165: {  	v4 =	vadd.f32 v4, v62;
	v62 =	vld [tilespmem:s31+$0xFFFFFFA0];
	v58 =	vmul.f32 v58, v45  }
0x166: {  	v63 =	vor.u32 v39, v29;
	v3 =	vadd.f32 v57, v3;
	v57 =	vld [tilespmem:s31+$0x2B0]  }
0x167: {  	v5 =	vld [tilespmem:s31+$0x120];
	v0 =	vadd.f32 v0, v58;
	v58 =	vmul.f32 v60, v51;
	v59 =	vmul.f32 v59, v53  }
0x168: {  	v60 =	vmul.f32 v61, v30;
	v61 =	vld [tilespmem:s0+$0xFFFFFED0]  }
0x169: {  	v6 =	vor.u32 v39, v38;
	v58 =	vadd.f32 v59, v58;
	v56 =	vmul.f32 v56, v52;
	v59 =	vld [tilespmem:s0+$0xFFFFFF90]  }
0x16a: {  	v4 =	vadd.f32 v4, v60;
	v60 =	vmul.f32 v62, v40;
	v62 =	vor.u32 v34, v43;
	v7 =	vld [tilespmem:s0+$0x50]  }
0x16b: {  	v1 =	vor.u32 v39, v37;
	v56 =	vadd.f32 v58, v56;
	v57 =	vmul.f32 v57, v50;
	v58 =	vld [tilespmem:s0+$0x110]  }
0x16c: {  	[tilespmem:v63+s24+$0x0] =	vst.idx.msk $0xffff, v4;
	v3 =	vadd.f32 v3, v60;
	v4 =	vmul.f32 v5, v41;
	v5 =	vld [tilespmem:s0+$0xFFFFFD50]  }
0x16d: {  	v60 =	vld [tilespmem:s31+$0xFFFFFD10];
	v56 =	vadd.f32 v56, v57;
	v57 =	vmul.f32 v61, v27;
	v27 =	vmov v48  }
0x16e: {  	v48 =	vld [tilespmem:s31+$0xFFFFFDD0];
	[tilespmem:v6+s24+$0x0] =	vst.idx.msk $0xffff, v3;
	v0 =	vadd.f32 v0, v4;
	v3 =	vmul.f32 v59, v28;
	v28 =	vmov v49  }
0x16f: {  	v4 =	vld [tilespmem:s31+$0xFFFFFE90];
	[tilespmem:v62+s24+$0x0] =	vst.idx.msk $0xffff, v56;
	v6 =	vmul.f32 v7, v25;
	v25 =	vmov v55  }
0x170: {  	[tilespmem:v1+s24+$0x0] =	vst.idx.msk $0xffff, v0;
	v0 =	vld [tilespmem:s31+$0x1A0];
	v1 =	vadd.f32 v3, v57;
	v3 =	vmul.f32 v58, v26;
	v26 =	vmov v54  }
0x171: {  	v7 =	vld [tilespmem:s31+$0x260];
	v5 =	vmul.f32 v5, v22;
	v22 =	vmov v47  }
0x172: {  	v47 =	vmul.f32 v60, v22;
	v49 =	vld [tilespmem:s31+$0xFFFFFF50];
	v3 =	vadd.f32 v3, v6  }
0x173: {  	v6 =	vmul.f32 v48, v44;
	v48 =	vld [tilespmem:s31+$0x200]  }
0x174: {  	v4 =	vmul.f32 v4, v27;
	v54 =	vld [tilespmem:s31+$0x10]  }
0x175: {  	v6 =	vadd.f32 v6, v47;
	v47 =	vld [tilespmem:s31+$0x2C0]  }
0x176: {  	v0 =	vmul.f32 v0, v51;
	v55 =	vld [tilespmem:s31+$0xD0];
	v7 =	vmul.f32 v7, v53  }
0x177: {  	v56 =	vld [tilespmem:s31+$0xFFFFFEF0];
	v49 =	vmul.f32 v49, v28  }
0x178: {  	v57 =	vld [tilespmem:s31+$0x70];
	v0 =	vadd.f32 v7, v0;
	v7 =	vmul.f32 v48, v52  }
0x179: {  	v48 =	vld [tilespmem:s31+$0xFFFFFD70];
	v4 =	vadd.f32 v49, v4;
	v49 =	vmul.f32 v54, v25;
	v54 =	vor.u32 v33, v43  }
0x17a: {  	v58 =	vld [tilespmem:s31+$0xFFFFFFB0];
	v0 =	vadd.f32 v0, v7;
	v7 =	vmul.f32 v47, v50  }
0x17b: {  	v47 =	vld [tilespmem:s31+$0x130];
	v55 =	vmul.f32 v55, v26  }
0x17c: {  	v59 =	vld [tilespmem:s31+$0xFFFFFE30];
	v56 =	vmul.f32 v56, v46;
	v0 =	vadd.f32 v0, v7  }
0x17d: {  	v7 =	vor.u32 v34, v38;
	v49 =	vadd.f32 v55, v49;
	v55 =	vmul.f32 v57, v45;
	v57 =	vld [tilespmem:s0+$0xFFFFFE10]  }
0x17e: {  	v48 =	vmul.f32 v48, v35;
	v4 =	vadd.f32 v4, v56;
	[tilespmem:v54+s24+$0x0] =	vst.idx.msk $0xffff, v0;
	v0 =	vld [tilespmem:s0+$0xFFFFFF30]  }
0x17f: {  	v54 =	vmul.f32 v58, v40;
	v49 =	vadd.f32 v49, v55;
	v55 =	vor.u32 v34, v37;
	v56 =	vld [tilespmem:s31+$0x1B0]  }
0x180: {  	v6 =	vadd.f32 v6, v48;
	v48 =	vor.u32 v34, v29;
	v47 =	vmul.f32 v47, v41;
	v58 =	vld [tilespmem:s31+$0x270]  }
0x181: {  	v59 =	vmul.f32 v59, v30;
	v4 =	vadd.f32 v4, v54;
	v54 =	vld [tilespmem:s0+$0xB0]  }
0x182: {  	v47 =	vadd.f32 v49, v47;
	v49 =	vld [tilespmem:s31+$0x210];
	v57 =	vmul.f32 v57, v23;
	v23 =	vmov v44  }
0x183: {  	v6 =	vadd.f32 v6, v59;
	[tilespmem:v7+s24+$0x0] =	vst.idx.msk $0xffff, v4;
	v4 =	vld [tilespmem:s0+$0xFFFFFDB0];
	v0 =	vmul.f32 v0, v20;
	v20 =	vmov v46  }
0x184: {  	[tilespmem:v55+s24+$0x0] =	vst.idx.msk $0xffff, v47;
	v7 =	vld [tilespmem:s31+$0x2D0];
	v5 =	vadd.f32 v57, v5  }
0x185: {  	v44 =	vmul.f32 v56, v51;
	[tilespmem:v48+s24+$0x0] =	vst.idx.msk $0xffff, v6;
	v6 =	vld [tilespmem:s31+$0xFFFFFEA0];
	v46 =	vmul.f32 v58, v53  }
0x186: {  	v0 =	vadd.f32 v1, v0;
	v47 =	vld [tilespmem:s31+$0xFFFFFF60];
	v1 =	vmul.f32 v54, v21;
	v21 =	vmov v45  }
0x187: {  	v45 =	vld [tilespmem:s31+$0x20];
	v44 =	vadd.f32 v46, v44;
	v46 =	vmul.f32 v49, v52  }
0x188: {  	v49 =	vor.u32 v32, v43;
	v48 =	vld [tilespmem:s31+$0xE0];
	v4 =	vmul.f32 v4, v17;
	v1 =	vadd.f32 v3, v1;
	v17 =	vmovc v35  }
0x189: {  	v3 =	vld [tilespmem:s31+$0xFFFFFD20];
	v35 =	vadd.f32 v44, v46;
	v7 =	vmul.f32 v7, v50  }
0x18a: {  	v44 =	vld [tilespmem:s31+$0xFFFFFDE0];
	v6 =	vmul.f32 v6, v27;
	v4 =	vadd.f32 v5, v4  }
0x18b: {  	v5 =	vld [tilespmem:s31+$0xFFFFFF00];
	v46 =	vmul.f32 v47, v28;
	v7 =	vadd.f32 v35, v7  }
0x18c: {  	v35 =	vld [tilespmem:s31+$0x80];
	v45 =	vmul.f32 v45, v25  }
0x18d: {  	v47 =	vld [tilespmem:s31+$0xFFFFFD80];
	v6 =	vadd.f32 v46, v6;
	v46 =	vmul.f32 v48, v26;
	[tilespmem:v49+s24+$0x0] =	vst.idx.msk $0xffff, v7  }
0x18e: {  	v3 =	vmul.f32 v3, v22;
	v7 =	vld [tilespmem:s31+$0x1C0]  }
0x18f: {  	v48 =	vmov s1;
	v44 =	vmul.f32 v44, v23;
	v45 =	vadd.f32 v46, v45;
	v46 =	vld [tilespmem:s31+$0x280]  }
0x190: {  	v48 =	vand.u32 $0x7C, v48;
	v49 =	vld [tilespmem:s31+$0xFFFFFFC0];
	v5 =	vmul.f32 v5, v20  }
0x191: {  	v48 =	vbroadcast v48, $0x0;
	v3 =	vadd.f32 v44, v3;
	v35 =	vmul.f32 v35, v21;
	v44 =	vld [tilespmem:s31+$0x220]  }
0x192: {  	v47 =	vmul.f32 v47, v17;
	v5 =	vadd.f32 v6, v5;
	v6 =	vld [tilespmem:s31+$0x140]  }
0x193: {  	v55 =	vor.u32 v33, v38;
	v54 =	vor.u32 v42, v48;
	v45 =	vadd.f32 v45, v35;
	v35 =	vld [tilespmem:s31+$0x2E0]  }
0x194: {  	v7 =	vmul.f32 v7, v51;
	v56 =	vld [tilespmem:s31+$0xFFFFFE40];
	v3 =	vadd.f32 v3, v47;
	v46 =	vmul.f32 v46, v53  }
0x195: {  	v57 =	vor.u32 v36, v14;
	v14 =	vmovc v29;
	v47 =	vor.u32 v33, v29;
	v49 =	vmul.f32 v49, v40;
	v58 =	vld [tilespmem:s0+$0xFFFFFFF0]  }
0x196: {  	v59 =	vor.u32 v33, v37;
	v29 =	vmovc v48;
	v7 =	vadd.f32 v46, v7;
	v44 =	vmul.f32 v44, v52;
	v46 =	vld [tilespmem:s0+$0x170]  }
0x197: {  	v48 =	vor.u32 v31, v43;
	v5 =	vadd.f32 v5, v49;
	v6 =	vmul.f32 v6, v41;
	v49 =	vld [tilespmem:s0+$0xFFFFFE70];
	s0 =	smov.u32 s31  }
0x198: {  	v61 =	vor.u32 v36, v16;
	v60 =	vld.idx.msk [tilespmem:v54+s23+$0x0], $0xffff;
	v7 =	vadd.f32 v7, v44;
	v44 =	vmul.f32 v35, v50  }
0x199: {  	v35 =	vld.idx.msk [tilespmem:v54+s22+$0x0], $0xffff;
	v56 =	vmul.f32 v56, v30;
	[tilespmem:v55+s24+$0x0] =	vst.idx.msk $0xffff, v5;
	v5 =	vadd.f32 v45, v6  }
0x19a: {  	v16 =	vmovc v38;
	v6 =	vld [tilespmem:s31+$0xFFFFFEB0];
	v7 =	vadd.f32 v7, v44;
	v45 =	vmul.f32 v58, v19;
	v44 =	vor.u32 v36, v18  }
0x19b: {  	v18 =	vmov v37;
	v3 =	vadd.f32 v3, v56;
	v38 =	vld [tilespmem:s31+$0xFFFFFF70];
	[tilespmem:v59+s24+$0x0] =	vst.idx.msk $0xffff, v5;
	v5 =	vmul.f32 v46, v24  }
0x19c: {  	v37 =	vld [tilespmem:s31+$0x30];
	[tilespmem:v48+s24+$0x0] =	vst.idx.msk $0xffff, v7;
	v7 =	vmul.f32 v49, v15;
	v0 =	vadd.f32 v0, v45;
	v15 =	vmov v30  }
0x19d: {  	v19 =	vmov v40;
	v24 =	vmov v41;
	[tilespmem:v47+s24+$0x0] =	vst.idx.msk $0xffff, v3;
	v3 =	vld [tilespmem:s31+$0x1D0];
	v1 =	vadd.f32 v1, v5  }
0x19e: {  	v30 =	vmov v60;
	v5 =	vld [tilespmem:s31+$0x290];
	v4 =	vadd.f32 v4, v7;
	[tilespmem:v61+s24+$0x0] =	vst.idx.msk $0xffff, v0  }
0x19f: {  	v0 =	vmul.f32 v6, v27;
	v6 =	vld [tilespmem:s31+$0xF0];
	[tilespmem:v44+s24+$0x0] =	vst.idx.msk $0xffff, v1  }
0x1a0: {  	v1 =	vmul.f32 v38, v28;
	v7 =	vld [tilespmem:s31+$0x230];
	[tilespmem:v57+s24+$0x0] =	vst.idx.msk $0xffff, v4  }
0x1a1: {  	s13 =	sadd.s32 $0x1, s1;
	s17 =	sadd.s32 $0x2, s1;
	v4 =	vld [tilespmem:s31+$0xFFFFFD30];
	v40 =	vmul.f32 v37, v25  }
0x1a2: {  	v41 =	vmov s17;
	v37 =	vmov s13;
	v0 =	vadd.f32 v1, v0;
	v1 =	vld [tilespmem:s31+$0x2F0]  }
0x1a3: {  	v37 =	vand.u32 $0x7D, v37;
	v3 =	vmul.f32 v3, v51;
	v44 =	vld [tilespmem:s31+$0xFFFFFDF0];
	v5 =	vmul.f32 v5, v53  }
0x1a4: {  	v38 =	vbroadcast v37, $0x0;
	v37 =	vand.u32 $0x7E, v41;
	v41 =	vld [tilespmem:s31+$0xFFFFFF10];
	v6 =	vmul.f32 v6, v26  }
0x1a5: {  	v37 =	vbroadcast v37, $0x0;
	v45 =	vld [tilespmem:s31+$0x90];
	v3 =	vadd.f32 v5, v3;
	v5 =	vmul.f32 v7, v52  }
0x1a6: {  	v7 =	vld [tilespmem:s31+$0xFFFFFD90];
	v4 =	vmul.f32 v4, v22;
	v6 =	vadd.f32 v6, v40;
	v40 =	vor.u32 v36, v43  }
0x1a7: {  	v49 =	vor.u32 v42, v38;
	v43 =	vld [tilespmem:s31+$0xFFFFFFD0];
	v3 =	vadd.f32 v3, v5;
	v1 =	vmul.f32 v1, v50  }
0x1a8: {  	v53 =	vor.u32 v42, v37;
	v5 =	vmul.f32 v44, v23;
	v46 =	vld [tilespmem:s31+$0x150]  }
0x1a9: {  	v48 =	vld [tilespmem:s31+$0xFFFFFE50];
	v41 =	vmul.f32 v41, v20;
	v1 =	vadd.f32 v3, v1  }
0x1aa: {  	v47 =	vld.idx.msk [tilespmem:v54+s20+$0x0], $0xffff;
	v3 =	vadd.f32 v5, v4;
	v4 =	vor.u32 v32, v16;
	v5 =	vmul.f32 v45, v21  }
0x1ab: {  	v44 =	vld.idx.msk [tilespmem:v54+s21+$0x0], $0xffff;
	v7 =	vmul.f32 v7, v17;
	v0 =	vadd.f32 v0, v41;
	[tilespmem:v40+s24+$0x0] =	vst.idx.msk $0xffff, v1  }
0x1ac: {  	v40 =	vld.idx.msk [tilespmem:v49+s23+$0x0], $0xffff;
	v1 =	vmul.f32 v43, v19;
	v5 =	vadd.f32 v6, v5;
	v6 =	vor.u32 v32, v18  }
0x1ad: {  	v41 =	vld.idx.msk [tilespmem:v53+s23+$0x0], $0xffff;
	v3 =	vadd.f32 v3, v7;
	v7 =	vor.u32 v32, v14;
	v43 =	vmul.f32 v46, v24  }
0x1ae: {  	v46 =	vld.idx.msk [tilespmem:v49+s22+$0x0], $0xffff;
	v50 =	vmul.f32 v48, v15;
	v0 =	vadd.f32 v0, v1  }
0x1af: {  	v45 =	vld.idx.msk [tilespmem:v53+s22+$0x0], $0xffff;
	v1 =	vadd.f32 v5, v43  }
0x1b0: {  	v48 =	vld.idx.msk [tilespmem:v49+s20+$0x0], $0xffff;
	v3 =	vadd.f32 v3, v50;
	[tilespmem:v4+s24+$0x0] =	vst.idx.msk $0xffff, v0  }
0x1b1: {  	v0 =	vld [tilespmem:s31+$0xFFFFFEC0];
	[tilespmem:v6+s24+$0x0] =	vst.idx.msk $0xffff, v1  }
0x1b2: {  	[tilespmem:v7+s24+$0x0] =	vst.idx.msk $0xffff, v3;
	v1 =	vld [tilespmem:s31+$0xFFFFFF80]  }
0x1b3: {  	v3 =	vld [tilespmem:s31+$0x40]  }
0x1b4: {  	v4 =	vld [tilespmem:s31+$0x100]  }
0x1b5: {  	v5 =	vld [tilespmem:s31+$0xFFFFFD40]  }
0x1b6: {  	v6 =	vld [tilespmem:s31+$0xFFFFFE00];
	v0 =	vmul.f32 v0, v27  }
0x1b7: {  	s13 =	sadd.s32 $0x3, s1;
	v7 =	vld [tilespmem:s31+$0xFFFFFF20];
	v1 =	vmul.f32 v1, v28  }
0x1b8: {  	v43 =	vmov s13;
	v50 =	vld [tilespmem:s31+$0xA0];
	v3 =	vmul.f32 v3, v25  }
.Ltmp4:
0x1b9: {  	v43 =	vand.u32 $0x7F, v43;
	v58 =	vld [tilespmem:s31+$0xFFFFFDA0];
	v61 =	vadd.f32 v1, v0;
	v0 =	vmul.f32 v4, v26;
	(pc) =	sbr.rel @p2 .LBB2_10-.Ltmp4, $4  }
0x1ba: {  	v43 =	vbroadcast v43, $0x0;
	v1 =	vmul.f32 v5, v22;
	v57 =	vld [tilespmem:s31+$0xFFFFFFE0]  }
0x1bb: {  	v5 =	vmul.f32 v6, v23;
	v56 =	vld [tilespmem:s31+$0x160];
	v62 =	vadd.f32 v0, v3  }
0x1bc: {  	v63 =	vor.u32 v42, v43;
	v59 =	vld [tilespmem:s31+$0xFFFFFE60];
	v4 =	vmul.f32 v7, v20  }
0x1bd: {  	s1 =	sadd.s32 $0x4, s1;
	v49 =	vld.idx.msk [tilespmem:v49+s21+$0x0], $0xffff;
	v60 =	vadd.f32 v5, v1;
	v3 =	vmul.f32 v50, v21  }
0x1be: {  	_ =	sdelay $0x3  }
0x1bf: {  	v42 =	vld.idx.msk [tilespmem:v63+s20+$0x0], $0xffff;
	_ =	sdelay $0x2  }
0x1c0: {  	v54 =	vld.idx.msk [tilespmem:v53+s20+$0x0], $0xffff  }
0x1c1: {  	v53 =	vld.idx.msk [tilespmem:v53+s21+$0x0], $0xffff;
	s1 =	sadd.s32 $0x600, s31  }
0x1c2: {  	v0 =	vld [tilespmem:s1+$0x180];
	[tilespmem:$0x1FF20] =	vst v42  }
0x1c3: {  	v50 =	vld.idx.msk [tilespmem:v63+s21+$0x0], $0xffff;
	_ =	sdelay $0x4  }
0x1c4: {  	[tilespmem:$0x1FF30] =	vst v50  }
0x1c5: {  	v7 =	vld.idx.msk [tilespmem:v63+s22+$0x0], $0xffff;
	_ =	sdelay $0x4  }
0x1c6: {  	v1 =	vld [tilespmem:s1+$0x240];
	[tilespmem:$0x1FF40] =	vst v7  }
0x1c7: {  	v51 =	vld.idx.msk [tilespmem:v63+s23+$0x0], $0xffff;
	_ =	sdelay $0x3  }
0x1c8: {  	v5 =	vld [tilespmem:s1+$0x1E0]  }
0x1c9: {  	[tilespmem:$0x1FF50] =	vst v51  }
0x1ca: {  	v6 =	vld [tilespmem:s1+$0x2A0]  }
0x1cb: {  	v0 =	vmul.f32 v0, v42;
	v1 =	vmul.f32 v1, v50  }
0x1cc: {  	v52 =	vld [tilespmem:s1+$0xFFFFFD00]  }
0x1cd: {  	v0 =	vadd.f32 v1, v0;
	v1 =	vmul.f32 v5, v7;
	v55 =	vld [tilespmem:s1+$0xFFFFFDC0]  }
0x1ce: {  	v5 =	vor.u32 v39, v43;
	v63 =	vld [tilespmem:s1+$0xFFFFFE80]  }
0x1cf: {  	v42 =	vld [tilespmem:s1+$0xFFFFFF40];
	v0 =	vadd.f32 v0, v1;
	v1 =	vmul.f32 v6, v51  }
0x1d0: {  	v50 =	vld [tilespmem:s1+$0x0]  }
0x1d1: {  	v7 =	vld [tilespmem:s1+$0xFFFFFD60];
	v6 =	vor.u32 v31, v16;
	v0 =	vadd.f32 v0, v1  }
0x1d2: {  	v51 =	vld [tilespmem:s1+$0xC0];
	v1 =	vadd.f32 v61, v4;
	v4 =	vmul.f32 v57, v19;
	v57 =	vor.u32 v31, v18  }
0x1d3: {  	v61 =	vld [tilespmem:s1+$0xFFFFFEE0];
	[tilespmem:v5+s24+$0x0] =	vst.idx.msk $0xffff, v0;
	v0 =	vadd.f32 v62, v3;
	v3 =	vmul.f32 v56, v24  }
0x1d4: {  	v5 =	vld [tilespmem:s1+$0x60];
	v1 =	vadd.f32 v1, v4  }
0x1d5: {  	v56 =	vld [tilespmem:s1+$0xFFFFFFA0];
	v0 =	vadd.f32 v0, v3  }
0x1d6: {  	v62 =	vld [tilespmem:s1+$0x120];
	[tilespmem:v6+s24+$0x0] =	vst.idx.msk $0xffff, v1;
	v1 =	vmul.f32 v52, v47  }
0x1d7: {  	v6 =	vmul.f32 v55, v44;
	[tilespmem:v57+s24+$0x0] =	vst.idx.msk $0xffff, v0;
	v0 =	vmul.f32 v63, v48;
	v63 =	vld [tilespmem:s0+$0xFFFFFED0]  }
0x1d8: {  	v4 =	vld [tilespmem:s1+$0x190]  }
0x1d9: {  	v3 =	vld [tilespmem:s1+$0xFFFFFE20];
	v55 =	vmul.f32 v51, v53;
	v1 =	vadd.f32 v6, v1;
	v6 =	vmul.f32 v50, v54  }
0x1da: {  	v7 =	vmul.f32 v7, v35;
	v52 =	vld [tilespmem:s1+$0x250]  }
0x1db: {  	v50 =	vld [tilespmem:s1+$0x1F0];
	v5 =	vmul.f32 v5, v45;
	v6 =	vadd.f32 v55, v6  }
0x1dc: {  	v1 =	vadd.f32 v1, v7;
	v7 =	vld [tilespmem:s1+$0x2B0];
	[tilespmem:$0x1FF60] =	vst v63  }
0x1dd: {  	v5 =	vadd.f32 v6, v5;
	v6 =	vld [tilespmem:s0+$0x50]  }
0x1de: {  	v51 =	vor.u32 v39, v29  }
0x1df: {  	v3 =	vmul.f32 v3, v30;
	_ =	sdelay $0x1  }
0x1e0: {  	v42 =	vmul.f32 v42, v49;
	v1 =	vadd.f32 v1, v3  }
0x1e1: {  	v57 =	vld [tilespmem:s0+$0xFFFFFF90];
	[tilespmem:$0x1FF70] =	vst v6  }
0x1e2: {  	v61 =	vmul.f32 v61, v46;
	v0 =	vadd.f32 v42, v0;
	[tilespmem:v51+s24+$0x0] =	vst.idx.msk $0xffff, v1;
	v1 =	vld [tilespmem:s0+$0x110]  }
0x1e3: {  	v55 =	vor.u32 v39, v38  }
0x1e4: {  	v0 =	vadd.f32 v0, v61;
	v3 =	vmul.f32 v56, v40;
	_ =	sdelay $0x1  }
0x1e5: {  	v0 =	vadd.f32 v0, v3;
	v6 =	vor.u32 v39, v37  }
0x1e6: {  	[tilespmem:$0x1FF80] =	vst v1;
	v1 =	vmul.f32 v62, v41  }
0x1e7: {  	[tilespmem:v55+s24+$0x0] =	vst.idx.msk $0xffff, v0  }
0x1e8: {  	v0 =	vadd.f32 v5, v1;
	v61 =	vld [tilespmem:$0x1FF20]  }
0x1e9: {  	v63 =	vld [tilespmem:$0x1FF30]  }
0x1ea: {  	v3 =	vld [tilespmem:s1+$0xFFFFFD10];
	[tilespmem:v6+s24+$0x0] =	vst.idx.msk $0xffff, v0  }
0x1eb: {  	v39 =	vld [tilespmem:$0x1FF40]  }
0x1ec: {  	v51 =	vld [tilespmem:s1+$0xFFFFFDD0]  }
0x1ed: {  	v55 =	vld [tilespmem:$0x1FF50]  }
0x1ee: {  	v5 =	vld [tilespmem:s1+$0xFFFFFE90];
	v1 =	vmul.f32 v4, v61;
	v56 =	vmul.f32 v52, v63  }
0x1ef: {  	v58 =	vmul.f32 v58, v17;
	v0 =	vld [tilespmem:s1+$0xFFFFFF50]  }
0x1f0: {  	v6 =	vor.u32 v31, v14;
	v62 =	vld [tilespmem:s1+$0xD0];
	v1 =	vadd.f32 v56, v1;
	v4 =	vmul.f32 v50, v39  }
0x1f1: {  	v42 =	vadd.f32 v60, v58;
	v60 =	vor.u32 v34, v43;
	v52 =	vmul.f32 v59, v15;
	v50 =	vld [tilespmem:s1+$0x10]  }
0x1f2: {  	v56 =	vmul.f32 v7, v55;
	v7 =	vld [tilespmem:s1+$0xFFFFFEF0];
	v1 =	vadd.f32 v1, v4  }
0x1f3: {  	v42 =	vadd.f32 v42, v52;
	v52 =	vld [tilespmem:s1+$0x70]  }
0x1f4: {  	v4 =	vld [tilespmem:s1+$0xFFFFFFB0];
	v1 =	vadd.f32 v1, v56  }
0x1f5: {  	v5 =	vmul.f32 v5, v48;
	v0 =	vmul.f32 v0, v49;
	[tilespmem:v6+s24+$0x0] =	vst.idx.msk $0xffff, v42;
	v6 =	vld [tilespmem:s1+$0xFFFFFD70]  }
0x1f6: {  	v3 =	vmul.f32 v3, v47;
	v42 =	vld [tilespmem:s1+$0x130];
	[tilespmem:v60+s24+$0x0] =	vst.idx.msk $0xffff, v1;
	v1 =	vmul.f32 v50, v54  }
0x1f7: {  	v0 =	vadd.f32 v0, v5;
	v58 =	vld [tilespmem:s0+$0xFFFFFD50];
	v50 =	vmul.f32 v62, v53;
	v60 =	vmul.f32 v7, v46  }
0x1f8: {  	v59 =	vor.u32 v34, v38;
	v52 =	vmul.f32 v52, v45;
	v7 =	vmul.f32 v51, v44;
	v51 =	vld [tilespmem:s1+$0xFFFFFE30]  }
0x1f9: {  	v56 =	vld [tilespmem:s0+$0xFFFFFE10];
	v4 =	vmul.f32 v4, v40;
	v1 =	vadd.f32 v50, v1;
	v0 =	vadd.f32 v0, v60  }
0x1fa: {  	v6 =	vmul.f32 v6, v35;
	v5 =	vld [tilespmem:s1+$0x260];
	v3 =	vadd.f32 v7, v3;
	v7 =	vor.u32 v34, v37  }
0x1fb: {  	v42 =	vmul.f32 v42, v41;
	v50 =	vld [tilespmem:s1+$0x1A0];
	v1 =	vadd.f32 v1, v52;
	v0 =	vadd.f32 v0, v4  }
0x1fc: {  	v60 =	vld [tilespmem:s1+$0x200];
	v3 =	vadd.f32 v3, v6;
	v6 =	vor.u32 v34, v29  }
0x1fd: {  	v4 =	vld [tilespmem:s1+$0x2C0];
	v51 =	vmul.f32 v51, v30;
	v1 =	vadd.f32 v1, v42;
	[tilespmem:v59+s24+$0x0] =	vst.idx.msk $0xffff, v0  }
0x1fe: {  	v0 =	vld [tilespmem:s1+$0xFFFFFEA0]  }
0x1ff: {  	v3 =	vadd.f32 v3, v51;
	[tilespmem:v7+s24+$0x0] =	vst.idx.msk $0xffff, v1;
	v1 =	vld [tilespmem:s1+$0xFFFFFF60]  }
0x200: {  	v5 =	vmul.f32 v5, v63;
	v7 =	vmul.f32 v50, v61;
	v42 =	vld [tilespmem:s1+$0x20]  }
0x201: {  	[tilespmem:v6+s24+$0x0] =	vst.idx.msk $0xffff, v3;
	v3 =	vld [tilespmem:s1+$0xE0]  }
0x202: {  	v6 =	vmul.f32 v60, v39;
	v52 =	vld [tilespmem:s1+$0x80];
	v5 =	vadd.f32 v5, v7  }
0x203: {  	v7 =	vld [tilespmem:s1+$0xFFFFFD20]  }
0x204: {  	v59 =	vor.u32 v33, v43;
	v4 =	vmul.f32 v4, v55;
	v5 =	vadd.f32 v5, v6;
	v6 =	vld [tilespmem:s1+$0xFFFFFF00]  }
0x205: {  	v51 =	vld [tilespmem:s1+$0xFFFFFDE0]  }
0x206: {  	v0 =	vmul.f32 v0, v48;
	v1 =	vmul.f32 v1, v49;
	v4 =	vadd.f32 v5, v4;
	v5 =	vld [tilespmem:s1+$0xFFFFFFC0]  }
0x207: {  	v60 =	vld [tilespmem:s1+$0xFFFFFD80]  }
0x208: {  	v50 =	vmul.f32 v42, v54;
	v3 =	vmul.f32 v3, v53;
	v42 =	vld [tilespmem:s1+$0x140];
	v0 =	vadd.f32 v1, v0  }
0x209: {  	v1 =	vmul.f32 v7, v47;
	[tilespmem:v59+s24+$0x0] =	vst.idx.msk $0xffff, v4;
	v59 =	vld [tilespmem:s0+$0xFFFFFF30];
	v6 =	vmul.f32 v6, v46  }
0x20a: {  	v7 =	vmul.f32 v51, v44;
	v3 =	vadd.f32 v3, v50;
	v4 =	vor.u32 v33, v38;
	v50 =	vld [tilespmem:s1+$0xFFFFFE40]  }
0x20b: {  	v52 =	vmul.f32 v52, v45;
	v51 =	vld [tilespmem:s1+$0x1B0];
	v0 =	vadd.f32 v0, v6;
	v5 =	vmul.f32 v5, v40  }
0x20c: {  	v1 =	vadd.f32 v7, v1;
	v7 =	vmul.f32 v60, v35;
	v6 =	vld [tilespmem:s1+$0x270]  }
0x20d: {  	v60 =	vor.u32 v33, v37;
	v3 =	vadd.f32 v3, v52;
	v52 =	vld [tilespmem:s0+$0xB0];
	v0 =	vadd.f32 v0, v5  }
0x20e: {  	v62 =	vmov v53;
	v53 =	vmul.f32 v42, v41;
	v42 =	vld [tilespmem:s1+$0x210]  }
0x20f: {  	v1 =	vadd.f32 v1, v7;
	v7 =	vor.u32 v33, v29;
	v33 =	vld [tilespmem:s1+$0x2D0];
	[tilespmem:v4+s24+$0x0] =	vst.idx.msk $0xffff, v0  }
0x210: {  	v34 =	vmov v61;
	v50 =	vmul.f32 v50, v30;
	v0 =	vadd.f32 v3, v53;
	v4 =	vld [tilespmem:s1+$0xFFFFFEB0]  }
0x211: {  	v3 =	vmul.f32 v51, v34;
	v53 =	vmul.f32 v6, v63;
	v6 =	vld [tilespmem:s1+$0xFFFFFF70]  }
0x212: {  	v1 =	vadd.f32 v1, v50;
	[tilespmem:v60+s24+$0x0] =	vst.idx.msk $0xffff, v0;
	v60 =	vld [tilespmem:s1+$0xFFFFFF10]  }
0x213: {  	v50 =	vmul.f32 v42, v39;
	v0 =	vld [tilespmem:s1+$0x30];
	v3 =	vadd.f32 v53, v3  }
0x214: {  	[tilespmem:v7+s24+$0x0] =	vst.idx.msk $0xffff, v1;
	v1 =	vld [tilespmem:s1+$0xF0]  }
0x215: {  	v5 =	vmul.f32 v33, v55;
	v7 =	vor.u32 v32, v43;
	v42 =	vld [tilespmem:s1+$0xFFFFFD30];
	v3 =	vadd.f32 v3, v50  }
0x216: {  	v50 =	vld [tilespmem:s1+$0xFFFFFDF0]  }
0x217: {  	v4 =	vmul.f32 v4, v48;
	v6 =	vmul.f32 v6, v49;
	v3 =	vadd.f32 v3, v5;
	v5 =	vld [tilespmem:s1+$0xFFFFFFD0]  }
0x218: {  	v51 =	vld [tilespmem:s1+$0x90]  }
0x219: {  	v0 =	vmul.f32 v0, v54;
	v4 =	vadd.f32 v6, v4;
	v6 =	vld [tilespmem:s1+$0x150]  }
0x21a: {  	v1 =	vmul.f32 v1, v62;
	[tilespmem:v7+s24+$0x0] =	vst.idx.msk $0xffff, v3;
	v3 =	vld [tilespmem:s1+$0xFFFFFD90];
	v7 =	vmul.f32 v60, v46  }
0x21b: {  	v33 =	vld [tilespmem:s0+$0xFFFFFDB0];
	v42 =	vmul.f32 v42, v47;
	v60 =	vor.u32 v32, v38;
	v50 =	vmul.f32 v50, v44  }
0x21c: {  	v0 =	vadd.f32 v1, v0;
	v1 =	vld [tilespmem:s1+$0x1C0];
	v4 =	vadd.f32 v4, v7;
	v5 =	vmul.f32 v5, v40  }
0x21d: {  	v51 =	vmul.f32 v51, v45;
	v7 =	vld [tilespmem:s1+$0xFFFFFE50]  }
0x21e: {  	v61 =	vmovc v54;
	v54 =	vor.u32 v32, v37;
	v42 =	vadd.f32 v50, v42;
	v50 =	vld [tilespmem:s1+$0x280];
	v4 =	vadd.f32 v4, v5  }
0x21f: {  	v0 =	vadd.f32 v0, v51;
	v51 =	vld [tilespmem:s1+$0x220];
	v6 =	vmul.f32 v6, v41;
	v3 =	vmul.f32 v3, v35  }
0x220: {  	[tilespmem:v60+s24+$0x0] =	vst.idx.msk $0xffff, v4;
	v4 =	vld [tilespmem:s1+$0x2E0]  }
0x221: {  	v0 =	vadd.f32 v0, v6;
	v3 =	vadd.f32 v42, v3;
	v42 =	vld [tilespmem:s0+$0xFFFFFFF0]  }
0x222: {  	v60 =	vor.u32 v32, v29;
	v6 =	vld [tilespmem:s1+$0xFFFFFEC0]  }
0x223: {  	v7 =	vmul.f32 v7, v30;
	[tilespmem:v54+s24+$0x0] =	vst.idx.msk $0xffff, v0;
	v0 =	vld [tilespmem:s1+$0xFFFFFF80]  }
0x224: {  	v5 =	vld [tilespmem:s1+$0xFFFFFF20]  }
0x225: {  	v23 =	vmul.f32 v56, v23;
	v56 =	vld [tilespmem:s1+$0xFFFFFFE0];
	v3 =	vadd.f32 v3, v7  }
0x226: {  	v1 =	vmul.f32 v1, v34;
	v54 =	vmov v34;
	v34 =	vld [tilespmem:s0+$0x170]  }
0x227: {  	v50 =	vmul.f32 v50, v63;
	v7 =	vld [tilespmem:s1+$0x40];
	[tilespmem:v60+s24+$0x0] =	vst.idx.msk $0xffff, v3  }
0x228: {  	v53 =	vmov v39;
	v60 =	vmul.f32 v51, v39;
	v39 =	vld [tilespmem:$0x1FF60]  }
0x229: {  	v1 =	vadd.f32 v50, v1;
	v3 =	vld [tilespmem:s1+$0x100]  }
0x22a: {  	v28 =	vmul.f32 v57, v28;
	v50 =	vor.u32 v31, v43;
	v4 =	vmul.f32 v4, v55;
	v32 =	vld [tilespmem:s1+$0xFFFFFD40]  }
0x22b: {  	v6 =	vmul.f32 v6, v48;
	v0 =	vmul.f32 v0, v49;
	v1 =	vadd.f32 v1, v60;
	v60 =	vld [tilespmem:$0x1FF70]  }
0x22c: {  	v22 =	vmul.f32 v58, v22;
	v51 =	vld [tilespmem:s1+$0xFFFFFE00];
	v5 =	vmul.f32 v5, v46  }
0x22d: {  	v57 =	vld [tilespmem:s1+$0xFFFFFDA0];
	v0 =	vadd.f32 v0, v6;
	v1 =	vadd.f32 v1, v4;
	v27 =	vmul.f32 v39, v27  }
0x22e: {  	v4 =	vmul.f32 v56, v40;
	v3 =	vmul.f32 v3, v62;
	v39 =	vld [tilespmem:$0x1FF80]  }
0x22f: {  	v0 =	vadd.f32 v0, v5;
	[tilespmem:v50+s24+$0x0] =	vst.idx.msk $0xffff, v1;
	v27 =	vadd.f32 v28, v27;
	v28 =	vld [tilespmem:s1+$0xA0]  }
0x230: {  	v1 =	vmul.f32 v7, v61;
	v7 =	vld [tilespmem:s1+$0x160];
	v25 =	vmul.f32 v60, v25;
	v60 =	vor.u32 v31, v38  }
0x231: {  	v6 =	vmul.f32 v32, v47;
	v58 =	vmul.f32 v51, v44;
	v50 =	vld [tilespmem:s0+$0xFFFFFE70]  }
0x232: {  	v32 =	vor.u32 v31, v37;
	v5 =	vld [tilespmem:s1+$0x1D0];
	v0 =	vadd.f32 v0, v4;
	v4 =	vmul.f32 v59, v20  }
0x233: {  	v59 =	vmul.f32 v33, v17;
	v1 =	vadd.f32 v3, v1;
	v3 =	vld [tilespmem:s1+$0xFFFFFE60];
	v6 =	vadd.f32 v58, v6  }
0x234: {  	v58 =	vld [tilespmem:s1+$0x2F0];
	v4 =	vadd.f32 v27, v4;
	v26 =	vmul.f32 v39, v26;
	v28 =	vmul.f32 v28, v45  }
0x235: {  	v51 =	vld [tilespmem:s1+$0x290];
	v7 =	vmul.f32 v7, v41;
	v39 =	vor.u32 v36, v18;
	[tilespmem:v60+s24+$0x0] =	vst.idx.msk $0xffff, v0  }
0x236: {  	v56 =	vld [tilespmem:s1+$0x230];
	v25 =	vadd.f32 v26, v25;
	v26 =	vmul.f32 v57, v35;
	v1 =	vadd.f32 v1, v28  }
0x237: {  	v15 =	vmul.f32 v50, v15;
	v5 =	vmul.f32 v5, v54;
	v57 =	vor.u32 v31, v29;
	v60 =	vld [tilespmem:s1+$0xFFFFFED0]  }
0x238: {  	v3 =	vmul.f32 v3, v30;
	v54 =	vld [tilespmem:s1+$0xFFFFFF30];
	v6 =	vadd.f32 v6, v26;
	v1 =	vadd.f32 v1, v7  }
0x239: {  	v0 =	vadd.f32 v23, v22;
	v55 =	vmul.f32 v58, v55;
	v58 =	vld [tilespmem:s1+$0xFFFFFFF0];
	v7 =	vmul.f32 v52, v21  }
0x23a: {  	v51 =	vmul.f32 v51, v63;
	v3 =	vadd.f32 v6, v3;
	[tilespmem:v32+s24+$0x0] =	vst.idx.msk $0xffff, v1;
	v1 =	vld [tilespmem:s1+$0xFFFFFF90]  }
0x23b: {  	v31 =	vor.u32 v36, v16;
	v0 =	vadd.f32 v0, v59;
	v6 =	vadd.f32 v25, v7;
	v33 =	vld [tilespmem:s1+$0x50]  }
0x23c: {  	v7 =	vmul.f32 v42, v19;
	[tilespmem:v57+s24+$0x0] =	vst.idx.msk $0xffff, v3;
	v42 =	vmul.f32 v34, v24;
	v3 =	vld [tilespmem:s1+$0x110]  }
0x23d: {  	v14 =	vor.u32 v36, v14;
	v5 =	vadd.f32 v51, v5;
	v0 =	vadd.f32 v0, v15;
	v52 =	vld [tilespmem:s1+$0xFFFFFE10]  }
0x23e: {  	v15 =	vmul.f32 v56, v53;
	v4 =	vadd.f32 v4, v7;
	v7 =	vld [tilespmem:s1+$0xFFFFFD50];
	v6 =	vadd.f32 v6, v42  }
0x23f: {  	v63 =	vor.u32 v36, v29;
	v56 =	vld [tilespmem:s1+$0xB0]  }
0x240: {  	v5 =	vadd.f32 v5, v15;
	[tilespmem:v39+s24+$0x0] =	vst.idx.msk $0xffff, v6;
	v6 =	vmul.f32 v60, v48  }
0x241: {  	v57 =	vld [tilespmem:s1+$0xFFFFFDB0];
	[tilespmem:v31+s24+$0x0] =	vst.idx.msk $0xffff, v4;
	v4 =	vmul.f32 v54, v46;
	v1 =	vmul.f32 v1, v49  }
0x242: {  	[tilespmem:v14+s24+$0x0] =	vst.idx.msk $0xffff, v0;
	v14 =	vld [tilespmem:s1+$0x170];
	v15 =	vmul.f32 v33, v61;
	v3 =	vmul.f32 v3, v62  }
0x243: {  	v0 =	vmul.f32 v7, v47;
	v7 =	vmul.f32 v52, v44;
	v1 =	vadd.f32 v1, v6;
	v6 =	vld [tilespmem:s1+$0xFFFFFE70]  }
0x244: {  	v59 =	vor.u32 v36, v43;
	v60 =	vmul.f32 v56, v45;
	v61 =	vmul.f32 v58, v40  }
0x245: {  	v3 =	vadd.f32 v3, v15;
	v0 =	vadd.f32 v7, v0;
	v7 =	vor.u32 v36, v38  }
0x246: {  	v62 =	vor.u32 v36, v37;
	v15 =	vmul.f32 v57, v35;
	v1 =	vadd.f32 v1, v4  }
0x247: {  	v5 =	vadd.f32 v5, v55;
	v14 =	vmul.f32 v14, v41;
	v3 =	vadd.f32 v3, v60  }
0x248: {  	p2 =	sne.s32 s28, $0x31;
	v0 =	vadd.f32 v0, v15;
	v1 =	vadd.f32 v1, v61;
	v6 =	vmul.f32 v6, v30  }
.Ltmp5:
0x249: {  	s17 =	sshll.u32 s29, $0x7;
	[tilespmem:v59+s24+$0x0] =	vst.idx.msk $0xffff, v5;
	v3 =	vadd.f32 v3, v14;
	(pc) =	sbr.rel @p2 .LBB2_4-.Ltmp5, $4  }
0x24a: {  	s31 =	sshrl.u32 s30, $0x2;
	s0 =	sadd.s32 s17, s11;
	v0 =	vadd.f32 v0, v6;
	[tilespmem:v7+s24+$0x0] =	vst.idx.msk $0xffff, v1  }
0x24b: {  	p0 =	por !p0, !p0;
	p1 =	por !p1, !p1;
	s0 =	sshrl.u32 s0, $0x3;
	[tilespmem:v62+s24+$0x0] =	vst.idx.msk $0xffff, v3  }
0x24c: {  	s29 =	smov.u32 s28;
	s0 =	sadd.s32 s7, s0;
	s1 =	sadd.s32 $0x185E0, s31;
	[tilespmem:v63+s24+$0x0] =	vst.idx.msk $0xffff, v0  }
0x24d: {  	[hbm4b:s0+s15] =	stream.strided.scatter [tilespmem:s1], [sflag:$0x2], $0x3000, s25, s15, $0x38;
	[tilespmem:$0x1E5E0] =	vst v63  }
0x24e: {  	s26 =	sadd.s32 $0x1, s26  }
0x24f: {  	_ =	swait.ge [sflag:s19], $0x3000;
	p0 =	sne.s32 s26, s12  }
.Ltmp6:
0x250: {  	[sflag:s19] =	ssyncset.done $0x0;
	(pc) =	sbr.rel @p0 .LBB2_1-.Ltmp6, $4  }
0x251: {  	[sflag:s19] =	ssyncadd.s32 $0xFFFFD000  }
0x252: {  	_ =	swait.ge [sflag:s19], $0x3000  }
0x253: {  	[sflag:s19] =	ssyncset.done $0x0  }
0x254: {  	v0 =	vld [tilespmem:$0x1FFF0];
	[sflag:s19] =	ssyncadd.s32 $0xFFFFD000  }
0x255: {  	_ =	sfence.sel $0x180000  }
0x256: {  	[bflag:$0x0] =	sbarrier.arrive $0xFFFF  }
0x257: {  	_ =	strace $0x9000004D  }
0x258: {  	s0 =	stileid.u32;
	[bflag:$0x2] =	sbarrier.arrive $0xFFFF  }
0x259: {  	p0 =	sne.s32 s0, $0x0;
	s0 =	rddreg [dreg:$0x2]  }
0x25a: {  	s0 =	sadd.s32 @!p0 $0x100000, s0  }
0x25b: {  	[sflag:s0] =	ssyncadd.tile.s32 @!p0 $0x1;
	_ =	shalt  }
.Lfunc_end2:
_tile_overlayer_lowered:
.L_overlay_start_2:
0x25c: {  	(tag) =	ssettag $0x2  }
0x25d: {  	s0 =	rddreg [dreg:$0x0];
	s2 =	stileid.u32  }
0x25e: {  	s1 =	rddreg [dreg:$0x1];
	p0 =	sne.s32 s2, $0x0  }
0x25f: {  	s3 =	rddreg [dreg:$0x2];
	[bflag:$0x3] =	sbarrier.arrive $0xFFFF;
	s2 =	simm.s32 @!p0 $0x1C03  }
0x260: {  	[timem:s3], [sflag:s2] =	dma.local @!p0 [hbm:s0], s1  }
0x261: {  	s0 =	simm.s32 @!p0 $0x3  }
0x262: {  	_ =	swait.ge @!p0 [sflag:s0], s1  }
0x263: {  	s1 =	ssub.s32 @!p0 $0x0, s1;
	[sflag:s0] =	ssyncset.done @!p0 $0x0  }
0x264: {  	[sflag:s0] =	ssyncadd.s32 @!p0 s1  }
0x265: {  	[bflag:$0x3] =	sbarrier.arrive $0xFFFF  }
0x266: {  	_ =	shalt  }

// kernel: sparse-core-data-format-call.cloned.1.call-start
scs
called_computation_lowered:
.L_overlay_start_0:
0x0: {  	s2 =	sld [smem:$0x3FD9]  }
0x1: {  	s3 =	sld [smem:$0x3FFE];
	_ =	sdelay $0x1  }
0x2: {  	s1 =	srdreg.scid  }
0x3: {  	s0 =	sand.u32 $0x1, s1  }
0x4: {  	s18 =	sshll.u32 s0, $0xA;
	s2 =	sadd.s32 s3, s2  }
0x5: {  	s2 =	sadd.s32 s2, s18  }
0x6: {  	[smem:$0x3FC6] =	sst s2  }
0x7: {  	_ = 	snop  }
0x8: {  	s2 =	sld [smem:$0x3FC9];
	(tm) =	ssettm $0x1  }
0x9: {  	s19 =	sld [smem:$0x3FFB];
	_ =	sdelay $0x3  }
0xa: {  	_ =	strace s19  }
0xb: {  	s3 =	sld [smem:$0x3FFC];
	_ =	sdelay $0x3  }
0xc: {  	_ =	strace s3  }
0xd: {  	s3 =	sld [smem:$0x3FFD];
	_ =	sdelay $0x3  }
0xe: {  	_ =	strace s3  }
0xf: {  	_ =	strace $0x8FFFFFFF  }
0x10: {  	s20 =	sld [smem:$0x3FDB];
	_ =	sdelay $0x1  }
0x11: {  	s4 =	simm.s32 $_scs_section_size  }
0x12: {  	s5 =	simm.s32 $_size__tile_overlayer_lowered;
	s6 =	simm.s32 $_tile_overlayer_lowered  }
0x13: {  	s23 =	simm.s32 $0x1BFF;
	s22 =	sshll.u32 s6, $0x1;
	s3 =	sadd.s32 s4, s20  }
0x14: {  	s7 =	simm.s32 $0x0;
	s21 =	sshll.u32 s5, $0x1;
	s5 =	sadd.s32 s22, s3  }
0x15: {  	[timem:s7], [sflag:s23] =	dma.local [hbm:s5], s21  }
0x16: {  	_ =	swait.ge [sflag:s23], s21  }
0x17: {  	s4 =	ssub.s32 $0x0, s21;
	[sflag:s23] =	ssyncset.done $0x0  }
0x18: {  	[sflag:s23] =	ssyncadd.s32 s4;
	_ =	sdelay $0x1  }
0x19: {  	s24 =	simm.s32 $0x1B8B  }
0x1a: {  	_ =	swait.ge [sflag:s24], $0x1  }
0x1b: {  	[sflag:s24] =	ssyncset.done $0x0  }
0x1c: {  	s26 =	simm.s32 $0x1B8E;
	s25 =	sld [smem:$0x3FFE];
	[sflag:s24] =	ssyncadd.s32 $0xFFFFFFFF  }
0x1d: {  	s27 =	simm.s32 $execute0_lowered;
	[smem:$0x3FD2] =	sst s26  }
0x1e: {  	s5 =	sshll.u32 s27, $0x1;
	_ =	strace $0x80000046;
	[dreg:$0x1] =	wrdreg $0xFFFFFFFF  }
0x1f: {  	s28 =	simm.s32 $_size_execute0_lowered;
	s3 =	sadd.s32 s3, s5;
	[dreg:$0x0] =	wrdreg $0x0  }
0x20: {  	s5 =	sshll.u32 s28, $0x1;
	[dreg:$0x2] =	wrdreg s3  }
0x21: {  	[dreg:$0x3] =	wrdreg s5  }
0x22: {  	[dreg:$0x4] =	wrdreg $0xC0  }
0x23: {  	_ =	task [dreg:s7], $0x5FFFF  }
0x24: {  	[dreg:$0x1] =	wrdreg $0xFFFFFFFF  }
0x25: {  	[dreg:$0x0] =	wrdreg $0x60  }
0x26: {  	[dreg:$0x2] =	wrdreg s2  }
0x27: {  	[dreg:$0x3] =	wrdreg s25  }
0x28: {  	[dreg:$0x4] =	wrdreg $0x9  }
0x29: {  	_ =	task.clear_ibuf [dreg:s7], $0x5FFFF;
	_ =	strace $0x90000046  }
0x2a: {  	s29 =	simm.s32 $0x9;
	_ =	strace $0x80000048  }
0x2b: {  	_ =	swait.ge [sflag:s29], $0x1  }
0x2c: {  	[sflag:s29] =	ssyncadd.s32 $0xFFFFFFFF  }
0x2d: {  	_ =	strace $0x90000048  }
0x2e: {  	_ =	sfence  }
0x2f: {  	s30 =	sld [smem:$0x0];
	_ =	sdelay $0x2  }
0x30: {  	s31 =	sshll.u32 s1, $0xD;
	s1 =	sshrl.u32 s1, $0x2  }
0x31: {  	s3 =	sand.u32 $0x4000, s31;
	s1 =	sadd.s32 s1, s30  }
0x32: {  	s0 =	sor.u32 s3, s0;
	s1 =	sshll.u32 s1, $0x11  }
0x33: {  	s0 =	sor.u32 s1, s0  }
0x34: {  	s0 =	sadd.s32 $0x8F2B, s0  }
0x35: {  	[sflag:s0] =	ssyncadd.remote.s32 $0x1  }
0x36: {  	_ =	sfence.sel $0xFFFF  }
0x37: {  	[dreg:$0x0] =	wrdreg $0xFFFFFFFF;
	(pc) =	sbr.abs _section_cstart, $3  }
0x38: {  	[dreg:$0x1] =	wrdreg $0xFFFFFFFF  }
0x39: {  	_ =	task.clear_ibuf [dreg:s7], $0x2FFFF;
	_ =	strace $0x9FFFFFFF  }
0x3a: {  	(tm) =	ssettm $0x7FFFFFFF  }
0x3b: {  	_ =	shalt  }
tec
execute0_lowered:
.L_overlay_start_1:
0x0: {  	(tag) =	ssettag $0x1  }
0x1: {  	s2 =	rddreg [dreg:$0x0]  }
0x2: {  	s1 =	rddreg [dreg:$0x1]  }
0x3: {  	s0 =	rddreg [dreg:$0x2];
	s4 =	srdreg.scid  }
0x4: {  	_ =	strace $0x80000047;
	s7 =	simm.s32 $0x2;
	s16 =	simm.s32 $0x0  }
0x5: {  	p0 =	por $0x0, $0x0;
	s14 =	simm.s32 $0x0;
	s13 =	simm.s32 $0x0  }
0x6: {  	s15 =	simm.s32 $0x0;
	s9 =	simm.s32 $0x0;
	s11 =	simm.s32 $0x0  }
.Ltmp0:
0x7: {  	s3 =	sadd.s32 $0xE00, s1;
	s4 =	sshll.u32 s4, $0x4;
	(pc) =	sbr.rel .LBB1_1-.Ltmp0, $4  }
0x8: {  	s1 =	stileid.u32;
	s5 =	sand.u32 $0x10, s4;
	s4 =	simm.s32 $0x1  }
0x9: {  	s8 =	simm.s32 $0x0;
	s6 =	sor.u32 s1, s5;
	[sflag:s4] =	ssyncpa.u1 $0x0  }
0xa: {  	s5 =	sand.u32 $0x3, s1;
	s6 =	sshrl.u32 s6, $0x2;
	[sflag:s7] =	ssyncpa.u1 $0x0  }
0xb: {  	s7 =	simm.s32 $0x24000;
	s12 =	smov.u32 s5;
	s10 =	smov.u32 s6  }
.LBB1_3:
0xc: {  	p1 =	seq.s32 s8, $0x0  }
0xd: {  	p2 =	seq.s32 @!p1 s8, $0x91  }
0xe: {  	p1 =	por p1, p2  }
.Ltmp1:
0xf: {  	_ = 	snop;
	(pc) =	sbr.rel @!p1 .LBB1_4-.Ltmp1, $1  }
0x10: {  	_ =	sdelay $0x3  }
.LBB1_7:
0x11: {  	s17 =	sadd.s32 $0x80, s9  }
0x12: {  	s13 =	sadd.s32 $0x8, s10;
	s18 =	smov.u32 s10;
	p2 =	sgt.s32 s17, $0x17F  }
0x13: {  	s18 =	smov.u32 @p2 s13  }
0x14: {  	s19 =	smov.u32 s11;
	s13 =	sadd.s32 $0x80, s11;
	p3 =	sgt.s32 s18, $0x17F  }
0x15: {  	s19 =	smov.u32 @p3 s13  }
0x16: {  	s20 =	smov.u32 s12;
	s13 =	sadd.s32 $0x4, s12;
	p4 =	sgt.s32 s19, $0x5F  }
0x17: {  	p1 =	slt.u32 s8, $0x2;
	s20 =	smov.u32 @p4 s13  }
0x18: {  	s8 =	sadd.s32 $0x1, s8;
	s17 =	simm.s32 @p2 $0x0;
	p2 =	sgt.s32 s20, $0x3  }
0x19: {  	s16 =	smov.u32 s9;
	s20 =	smov.u32 @p2 s5;
	p2 =	sne.s32 s8, $0x92  }
.Ltmp2:
0x1a: {  	s14 =	smov.u32 s10;
	s21 =	simm.s32 @!p1 $0x2;
	(pc) =	sbr.rel @!p2 .LBB1_8-.Ltmp2, $4  }
0x1b: {  	s15 =	smov.u32 s12;
	p0 =	por !p0, !p0;
	_ =	swait.ge @!p1 [sflag:s21], $0x4000  }
0x1c: {  	[sflag:s21] =	ssyncset.done @!p1 $0x0;
	s9 =	smov.u32 s17;
	s18 =	smov.u32 @p3 s6  }
0x1d: {  	[sflag:s21] =	ssyncadd.s32 @!p1 $0xFFFFC000;
	s10 =	smov.u32 s18;
	s19 =	simm.s32 @p4 $0x0  }
0x1e: {  	s13 =	smov.u32 s11;
	s11 =	smov.u32 s19;
	s12 =	smov.u32 s20  }
.LBB1_1:
0x1f: {  	p1 =	sgt.u32 s8, $0x8F  }
.Ltmp3:
0x20: {  	_ = 	snop;
	(pc) =	sbr.rel @p1 .LBB1_3-.Ltmp3, $1  }
0x21: {  	_ =	sdelay $0x3  }
0x22: {  	s17 =	sshrl.u32 s10, $0x3  }
0x23: {  	s18 =	sshll.u32 s9, $0x3;
	s17 =	smul.u32 $0xC00, s17  }
0x24: {  	s19 =	sshll.u32 s10, $0x7;
	s18 =	sand.u32 $0xFFFFFC00, s18  }
0x25: {  	s24 =	sand.u32 $0x380, s19;
	s17 =	sadd.s32 s17, s18  }
0x26: {  	s25 =	sand.u32 $0x7F, s9;
	s17 =	sor.u32 s24, s17  }
0x27: {  	p1 =	sgt.s32 s12, $0x3;
	s20 =	smov.u32 s12;
	s18 =	sor.u32 s25, s17  }
0x28: {  	s21 =	sshra.s32 s12, $0x1F;
	s22 =	sxor.u32 $0xFFFFFFFF, s8;
	s19 =	smulhi.u32 $0xAAAAAAAB, s18  }
0x29: {  	s28 =	sshra.s32 s11, $0x1F;
	s20 =	simm.s32 @!p1 $0x3;
	s21 =	sand.u32 s21, s12  }
0x2a: {  	s23 =	sshra.s32 s10, $0x1F;
	s20 =	ssub.s32 s20, s21;
	s19 =	sshrl.u32 s19, $0x8  }
0x2b: {  	s31 =	sshra.s32 s9, $0x1F;
	s27 =	sadd.s32 $0xFFFFFFFD, s20;
	s19 =	smul.u32 $0x180, s19  }
0x2c: {  	s26 =	sshll.u32 s22, $0xE;
	s22 =	sand.u32 s28, s11;
	p1 =	sgt.s32 s27, $0x0  }
0x2d: {  	s17 =	smulhi.u32 $0xAAAAAAAB, s17;
	s18 =	ssub.s32 s18, s19;
	s19 =	ssub.s32 $0x4, s20  }
0x2e: {  	s20 =	smov.u32 s11;
	s19 =	simm.s32 @p1 $0x0;
	p1 =	sgt.s32 s11, $0xFFFFFFE0  }
0x2f: {  	s23 =	sand.u32 s23, s10;
	s17 =	sshrl.u32 s17, $0x8;
	s20 =	simm.s32 @!p1 $0xFFFFFFE0  }
0x30: {  	p1 =	sgt.s32 s10, $0x17F;
	s20 =	ssub.s32 s20, s22;
	s22 =	smov.u32 s10  }
0x31: {  	s29 =	smulhi.u32 $0xAAAAAB, s17;
	s24 =	sadd.s32 $0x20, s20;
	s22 =	simm.s32 @!p1 $0x17F  }
0x32: {  	s20 =	ssub.s32 $0x60, s20;
	p1 =	sgt.s32 s24, $0x7F;
	s22 =	ssub.s32 s22, s23  }
0x33: {  	s23 =	smul.u32 $0x180, s29;
	s20 =	simm.s32 @p1 $0x0;
	s30 =	sadd.s32 $0xFFFFFE81, s22  }
0x34: {  	s19 =	smul.u32 s19, s20;
	p1 =	sgt.s32 s30, $0x0;
	s20 =	ssub.s32 $0x180, s22  }
0x35: {  	s22 =	smov.u32 s9;
	s20 =	simm.s32 @p1 $0x0;
	p1 =	sgt.s32 s9, $0x100  }
0x36: {  	s27 =	smul.u32 $0x4800, s11;
	s24 =	sand.u32 s31, s9;
	s22 =	simm.s32 @!p1 $0x100  }
0x37: {  	s17 =	ssub.s32 s17, s23;
	s19 =	smul.u32 s20, s19;
	s25 =	ssub.s32 s22, s24  }
0x38: {  	s20 =	sand.u32 $0x4000, s26;
	s26 =	smul.u32 $0x1B0000, s12;
	s22 =	sadd.s32 $0xFFFFFF00, s25  }
0x39: {  	s17 =	smul.u32 $0x30, s17;
	s21 =	ssub.s32 $0x180, s25;
	p1 =	sgt.s32 s22, $0x7F  }
.Ltmp4:
0x3a: {  	s23 =	sadd.s32 s2, s26;
	s21 =	simm.s32 @p1 $0x0;
	(pc) =	sbr.rel .LBB1_3-.Ltmp4, $4  }
0x3b: {  	s29 =	sand.u32 $0x7, s18;
	s28 =	sadd.s32 s27, s23;
	s19 =	smul.u32 s21, s19  }
0x3c: {  	s18 =	sshrl.u32 s18, $0x3;
	s30 =	sshll.u32 s29, $0x12;
	s17 =	sadd.s32 s17, s28  }
0x3d: {  	s31 =	sor.u32 $0x80, s30;
	s17 =	sadd.s32 s18, s17;
	s19 =	sand.u32 $0x3FFFFFFF, s19  }
0x3e: {  	[tilespmem:s20], [sflag:$0x1] =	stream.strided.gather [hbm4b:s17+s31], s19, s7, s31, $0x38;
	[tilespmem:$0x10100] =	vst v63  }
.LBB1_4:
0x3f: {  	p1 =	sgt.s32 s15, $0x3;
	s17 =	smov.u32 s15;
	s18 =	sshra.s32 s15, $0x1F  }
0x40: {  	s19 =	smov.u32 s13;
	s20 =	sshra.s32 s13, $0x1F;
	s25 =	sshra.s32 s14, $0x1F  }
0x41: {  	s17 =	simm.s32 @!p1 $0x3;
	s18 =	sand.u32 s18, s15;
	p1 =	sgt.s32 s13, $0xFFFFFFE0  }
0x42: {  	s23 =	sand.u32 s20, s13;
	s17 =	ssub.s32 s17, s18;
	s19 =	simm.s32 @!p1 $0xFFFFFFE0  }
0x43: {  	s27 =	sshra.s32 s16, $0x1F;
	s24 =	sadd.s32 $0xFFFFFFFD, s17;
	s18 =	ssub.s32 s19, s23  }
0x44: {  	s17 =	ssub.s32 $0x4, s17;
	p1 =	sgt.s32 s24, $0x0;
	s19 =	sadd.s32 $0x20, s18  }
0x45: {  	s18 =	ssub.s32 $0x60, s18;
	s17 =	simm.s32 @p1 $0x0;
	p1 =	sgt.s32 s19, $0x7F  }
0x46: {  	s19 =	smov.u32 s14;
	s18 =	simm.s32 @p1 $0x0;
	p1 =	sgt.s32 s14, $0x17F  }
0x47: {  	s26 =	sand.u32 s25, s14;
	s17 =	smul.u32 s17, s18;
	s19 =	simm.s32 @!p1 $0x17F  }
0x48: {  	p1 =	sgt.s32 s16, $0x100;
	s18 =	ssub.s32 s19, s26;
	s19 =	smov.u32 s16  }
0x49: {  	s20 =	sand.u32 s27, s16;
	s21 =	sadd.s32 $0xFFFFFE81, s18;
	s19 =	simm.s32 @!p1 $0x100  }
0x4a: {  	s18 =	ssub.s32 $0x180, s18;
	p1 =	sgt.s32 s21, $0x0;
	s19 =	ssub.s32 s19, s20  }
0x4b: {  	s18 =	simm.s32 @p1 $0x0;
	s20 =	sadd.s32 $0xFFFFFF00, s19  }
0x4c: {  	s17 =	smul.u32 s18, s17;
	p1 =	sgt.s32 s20, $0x7F;
	s18 =	ssub.s32 $0x180, s19  }
0x4d: {  	s18 =	simm.s32 @p1 $0x0  }
0x4e: {  	s17 =	smul.u32 s18, s17;
	_ =	sdelay $0x1  }
0x4f: {  	s18 =	simm.s32 $0x1;
	s17 =	sand.u32 $0x3FFFFFFF, s17  }
0x50: {  	s18 =	simm.s32 @!p0 $0x0;
	_ =	swait.ge [sflag:s4], s17  }
0x51: {  	s28 =	sshll.u32 s18, $0xE;
	s17 =	ssub.s32 $0x0, s17;
	[sflag:s4] =	ssyncset.done $0x0  }
0x52: {  	s29 =	sor.u32 $0x40, s28;
	[sflag:s4] =	ssyncadd.s32 s17  }
0x53: {  	s30 =	smul.u32 $0x10200, s18;
	v0 =	vld [tilespmem:s29+$0x30]  }
0x54: {  	v1 =	vld [tilespmem:s29+$0xFFFFFFD0]  }
0x55: {  	s17 =	sshrl.u32 s30, $0x2;
	v5 =	vld [tilespmem:s29+$0xFFFFFFE0]  }
0x56: {  	s18 =	sor.u32 $0x8000, s17;
	v6 =	vld [tilespmem:s29+$0xFFFFFFF0]  }
0x57: {  	s31 =	sand.u32 $0x1, s8;
	v4 =	vld [tilespmem:s29+$0x0];
	s19 =	sadd.s32 $0x0, s18  }
0x58: {  	s17 =	smul.u32 $0x10200, s31;
	v2 =	vld [tilespmem:s29+$0x10];
	[tilespmem:s19+$0x3870 ss:$0x81] =	vst.msk $0xffff, v0  }
0x59: {  	v3 =	vld [tilespmem:s29+$0x20];
	[tilespmem:s19+$0x810 ss:$0x81] =	vst.msk $0xffff, v1  }
0x5a: {  	s20 =	sadd.s32 $0x80, s29;
	s17 =	sshrl.u32 s17, $0x2;
	v0 =	vld [tilespmem:s29+$0xFFFFFFC0];
	[tilespmem:s19+$0x1020 ss:$0x81] =	vst.msk $0xffff, v5  }
0x5b: {  	s22 =	simm.s32 $0x8;
	s21 =	simm.s32 $0x4;
	s17 =	sor.u32 $0x8000, s17;
	v1 =	vld [tilespmem:s20+$0x30];
	[tilespmem:s19+$0x1830 ss:$0x81] =	vst.msk $0xffff, v6  }
.LBB1_5:
0x5c: {  	p1 =	sne.s32 s22, $0x1FC;
	v5 =	vld [tilespmem:s20+$0xFFFFFFD0];
	[tilespmem:s19+$0x2040 ss:$0x81] =	vst.msk $0xffff, v4  }
0x5d: {  	v6 =	vld [tilespmem:s20+$0xFFFFFFE0];
	[tilespmem:s19+$0x2850 ss:$0x81] =	vst.msk $0xffff, v2  }
0x5e: {  	s23 =	sshra.s32 s21, $0x2;
	s21 =	smov.u32 s22;
	v7 =	vld [tilespmem:s20+$0xFFFFFFF0];
	[tilespmem:s19+$0x3060 ss:$0x81] =	vst.msk $0xffff, v3  }
.Ltmp5:
0x5f: {  	v4 =	vld [tilespmem:s20+$0x0];
	[tilespmem:s19+$0x0 ss:$0x81] =	vst.msk $0xffff, v0;
	s19 =	sadd.s32 s23, s18;
	(pc) =	sbr.rel @p1 .LBB1_5-.Ltmp5, $4  }
0x60: {  	v2 =	vld [tilespmem:s20+$0x10];
	[tilespmem:s19+$0x3870 ss:$0x81] =	vst.msk $0xffff, v1  }
0x61: {  	[tilespmem:s19+$0x810 ss:$0x81] =	vst.msk $0xffff, v5;
	v3 =	vld [tilespmem:s20+$0x20]  }
0x62: {  	v0 =	vld [tilespmem:s20+$0xFFFFFFC0];
	[tilespmem:s19+$0x1020 ss:$0x81] =	vst.msk $0xffff, v6;
	s20 =	sadd.s32 $0x80, s20  }
0x63: {  	s22 =	sadd.s32 $0x4, s22;
	v1 =	vld [tilespmem:s20+$0x30];
	[tilespmem:s19+$0x1830 ss:$0x81] =	vst.msk $0xffff, v7  }
0x64: {  	s16 =	sshll.u32 s16, $0x7;
	s22 =	sshll.u32 s13, $0x3;
	v5 =	vld [tilespmem:s20+$0xFFFFFFD0];
	[tilespmem:s19+$0x2040 ss:$0x81] =	vst.msk $0xffff, v4  }
0x65: {  	v58 =	vld [tilespmem:s20+$0xFFFFFFE0];
	s23 =	sand.u32 $0xFFFFFC00, s16;
	s22 =	sand.u32 $0xFFFFFC00, s22;
	[tilespmem:s19+$0x2850 ss:$0x81] =	vst.msk $0xffff, v2  }
0x66: {  	s21 =	sshra.s32 s21, $0x2;
	v59 =	vld [tilespmem:s20+$0xFFFFFFF0];
	s16 =	sand.u32 $0x380, s16;
	s22 =	sadd.s32 s22, s23;
	[tilespmem:s19+$0x3060 ss:$0x81] =	vst.msk $0xffff, v3  }
0x67: {  	v60 =	vld [tilespmem:s20+$0x0];
	s18 =	sadd.s32 s21, s18;
	s16 =	sor.u32 s16, s22;
	[tilespmem:s19+$0x0 ss:$0x81] =	vst.msk $0xffff, v0  }
0x68: {  	v61 =	vld [tilespmem:s20+$0x10];
	s15 =	smul.u32 $0x240000, s15;
	s16 =	sshrl.u32 s16, $0x7;
	[tilespmem:s18+$0x3870 ss:$0x81] =	vst.msk $0xffff, v1  }
0x69: {  	v62 =	vld [tilespmem:s20+$0x20];
	s27 =	smulhi.u32 $0xAAAAAB, s16;
	[tilespmem:s18+$0x810 ss:$0x81] =	vst.msk $0xffff, v5  }
0x6a: {  	v63 =	vld [tilespmem:s20+$0xFFFFFFC0];
	s14 =	smul.u32 $0x1800, s14;
	[tilespmem:s18+$0x1020 ss:$0x81] =	vst.msk $0xffff, v58  }
0x6b: {  	[tilespmem:s18+$0x1830 ss:$0x81] =	vst.msk $0xffff, v59;
	s19 =	smul.u32 $0x180, s27  }
.Ltmp6:
0x6c: {  	s28 =	sshrl.u32 s13, $0x3;
	s15 =	sadd.s32 s3, s15;
	[tilespmem:s18+$0x2040 ss:$0x81] =	vst.msk $0xffff, v60;
	(pc) =	sbr.rel .LBB1_7-.Ltmp6, $4  }
0x6d: {  	s29 =	sand.u32 $0xF, s28;
	s14 =	sadd.s32 s14, s15;
	[tilespmem:s18+$0x2850 ss:$0x81] =	vst.msk $0xffff, v61;
	s16 =	ssub.s32 s16, s19  }
0x6e: {  	s14 =	sadd.s32 s29, s14;
	[tilespmem:s18+$0x3060 ss:$0x81] =	vst.msk $0xffff, v62;
	s30 =	sshll.u32 s16, $0x4  }
0x6f: {  	s31 =	sand.u32 $0x7, s13;
	[tilespmem:s18+$0x0 ss:$0x81] =	vst.msk $0xffff, v63;
	s14 =	sadd.s32 s30, s14  }
0x70: {  	[hbm4b:s14+s31] =	stream.linear.scatter [tilespmem:s17], [sflag:$0x2], $0x4000, $0x20;
	[tilespmem:$0x10100] =	vst v63  }
.LBB1_8:
0x71: {  	_ =	sfence.sel $0x180000  }
0x72: {  	s2 =	simm.s32 $0x1;
	[bflag:$0x0] =	sbarrier.arrive $0xFFFF  }
0x73: {  	s31 =	simm.s32 $0x2;
	[sflag:s2] =	ssyncpa.u1 $0x1  }
0x74: {  	[sflag:s31] =	ssyncpa.u1 $0x1  }
0x75: {  	p0 =	sne.s32 s1, $0x0;
	_ =	strace $0x90000047  }
0x76: {  	s0 =	sadd.s32 @!p0 $0x100000, s0;
	[bflag:$0x2] =	sbarrier.arrive $0xFFFF  }
0x77: {  	[sflag:s0] =	ssyncadd.tile.s32 @!p0 $0x1;
	_ =	shalt  }
.Lfunc_end1:
_tile_overlayer_lowered:
.L_overlay_start_2:
0x78: {  	(tag) =	ssettag $0x2  }
0x79: {  	s0 =	rddreg [dreg:$0x0];
	s2 =	stileid.u32  }
0x7a: {  	s1 =	rddreg [dreg:$0x1];
	p0 =	sne.s32 s2, $0x0  }
0x7b: {  	s3 =	rddreg [dreg:$0x2];
	[bflag:$0x3] =	sbarrier.arrive $0xFFFF;
	s2 =	simm.s32 @!p0 $0x1C01  }
0x7c: {  	[timem:s3], [sflag:s2] =	dma.local @!p0 [hbm:s0], s1  }
0x7d: {  	s0 =	simm.s32 @!p0 $0x1  }
0x7e: {  	_ =	swait.ge @!p0 [sflag:s0], s1  }
0x7f: {  	s1 =	ssub.s32 @!p0 $0x0, s1;
	[sflag:s0] =	ssyncset.done @!p0 $0x0  }
0x80: {  	[sflag:s0] =	ssyncadd.s32 @!p0 s1  }
0x81: {  	[bflag:$0x3] =	sbarrier.arrive $0xFFFF  }
0x82: {  	_ =	shalt  }

</sc_bundles>
